<compile_context>
chip_gen: v7x
topology: tpu7x:2x2x1
jax: 0.10.2.dev20260603
libtpu: 0.0.44.dev20260713+nightly
codegen_flags: <defaults>
</compile_context>

<pallas_src>
import functools

import jax
import jax.numpy as jnp
from jax import lax
from jax.experimental import pallas as pl
from jax.experimental.pallas import tpu as pltpu
from jax.experimental.pallas import tpu_sc as plsc

ROWS, COLS = 2048, 4096
NUM_ZERO = 2048
LANES = 16
NCHUNK = COLS // LANES
NWORKERS = 32
ROWS_PER_WORKER = ROWS // NWORKERS
NBUCKET = 256
NGROUP = NBUCKET // LANES
GROUPS = 4
GCH = NCHUNK // GROUPS
BLK = GCH * LANES + LANES
UNROLL = 8
SIG_SCALE = 0.8 / (2.0 / 3.0)
TC_BLOCK_ROWS = 128
I32_MIN = -2147483648
I32_MAX = 2147483647
MAX_ROUNDS = 64


def _keys_from_bits(b):
    return b ^ ((b >> 31) & 0x7FFFFFFF)


def _sc_body(z_hbm, thr_hbm, row_v, key_v, cand_a, cand_b, hist_v, out_v):
    cid = lax.axis_index("c")
    sid = lax.axis_index("s")
    wid = sid * 2 + cid
    base_row = wid * ROWS_PER_WORKER
    ones = jnp.ones((LANES,), jnp.int32)
    zeros = jnp.zeros((LANES,), jnp.int32)
    lane_iota = lax.iota(jnp.int32, LANES)
    lane_base = lane_iota * NBUCKET

    def group_counts(g):
        acc = hist_v[pl.ds(g * LANES, LANES)]
        for l in range(1, LANES):
            acc = acc + hist_v[pl.ds(l * NBUCKET + g * LANES, LANES)]
        return acc

    def select_round(src, dst, n, t):
        sample = src[pl.ds(0, LANES)]
        ss, _ = plsc.sort_key_val(sample, sample)
        p1, p2, p3 = ss[4], ss[8], ss[12]
        nch = (n + LANES - 1) >> 4

        def cbody(j, accs):
            a1, a2, a3, e1, e2, e3 = accs
            k = src[pl.ds(j * LANES, LANES)]
            k = jnp.where(lane_iota < (n - j * LANES), k, I32_MAX)
            a1 = a1 + (k < p1).astype(jnp.int32)
            a2 = a2 + (k < p2).astype(jnp.int32)
            a3 = a3 + (k < p3).astype(jnp.int32)
            e1 = e1 + (k == p1).astype(jnp.int32)
            e2 = e2 + (k == p2).astype(jnp.int32)
            e3 = e3 + (k == p3).astype(jnp.int32)
            return a1, a2, a3, e1, e2, e3

        accs = lax.fori_loop(0, nch, cbody, (zeros,) * 6)
        clt1, clt2, clt3 = (jnp.sum(a) for a in accs[:3])
        ceq1, ceq2, ceq3 = (jnp.sum(a) for a in accs[3:])
        cle1 = clt1 + ceq1
        cle2 = clt2 + ceq2
        cle3 = clt3 + ceq3

        in1 = jnp.logical_and(t > clt1, t <= cle1)
        in2 = jnp.logical_and(t > clt2, t <= cle2)
        in3 = jnp.logical_and(t > clt3, t <= cle3)
        done = jnp.logical_or(in1, jnp.logical_or(in2, in3))
        ans = jnp.where(t <= cle1, p1, jnp.where(t <= cle2, p2, p3))
        lo = jnp.where(t <= clt1, I32_MIN,
                       jnp.where(t <= clt2, p1,
                                 jnp.where(t <= clt3, p2, p3)))
        hi = jnp.where(t <= clt1, p1,
                       jnp.where(t <= clt2, p2,
                                 jnp.where(t <= clt3, p3, I32_MAX)))
        below = jnp.where(t <= clt1, 0,
                          jnp.where(t <= clt2, cle1,
                                    jnp.where(t <= clt3, cle2, cle3)))

        def compact(j, ptr):
            k = src[pl.ds(j * LANES, LANES)]
            m = jnp.logical_and(lane_iota < (n - j * LANES),
                                jnp.logical_and(k > lo, k < hi))
            plsc.store_compressed(dst.at[pl.ds(ptr, LANES)], k, mask=m)
            return ptr + plsc.all_reduce_population_count(m)[0]

        ptr = lax.fori_loop(0, nch, compact, jnp.int32(0))
        n2 = jnp.where(done, 1, ptr)
        t2 = jnp.where(done, 1, t - below)
        return n2, t2, done.astype(jnp.int32), ans

    def row_threshold(row):
        pltpu.sync_copy(z_hbm.at[row], row_v)

        for c in range(NBUCKET * LANES // LANES):
            hist_v[pl.ds(c * LANES, LANES)] = zeros

        def pass1(jo, _):
            for ji in range(UNROLL):
                j = jo * UNROLL + ji
                z = row_v[pl.ds(j * LANES, LANES)]
                b = lax.bitcast_convert_type(z, jnp.int32)
                k = _keys_from_bits(b)
                key_v[pl.ds(j * LANES, LANES)] = k
                bk = ((k >> 24) + 128) + lane_base
                plsc.addupdate_scatter(hist_v, [bk], ones)
            return 0

        lax.fori_loop(0, NCHUNK // UNROLL, pass1, 0)

        kt = jnp.int32(NUM_ZERO)

        def scan_group(g, carry):
            found, selg, cumsel, cum = carry
            h = group_counts(g)
            cs = plsc.cumsum(h)
            tot = cs[15]
            need = kt - cum
            ff = plsc.all_reduce_population_count(cs < need)[0]
            hit = (1 - found) * jnp.where(ff < LANES, 1, 0)
            selg = jnp.where(hit == 1, g, selg)
            cumsel = jnp.where(hit == 1, cum, cumsel)
            found = jnp.where(ff < LANES, 1, found)
            cum = cum + tot
            return found, selg, cumsel, cum

        _, selg, cumsel, _ = lax.fori_loop(
            0, NGROUP, scan_group,
            (jnp.int32(0), jnp.int32(0), jnp.int32(0), jnp.int32(0)))

        h = group_counts(selg)
        cs = plsc.cumsum(h)
        need = kt - cumsel
        pref_mask = cs < need
        ff = plsc.all_reduce_population_count(pref_mask)[0]
        below_in = jnp.sum(jnp.where(pref_mask, h, 0))
        sel = selg * LANES + ff
        prefix = sel - 128
        t = kt - (cumsel + below_in)

        def compact1(jj, ptrs):
            new_ptrs = []
            for gi in range(GROUPS):
                ptr = ptrs[gi]
                j = gi * GCH + jj
                k = key_v[pl.ds(j * LANES, LANES)]
                pm = (k >> 24) == prefix
                plsc.store_compressed(
                    cand_b.at[pl.ds(gi * BLK + ptr, LANES)], k, mask=pm)
                new_ptrs.append(
                    ptr + plsc.all_reduce_population_count(pm)[0])
            return tuple(new_ptrs)

        ptrs = lax.fori_loop(0, GCH, compact1, (jnp.int32(0),) * GROUPS)

        q = jnp.int32(0)
        for gi in range(GROUPS):
            s_gi = ptrs[gi]

            def mcopy(c, _, gi=gi, q=q):
                cand_a[pl.ds(q + c * LANES, LANES)] = \
                    cand_b[pl.ds(gi * BLK + c * LANES, LANES)]
                return 0

            lax.fori_loop(0, (s_gi + LANES - 1) >> 4, mcopy, 0)
            q = q + s_gi
        n = q

        def wcond(c):
            n, t, done, ans, it = c
            return jnp.logical_and(
                done == 0, jnp.logical_and(n > LANES, it < MAX_ROUNDS))

        def wbody(c):
            n, t, done, ans, it = c
            n2, t2, d2, a2 = select_round(cand_a, cand_b, n, t)

            def copyb(j, _):
                cand_a[pl.ds(j * LANES, LANES)] = \
                    cand_b[pl.ds(j * LANES, LANES)]
                return 0

            lax.fori_loop(0, (n2 + LANES - 1) >> 4, copyb, 0)
            return n2, t2, d2, jnp.where(d2 == 1, a2, ans), it + 1

        n, t, done, ans, _ = lax.while_loop(
            wcond, wbody, (n, t, jnp.int32(0), jnp.int32(0), jnp.int32(0)))

        s = jnp.where(lane_iota < n, cand_a[pl.ds(0, LANES)], I32_MAX)
        ssort, _ = plsc.sort_key_val(s, s)
        pick = jnp.sum(jnp.where(lane_iota == (t - 1), ssort, 0))
        return jnp.where(done == 1, ans, pick)

    def group_body(g, _):
        def row_body(i, acc):
            kth = row_threshold(base_row + g * LANES + i)
            return jnp.where(lane_iota == i, kth, acc)

        acc = lax.fori_loop(0, LANES, row_body, zeros)
        out_v[pl.ds(g * LANES, LANES)] = acc
        return 0

    lax.fori_loop(0, ROWS_PER_WORKER // LANES, group_body, 0)
    pltpu.sync_copy(out_v, thr_hbm.at[pl.ds(base_row, ROWS_PER_WORKER)])


_sc_thresholds = functools.partial(
    pl.kernel,
    mesh=plsc.VectorSubcoreMesh(core_axis_name="c", subcore_axis_name="s"),
    out_type=jax.ShapeDtypeStruct((ROWS,), jnp.int32),
    compiler_params=pltpu.CompilerParams(needs_layout_passes=False),
    scratch_types=[
        pltpu.VMEM((COLS,), jnp.float32),
        pltpu.VMEM((COLS + LANES,), jnp.int32),
        pltpu.VMEM((COLS + LANES,), jnp.int32),
        pltpu.VMEM((GROUPS * BLK,), jnp.int32),
        pltpu.VMEM((NBUCKET * LANES,), jnp.int32),
        pltpu.VMEM((ROWS_PER_WORKER,), jnp.int32),
    ],
)(_sc_body)


def _tc_body(z_ref, thr_ref, o_ref):
    z = z_ref[...]
    b = lax.bitcast_convert_type(z, jnp.int32)
    k = _keys_from_bits(b)
    kth = thr_ref[...]
    sig = jax.nn.sigmoid(z * jnp.float32(SIG_SCALE))
    o_ref[...] = jnp.where(k <= kth, jnp.float32(0.0), sig)


@jax.jit
def _impl(z):
    thr = _sc_thresholds(z)
    out = pl.pallas_call(
        _tc_body,
        grid=(ROWS // TC_BLOCK_ROWS,),
        in_specs=[
            pl.BlockSpec((TC_BLOCK_ROWS, COLS), lambda i: (i, 0)),
            pl.BlockSpec((TC_BLOCK_ROWS, 1), lambda i: (i, 0)),
        ],
        out_specs=pl.BlockSpec((TC_BLOCK_ROWS, COLS), lambda i: (i, 0)),
        out_shape=jax.ShapeDtypeStruct((ROWS, COLS), jnp.float32),
    )(z, thr.reshape(ROWS, 1))
    return out


def kernel(z_loga):
    return _impl(z_loga)

# --- scband reference (transcript-rebuilt; emitter-appended) ---
"""Pipeline reference for scband-mask-53034256171571 (READ-ONLY COPY).

The authoritative reference and input builder live on the scoring server;
editing this copy changes nothing except your own understanding.
"""

import jax, jax.numpy as jnp
import numpy as np

LIMIT_A = -0.1
LIMIT_B = 1.1
TEMPERATURE = 2.0 / 3.0
MAGICAL_NUMBER = 0.8
MASK_SHAPE = (2048, 4096)
MASK_OUTPUT_SHAPE = (2048, 4096)
MASK_SIZE = MASK_SHAPE[-1]
TARGET_MASK_SIZE = 2048
NUM_ZEROS = max(0, MASK_SIZE - TARGET_MASK_SIZE)


def setup_inputs(seed: int = 0) -> dict:
    key = jax.random.key(seed)
    # z_loga is initialized as normal(mean=0, std=0.01) in the torch module
    z_loga = jax.random.normal(key, MASK_SHAPE, dtype=jnp.float32) * 0.01
    return {"z_loga": z_loga}


def reference(z_loga):
    # Eval-mode deterministic_z path (eval_target_model=True):
    # per-row: soft_mask = sigmoid(z_loga / temperature * magical_number),
    # then zero out the NUM_ZEROS entries with smallest z_loga (topk largest=False).
    def _deterministic_z_row(z_row):
        soft_mask = jax.nn.sigmoid(z_row / TEMPERATURE * MAGICAL_NUMBER)
        if NUM_ZEROS > 0:
            _, indices = jax.lax.top_k(-z_row, NUM_ZEROS)
            soft_mask = soft_mask.at[indices].set(0.0)
        return soft_mask

    z2d = z_loga.reshape(-1, z_loga.shape[-1])
    z = jax.vmap(_deterministic_z_row)(z2d)
    return z.reshape(MASK_OUTPUT_SHAPE)

if __name__ == "__main__":
    import jax
    _d = setup_inputs()
    print(jax.jit(kernel)(*tuple(_d.values())))

</pallas_src>

<mosaic_0001>
#map = affine_map<(d0, d1) -> (0, 0)>
#map1 = affine_map<(d0, d1) -> (0)>
module attributes {stable_mosaic.version = 14 : i64} {
  func.func @_sc_body(%arg0: i32, %arg1: i32, %arg2: memref<2048x4096xf32, #tpu.memory_space<hbm>>, %arg3: memref<2048xi32, #tpu.memory_space<hbm>>, %arg4: memref<4096xf32, #tpu.memory_space<vmem>>, %arg5: memref<4112xi32, #tpu.memory_space<vmem>>, %arg6: memref<4112xi32, #tpu.memory_space<vmem>>, %arg7: memref<4160xi32, #tpu.memory_space<vmem>>, %arg8: memref<4096xi32, #tpu.memory_space<vmem>>, %arg9: memref<64xi32, #tpu.memory_space<vmem>>) attributes {dimension_semantics = [#tpu.dimension_semantics<core_parallel>, #tpu.dimension_semantics<subcore_parallel>], iteration_bounds = array<i64: 2, 16>, scalar_prefetch = 0 : i64, scratch_operands = 6 : i64, tpu.core_type = #tpu.core_type<sc_vector_subcore>, window_params = [{transform_indices = #map}, {transform_indices = #map1}]} {
    %mul3A = arith.constant 2 : i32
    %mul3A_0 = arith.muli %arg1, %mul3A : i32
    %add3A = arith.addi %mul3A_0, %arg0 : i32
    %mul3A_1 = arith.constant 64 : i32
    %mul3A_2 = arith.muli %add3A, %mul3A_1 : i32
    %broadcast_in_dim3A = arith.constant 1 : i32
    %broadcast_in_dim3A_3 = vector.broadcast %broadcast_in_dim3A : i32 to vector<16xi32>
    %broadcast_in_dim3A_4 = arith.constant 0 : i32
    %broadcast_in_dim3A_5 = vector.broadcast %broadcast_in_dim3A_4 : i32 to vector<16xi32>
    %iota3A = tpu.iota {dimensions = array<i32: 0>} : vector<16xi32>
    %mul3A_6 = arith.constant 256 : i32
    %mul3A_7 = vector.broadcast %mul3A_6 : i32 to vector<16xi32>
    %mul3A_8 = arith.muli %iota3A, %mul3A_7 : vector<16xi32>
    %scan3A = arith.constant 0 : i32
    %scan3A_9 = arith.constant 0 : i32
    %scan3A_10 = arith.constant 4 : i32
    %scan3A_11 = arith.addi %scan3A_9, %scan3A_10 : i32
    %scan3A_12 = arith.constant 1 : i32
    %scan3A_13 = scf.for %scan3A_15 = %scan3A_9 to %scan3A_11 step %scan3A_12 iter_args(%scan3A_16 = %scan3A) -> (i32)  : i32 {
      %scan3A_17 = arith.constant 0 : i32
      %scan3A_18 = arith.constant 16 : i32
      %scan3A_19 = arith.addi %scan3A_17, %scan3A_18 : i32
      %scan3A_20 = arith.constant 1 : i32
      %scan3A_21 = scf.for %scan3A_27 = %scan3A_17 to %scan3A_19 step %scan3A_20 iter_args(%scan3A_28 = %broadcast_in_dim3A_5) -> (vector<16xi32>)  : i32 {
        %mul3A_29 = arith.constant 16 : i32
        %mul3A_30 = arith.muli %scan3A_15, %mul3A_29 : i32
        %add3A_31 = arith.addi %mul3A_2, %mul3A_30 : i32
        %add3A_32 = arith.addi %add3A_31, %scan3A_27 : i32
        "tpu.region"() ({
          %run_scoped3A = tpu.sem_alloc : memref<!tpu.dma_semaphore, #tpu.memory_space<semaphore_mem>>
          %dma_start3A = arith.constant 0 : i32
          %dma_start3A_808 = tpu.memref_slice %arg2[%add3A_32, %dma_start3A] : memref<2048x4096xf32, #tpu.memory_space<hbm>> -> memref<1x4096xf32, #tpu.memory_space<hbm>>
          %dma_start3A_809 = tpu.memref_squeeze %dma_start3A_808 : memref<1x4096xf32, #tpu.memory_space<hbm>> -> memref<4096xf32, #tpu.memory_space<hbm>>
          %dma_start3A_810 = arith.constant 0 : i32
          %dma_start3A_811 = tpu.memref_slice %arg2[%add3A_32, %dma_start3A_810] : memref<2048x4096xf32, #tpu.memory_space<hbm>> -> memref<1x4096xf32, #tpu.memory_space<hbm>>
          %dma_start3A_812 = tpu.memref_squeeze %dma_start3A_811 : memref<1x4096xf32, #tpu.memory_space<hbm>> -> memref<4096xf32, #tpu.memory_space<hbm>>
          tpu.enqueue_dma source(%dma_start3A_812 : memref<4096xf32, #tpu.memory_space<hbm>>) target(%arg4 : memref<4096xf32, #tpu.memory_space<vmem>>) target_semaphore(%run_scoped3A : memref<!tpu.dma_semaphore, #tpu.memory_space<semaphore_mem>>)
          %dma_wait3A = arith.constant 0 : i32
          %dma_wait3A_813 = tpu.memref_slice %arg2[%add3A_32, %dma_wait3A] : memref<2048x4096xf32, #tpu.memory_space<hbm>> -> memref<1x4096xf32, #tpu.memory_space<hbm>>
          %dma_wait3A_814 = tpu.memref_squeeze %dma_wait3A_813 : memref<1x4096xf32, #tpu.memory_space<hbm>> -> memref<4096xf32, #tpu.memory_space<hbm>>
          %dma_wait3A_815 = arith.constant 0 : i32
          %dma_wait3A_816 = tpu.memref_slice %arg2[%add3A_32, %dma_wait3A_815] : memref<2048x4096xf32, #tpu.memory_space<hbm>> -> memref<1x4096xf32, #tpu.memory_space<hbm>>
          %dma_wait3A_817 = tpu.memref_squeeze %dma_wait3A_816 : memref<1x4096xf32, #tpu.memory_space<hbm>> -> memref<4096xf32, #tpu.memory_space<hbm>>
          tpu.wait_dma2 semaphore(%run_scoped3A : memref<!tpu.dma_semaphore, #tpu.memory_space<semaphore_mem>>) src(%dma_wait3A_817 : memref<4096xf32, #tpu.memory_space<hbm>>) dst(%arg4 : memref<4096xf32, #tpu.memory_space<vmem>>)
          tpu.yield
        }) : () -> ()
        %swap3A_33 = arith.constant 0 : index
        %swap3A_34 = tpu.vector_load %arg8[%swap3A_33] {strides = array<i32>} : memref<4096xi32, #tpu.memory_space<vmem>>, vector<16xi32>,
        tpu.vector_store %arg8[%swap3A_33], %broadcast_in_dim3A_5 {strides = array<i32>} : memref<4096xi32, #tpu.memory_space<vmem>>, vector<16xi32>,
        %swap3A_35 = arith.constant 16 : index
        %swap3A_36 = tpu.vector_load %arg8[%swap3A_35] {strides = array<i32>} : memref<4096xi32, #tpu.memory_space<vmem>>, vector<16xi32>,
        tpu.vector_store %arg8[%swap3A_35], %broadcast_in_dim3A_5 {strides = array<i32>} : memref<4096xi32, #tpu.memory_space<vmem>>, vector<16xi32>,
        %swap3A_37 = arith.constant 32 : index
        %swap3A_38 = tpu.vector_load %arg8[%swap3A_37] {strides = array<i32>} : memref<4096xi32, #tpu.memory_space<vmem>>, vector<16xi32>,
        tpu.vector_store %arg8[%swap3A_37], %broadcast_in_dim3A_5 {strides = array<i32>} : memref<4096xi32, #tpu.memory_space<vmem>>, vector<16xi32>,
        %swap3A_39 = arith.constant 48 : index
        %swap3A_40 = tpu.vector_load %arg8[%swap3A_39] {strides = array<i32>} : memref<4096xi32, #tpu.memory_space<vmem>>, vector<16xi32>,
        tpu.vector_store %arg8[%swap3A_39], %broadcast_in_dim3A_5 {strides = array<i32>} : memref<4096xi32, #tpu.memory_space<vmem>>, vector<16xi32>,
        %swap3A_41 = arith.constant 64 : index
        %swap3A_42 = tpu.vector_load %arg8[%swap3A_41] {strides = array<i32>} : memref<4096xi32, #tpu.memory_space<vmem>>, vector<16xi32>,
        tpu.vector_store %arg8[%swap3A_41], %broadcast_in_dim3A_5 {strides = array<i32>} : memref<4096xi32, #tpu.memory_space<vmem>>, vector<16xi32>,
        %swap3A_43 = arith.constant 80 : index
        %swap3A_44 = tpu.vector_load %arg8[%swap3A_43] {strides = array<i32>} : memref<4096xi32, #tpu.memory_space<vmem>>, vector<16xi32>,
        tpu.vector_store %arg8[%swap3A_43], %broadcast_in_dim3A_5 {strides = array<i32>} : memref<4096xi32, #tpu.memory_space<vmem>>, vector<16xi32>,
        %swap3A_45 = arith.constant 96 : index
        %swap3A_46 = tpu.vector_load %arg8[%swap3A_45] {strides = array<i32>} : memref<4096xi32, #tpu.memory_space<vmem>>, vector<16xi32>,
        tpu.vector_store %arg8[%swap3A_45], %broadcast_in_dim3A_5 {strides = array<i32>} : memref<4096xi32, #tpu.memory_space<vmem>>, vector<16xi32>,
        %swap3A_47 = arith.constant 112 : index
        %swap3A_48 = tpu.vector_load %arg8[%swap3A_47] {strides = array<i32>} : memref<4096xi32, #tpu.memory_space<vmem>>, vector<16xi32>,
        tpu.vector_store %arg8[%swap3A_47], %broadcast_in_dim3A_5 {strides = array<i32>} : memref<4096xi32, #tpu.memory_space<vmem>>, vector<16xi32>,
        %swap3A_49 = arith.constant 128 : index
        %swap3A_50 = tpu.vector_load %arg8[%swap3A_49] {strides = array<i32>} : memref<4096xi32, #tpu.memory_space<vmem>>, vector<16xi32>,
        tpu.vector_store %arg8[%swap3A_49], %broadcast_in_dim3A_5 {strides = array<i32>} : memref<4096xi32, #tpu.memory_space<vmem>>, vector<16xi32>,
        %swap3A_51 = arith.constant 144 : index
        %swap3A_52 = tpu.vector_load %arg8[%swap3A_51] {strides = array<i32>} : memref<4096xi32, #tpu.memory_space<vmem>>, vector<16xi32>,
        tpu.vector_store %arg8[%swap3A_51], %broadcast_in_dim3A_5 {strides = array<i32>} : memref<4096xi32, #tpu.memory_space<vmem>>, vector<16xi32>,
        %swap3A_53 = arith.constant 160 : index
        %swap3A_54 = tpu.vector_load %arg8[%swap3A_53] {strides = array<i32>} : memref<4096xi32, #tpu.memory_space<vmem>>, vector<16xi32>,
        tpu.vector_store %arg8[%swap3A_53], %broadcast_in_dim3A_5 {strides = array<i32>} : memref<4096xi32, #tpu.memory_space<vmem>>, vector<16xi32>,
        %swap3A_55 = arith.constant 176 : index
        %swap3A_56 = tpu.vector_load %arg8[%swap3A_55] {strides = array<i32>} : memref<4096xi32, #tpu.memory_space<vmem>>, vector<16xi32>,
        tpu.vector_store %arg8[%swap3A_55], %broadcast_in_dim3A_5 {strides = array<i32>} : memref<4096xi32, #tpu.memory_space<vmem>>, vector<16xi32>,
        %swap3A_57 = arith.constant 192 : index
        %swap3A_58 = tpu.vector_load %arg8[%swap3A_57] {strides = array<i32>} : memref<4096xi32, #tpu.memory_space<vmem>>, vector<16xi32>,
        tpu.vector_store %arg8[%swap3A_57], %broadcast_in_dim3A_5 {strides = array<i32>} : memref<4096xi32, #tpu.memory_space<vmem>>, vector<16xi32>,
        %swap3A_59 = arith.constant 208 : index
        %swap3A_60 = tpu.vector_load %arg8[%swap3A_59] {strides = array<i32>} : memref<4096xi32, #tpu.memory_space<vmem>>, vector<16xi32>,
        tpu.vector_store %arg8[%swap3A_59], %broadcast_in_dim3A_5 {strides = array<i32>} : memref<4096xi32, #tpu.memory_space<vmem>>, vector<16xi32>,
        %swap3A_61 = arith.constant 224 : index
        %swap3A_62 = tpu.vector_load %arg8[%swap3A_61] {strides = array<i32>} : memref<4096xi32, #tpu.memory_space<vmem>>, vector<16xi32>,
        tpu.vector_store %arg8[%swap3A_61], %broadcast_in_dim3A_5 {strides = array<i32>} : memref<4096xi32, #tpu.memory_space<vmem>>, vector<16xi32>,
        %swap3A_63 = arith.constant 240 : index
        %swap3A_64 = tpu.vector_load %arg8[%swap3A_63] {strides = array<i32>} : memref<4096xi32, #tpu.memory_space<vmem>>, vector<16xi32>,
        tpu.vector_store %arg8[%swap3A_63], %broadcast_in_dim3A_5 {strides = array<i32>} : memref<4096xi32, #tpu.memory_space<vmem>>, vector<16xi32>,
        %swap3A_65 = arith.constant 256 : index
        %swap3A_66 = tpu.vector_load %arg8[%swap3A_65] {strides = array<i32>} : memref<4096xi32, #tpu.memory_space<vmem>>, vector<16xi32>,
        tpu.vector_store %arg8[%swap3A_65], %broadcast_in_dim3A_5 {strides = array<i32>} : memref<4096xi32, #tpu.memory_space<vmem>>, vector<16xi32>,
        %swap3A_67 = arith.constant 272 : index
        %swap3A_68 = tpu.vector_load %arg8[%swap3A_67] {strides = array<i32>} : memref<4096xi32, #tpu.memory_space<vmem>>, vector<16xi32>,
        tpu.vector_store %arg8[%swap3A_67], %broadcast_in_dim3A_5 {strides = array<i32>} : memref<4096xi32, #tpu.memory_space<vmem>>, vector<16xi32>,
        %swap3A_69 = arith.constant 288 : index
        %swap3A_70 = tpu.vector_load %arg8[%swap3A_69] {strides = array<i32>} : memref<4096xi32, #tpu.memory_space<vmem>>, vector<16xi32>,
        tpu.vector_store %arg8[%swap3A_69], %broadcast_in_dim3A_5 {strides = array<i32>} : memref<4096xi32, #tpu.memory_space<vmem>>, vector<16xi32>,
        %swap3A_71 = arith.constant 304 : index
        %swap3A_72 = tpu.vector_load %arg8[%swap3A_71] {strides = array<i32>} : memref<4096xi32, #tpu.memory_space<vmem>>, vector<16xi32>,
        tpu.vector_store %arg8[%swap3A_71], %broadcast_in_dim3A_5 {strides = array<i32>} : memref<4096xi32, #tpu.memory_space<vmem>>, vector<16xi32>,
        %swap3A_73 = arith.constant 320 : index
        %swap3A_74 = tpu.vector_load %arg8[%swap3A_73] {strides = array<i32>} : memref<4096xi32, #tpu.memory_space<vmem>>, vector<16xi32>,
        tpu.vector_store %arg8[%swap3A_73], %broadcast_in_dim3A_5 {strides = array<i32>} : memref<4096xi32, #tpu.memory_space<vmem>>, vector<16xi32>,
        %swap3A_75 = arith.constant 336 : index
        %swap3A_76 = tpu.vector_load %arg8[%swap3A_75] {strides = array<i32>} : memref<4096xi32, #tpu.memory_space<vmem>>, vector<16xi32>,
        tpu.vector_store %arg8[%swap3A_75], %broadcast_in_dim3A_5 {strides = array<i32>} : memref<4096xi32, #tpu.memory_space<vmem>>, vector<16xi32>,
        %swap3A_77 = arith.constant 352 : index
        %swap3A_78 = tpu.vector_load %arg8[%swap3A_77] {strides = array<i32>} : memref<4096xi32, #tpu.memory_space<vmem>>, vector<16xi32>,
        tpu.vector_store %arg8[%swap3A_77], %broadcast_in_dim3A_5 {strides = array<i32>} : memref<4096xi32, #tpu.memory_space<vmem>>, vector<16xi32>,
        %swap3A_79 = arith.constant 368 : index
        %swap3A_80 = tpu.vector_load %arg8[%swap3A_79] {strides = array<i32>} : memref<4096xi32, #tpu.memory_space<vmem>>, vector<16xi32>,
        tpu.vector_store %arg8[%swap3A_79], %broadcast_in_dim3A_5 {strides = array<i32>} : memref<4096xi32, #tpu.memory_space<vmem>>, vector<16xi32>,
        %swap3A_81 = arith.constant 384 : index
        %swap3A_82 = tpu.vector_load %arg8[%swap3A_81] {strides = array<i32>} : memref<4096xi32, #tpu.memory_space<vmem>>, vector<16xi32>,
        tpu.vector_store %arg8[%swap3A_81], %broadcast_in_dim3A_5 {strides = array<i32>} : memref<4096xi32, #tpu.memory_space<vmem>>, vector<16xi32>,
        %swap3A_83 = arith.constant 400 : index
        %swap3A_84 = tpu.vector_load %arg8[%swap3A_83] {strides = array<i32>} : memref<4096xi32, #tpu.memory_space<vmem>>, vector<16xi32>,
        tpu.vector_store %arg8[%swap3A_83], %broadcast_in_dim3A_5 {strides = array<i32>} : memref<4096xi32, #tpu.memory_space<vmem>>, vector<16xi32>,
        %swap3A_85 = arith.constant 416 : index
        %swap3A_86 = tpu.vector_load %arg8[%swap3A_85] {strides = array<i32>} : memref<4096xi32, #tpu.memory_space<vmem>>, vector<16xi32>,
        tpu.vector_store %arg8[%swap3A_85], %broadcast_in_dim3A_5 {strides = array<i32>} : memref<4096xi32, #tpu.memory_space<vmem>>, vector<16xi32>,
        %swap3A_87 = arith.constant 432 : index
        %swap3A_88 = tpu.vector_load %arg8[%swap3A_87] {strides = array<i32>} : memref<4096xi32, #tpu.memory_space<vmem>>, vector<16xi32>,
        tpu.vector_store %arg8[%swap3A_87], %broadcast_in_dim3A_5 {strides = array<i32>} : memref<4096xi32, #tpu.memory_space<vmem>>, vector<16xi32>,
        %swap3A_89 = arith.constant 448 : index
        %swap3A_90 = tpu.vector_load %arg8[%swap3A_89] {strides = array<i32>} : memref<4096xi32, #tpu.memory_space<vmem>>, vector<16xi32>,
        tpu.vector_store %arg8[%swap3A_89], %broadcast_in_dim3A_5 {strides = array<i32>} : memref<4096xi32, #tpu.memory_space<vmem>>, vector<16xi32>,
        %swap3A_91 = arith.constant 464 : index
        %swap3A_92 = tpu.vector_load %arg8[%swap3A_91] {strides = array<i32>} : memref<4096xi32, #tpu.memory_space<vmem>>, vector<16xi32>,
        tpu.vector_store %arg8[%swap3A_91], %broadcast_in_dim3A_5 {strides = array<i32>} : memref<4096xi32, #tpu.memory_space<vmem>>, vector<16xi32>,
        %swap3A_93 = arith.constant 480 : index
        %swap3A_94 = tpu.vector_load %arg8[%swap3A_93] {strides = array<i32>} : memref<4096xi32, #tpu.memory_space<vmem>>, vector<16xi32>,
        tpu.vector_store %arg8[%swap3A_93], %broadcast_in_dim3A_5 {strides = array<i32>} : memref<4096xi32, #tpu.memory_space<vmem>>, vector<16xi32>,
        %swap3A_95 = arith.constant 496 : index
        %swap3A_96 = tpu.vector_load %arg8[%swap3A_95] {strides = array<i32>} : memref<4096xi32, #tpu.memory_space<vmem>>, vector<16xi32>,
        tpu.vector_store %arg8[%swap3A_95], %broadcast_in_dim3A_5 {strides = array<i32>} : memref<4096xi32, #tpu.memory_space<vmem>>, vector<16xi32>,
        %swap3A_97 = arith.constant 512 : index
        %swap3A_98 = tpu.vector_load %arg8[%swap3A_97] {strides = array<i32>} : memref<4096xi32, #tpu.memory_space<vmem>>, vector<16xi32>,
        tpu.vector_store %arg8[%swap3A_97], %broadcast_in_dim3A_5 {strides = array<i32>} : memref<4096xi32, #tpu.memory_space<vmem>>, vector<16xi32>,
        %swap3A_99 = arith.constant 528 : index
        %swap3A_100 = tpu.vector_load %arg8[%swap3A_99] {strides = array<i32>} : memref<4096xi32, #tpu.memory_space<vmem>>, vector<16xi32>,
        tpu.vector_store %arg8[%swap3A_99], %broadcast_in_dim3A_5 {strides = array<i32>} : memref<4096xi32, #tpu.memory_space<vmem>>, vector<16xi32>,
        %swap3A_101 = arith.constant 544 : index
        %swap3A_102 = tpu.vector_load %arg8[%swap3A_101] {strides = array<i32>} : memref<4096xi32, #tpu.memory_space<vmem>>, vector<16xi32>,
        tpu.vector_store %arg8[%swap3A_101], %broadcast_in_dim3A_5 {strides = array<i32>} : memref<4096xi32, #tpu.memory_space<vmem>>, vector<16xi32>,
        %swap3A_103 = arith.constant 560 : index
        %swap3A_104 = tpu.vector_load %arg8[%swap3A_103] {strides = array<i32>} : memref<4096xi32, #tpu.memory_space<vmem>>, vector<16xi32>,
        tpu.vector_store %arg8[%swap3A_103], %broadcast_in_dim3A_5 {strides = array<i32>} : memref<4096xi32, #tpu.memory_space<vmem>>, vector<16xi32>,
        %swap3A_105 = arith.constant 576 : index
        %swap3A_106 = tpu.vector_load %arg8[%swap3A_105] {strides = array<i32>} : memref<4096xi32, #tpu.memory_space<vmem>>, vector<16xi32>,
        tpu.vector_store %arg8[%swap3A_105], %broadcast_in_dim3A_5 {strides = array<i32>} : memref<4096xi32, #tpu.memory_space<vmem>>, vector<16xi32>,
        %swap3A_107 = arith.constant 592 : index
        %swap3A_108 = tpu.vector_load %arg8[%swap3A_107] {strides = array<i32>} : memref<4096xi32, #tpu.memory_space<vmem>>, vector<16xi32>,
        tpu.vector_store %arg8[%swap3A_107], %broadcast_in_dim3A_5 {strides = array<i32>} : memref<4096xi32, #tpu.memory_space<vmem>>, vector<16xi32>,
        %swap3A_109 = arith.constant 608 : index
        %swap3A_110 = tpu.vector_load %arg8[%swap3A_109] {strides = array<i32>} : memref<4096xi32, #tpu.memory_space<vmem>>, vector<16xi32>,
        tpu.vector_store %arg8[%swap3A_109], %broadcast_in_dim3A_5 {strides = array<i32>} : memref<4096xi32, #tpu.memory_space<vmem>>, vector<16xi32>,
        %swap3A_111 = arith.constant 624 : index
        %swap3A_112 = tpu.vector_load %arg8[%swap3A_111] {strides = array<i32>} : memref<4096xi32, #tpu.memory_space<vmem>>, vector<16xi32>,
        tpu.vector_store %arg8[%swap3A_111], %broadcast_in_dim3A_5 {strides = array<i32>} : memref<4096xi32, #tpu.memory_space<vmem>>, vector<16xi32>,
        %swap3A_113 = arith.constant 640 : index
        %swap3A_114 = tpu.vector_load %arg8[%swap3A_113] {strides = array<i32>} : memref<4096xi32, #tpu.memory_space<vmem>>, vector<16xi32>,
        tpu.vector_store %arg8[%swap3A_113], %broadcast_in_dim3A_5 {strides = array<i32>} : memref<4096xi32, #tpu.memory_space<vmem>>, vector<16xi32>,
        %swap3A_115 = arith.constant 656 : index
        %swap3A_116 = tpu.vector_load %arg8[%swap3A_115] {strides = array<i32>} : memref<4096xi32, #tpu.memory_space<vmem>>, vector<16xi32>,
        tpu.vector_store %arg8[%swap3A_115], %broadcast_in_dim3A_5 {strides = array<i32>} : memref<4096xi32, #tpu.memory_space<vmem>>, vector<16xi32>,
        %swap3A_117 = arith.constant 672 : index
        %swap3A_118 = tpu.vector_load %arg8[%swap3A_117] {strides = array<i32>} : memref<4096xi32, #tpu.memory_space<vmem>>, vector<16xi32>,
        tpu.vector_store %arg8[%swap3A_117], %broadcast_in_dim3A_5 {strides = array<i32>} : memref<4096xi32, #tpu.memory_space<vmem>>, vector<16xi32>,
        %swap3A_119 = arith.constant 688 : index
        %swap3A_120 = tpu.vector_load %arg8[%swap3A_119] {strides = array<i32>} : memref<4096xi32, #tpu.memory_space<vmem>>, vector<16xi32>,
        tpu.vector_store %arg8[%swap3A_119], %broadcast_in_dim3A_5 {strides = array<i32>} : memref<4096xi32, #tpu.memory_space<vmem>>, vector<16xi32>,
        %swap3A_121 = arith.constant 704 : index
        %swap3A_122 = tpu.vector_load %arg8[%swap3A_121] {strides = array<i32>} : memref<4096xi32, #tpu.memory_space<vmem>>, vector<16xi32>,
        tpu.vector_store %arg8[%swap3A_121], %broadcast_in_dim3A_5 {strides = array<i32>} : memref<4096xi32, #tpu.memory_space<vmem>>, vector<16xi32>,
        %swap3A_123 = arith.constant 720 : index
        %swap3A_124 = tpu.vector_load %arg8[%swap3A_123] {strides = array<i32>} : memref<4096xi32, #tpu.memory_space<vmem>>, vector<16xi32>,
        tpu.vector_store %arg8[%swap3A_123], %broadcast_in_dim3A_5 {strides = array<i32>} : memref<4096xi32, #tpu.memory_space<vmem>>, vector<16xi32>,
        %swap3A_125 = arith.constant 736 : index
        %swap3A_126 = tpu.vector_load %arg8[%swap3A_125] {strides = array<i32>} : memref<4096xi32, #tpu.memory_space<vmem>>, vector<16xi32>,
        tpu.vector_store %arg8[%swap3A_125], %broadcast_in_dim3A_5 {strides = array<i32>} : memref<4096xi32, #tpu.memory_space<vmem>>, vector<16xi32>,
        %swap3A_127 = arith.constant 752 : index
        %swap3A_128 = tpu.vector_load %arg8[%swap3A_127] {strides = array<i32>} : memref<4096xi32, #tpu.memory_space<vmem>>, vector<16xi32>,
        tpu.vector_store %arg8[%swap3A_127], %broadcast_in_dim3A_5 {strides = array<i32>} : memref<4096xi32, #tpu.memory_space<vmem>>, vector<16xi32>,
        %swap3A_129 = arith.constant 768 : index
        %swap3A_130 = tpu.vector_load %arg8[%swap3A_129] {strides = array<i32>} : memref<4096xi32, #tpu.memory_space<vmem>>, vector<16xi32>,
        tpu.vector_store %arg8[%swap3A_129], %broadcast_in_dim3A_5 {strides = array<i32>} : memref<4096xi32, #tpu.memory_space<vmem>>, vector<16xi32>,
        %swap3A_131 = arith.constant 784 : index
        %swap3A_132 = tpu.vector_load %arg8[%swap3A_131] {strides = array<i32>} : memref<4096xi32, #tpu.memory_space<vmem>>, vector<16xi32>,
        tpu.vector_store %arg8[%swap3A_131], %broadcast_in_dim3A_5 {strides = array<i32>} : memref<4096xi32, #tpu.memory_space<vmem>>, vector<16xi32>,
        %swap3A_133 = arith.constant 800 : index
        %swap3A_134 = tpu.vector_load %arg8[%swap3A_133] {strides = array<i32>} : memref<4096xi32, #tpu.memory_space<vmem>>, vector<16xi32>,
        tpu.vector_store %arg8[%swap3A_133], %broadcast_in_dim3A_5 {strides = array<i32>} : memref<4096xi32, #tpu.memory_space<vmem>>, vector<16xi32>,
        %swap3A_135 = arith.constant 816 : index
        %swap3A_136 = tpu.vector_load %arg8[%swap3A_135] {strides = array<i32>} : memref<4096xi32, #tpu.memory_space<vmem>>, vector<16xi32>,
        tpu.vector_store %arg8[%swap3A_135], %broadcast_in_dim3A_5 {strides = array<i32>} : memref<4096xi32, #tpu.memory_space<vmem>>, vector<16xi32>,
        %swap3A_137 = arith.constant 832 : index
        %swap3A_138 = tpu.vector_load %arg8[%swap3A_137] {strides = array<i32>} : memref<4096xi32, #tpu.memory_space<vmem>>, vector<16xi32>,
        tpu.vector_store %arg8[%swap3A_137], %broadcast_in_dim3A_5 {strides = array<i32>} : memref<4096xi32, #tpu.memory_space<vmem>>, vector<16xi32>,
        %swap3A_139 = arith.constant 848 : index
        %swap3A_140 = tpu.vector_load %arg8[%swap3A_139] {strides = array<i32>} : memref<4096xi32, #tpu.memory_space<vmem>>, vector<16xi32>,
        tpu.vector_store %arg8[%swap3A_139], %broadcast_in_dim3A_5 {strides = array<i32>} : memref<4096xi32, #tpu.memory_space<vmem>>, vector<16xi32>,
        %swap3A_141 = arith.constant 864 : index
        %swap3A_142 = tpu.vector_load %arg8[%swap3A_141] {strides = array<i32>} : memref<4096xi32, #tpu.memory_space<vmem>>, vector<16xi32>,
        tpu.vector_store %arg8[%swap3A_141], %broadcast_in_dim3A_5 {strides = array<i32>} : memref<4096xi32, #tpu.memory_space<vmem>>, vector<16xi32>,
        %swap3A_143 = arith.constant 880 : index
        %swap3A_144 = tpu.vector_load %arg8[%swap3A_143] {strides = array<i32>} : memref<4096xi32, #tpu.memory_space<vmem>>, vector<16xi32>,
        tpu.vector_store %arg8[%swap3A_143], %broadcast_in_dim3A_5 {strides = array<i32>} : memref<4096xi32, #tpu.memory_space<vmem>>, vector<16xi32>,
        %swap3A_145 = arith.constant 896 : index
        %swap3A_146 = tpu.vector_load %arg8[%swap3A_145] {strides = array<i32>} : memref<4096xi32, #tpu.memory_space<vmem>>, vector<16xi32>,
        tpu.vector_store %arg8[%swap3A_145], %broadcast_in_dim3A_5 {strides = array<i32>} : memref<4096xi32, #tpu.memory_space<vmem>>, vector<16xi32>,
        %swap3A_147 = arith.constant 912 : index
        %swap3A_148 = tpu.vector_load %arg8[%swap3A_147] {strides = array<i32>} : memref<4096xi32, #tpu.memory_space<vmem>>, vector<16xi32>,
        tpu.vector_store %arg8[%swap3A_147], %broadcast_in_dim3A_5 {strides = array<i32>} : memref<4096xi32, #tpu.memory_space<vmem>>, vector<16xi32>,
        %swap3A_149 = arith.constant 928 : index
        %swap3A_150 = tpu.vector_load %arg8[%swap3A_149] {strides = array<i32>} : memref<4096xi32, #tpu.memory_space<vmem>>, vector<16xi32>,
        tpu.vector_store %arg8[%swap3A_149], %broadcast_in_dim3A_5 {strides = array<i32>} : memref<4096xi32, #tpu.memory_space<vmem>>, vector<16xi32>,
        %swap3A_151 = arith.constant 944 : index
        %swap3A_152 = tpu.vector_load %arg8[%swap3A_151] {strides = array<i32>} : memref<4096xi32, #tpu.memory_space<vmem>>, vector<16xi32>,
        tpu.vector_store %arg8[%swap3A_151], %broadcast_in_dim3A_5 {strides = array<i32>} : memref<4096xi32, #tpu.memory_space<vmem>>, vector<16xi32>,
        %swap3A_153 = arith.constant 960 : index
        %swap3A_154 = tpu.vector_load %arg8[%swap3A_153] {strides = array<i32>} : memref<4096xi32, #tpu.memory_space<vmem>>, vector<16xi32>,
        tpu.vector_store %arg8[%swap3A_153], %broadcast_in_dim3A_5 {strides = array<i32>} : memref<4096xi32, #tpu.memory_space<vmem>>, vector<16xi32>,
        %swap3A_155 = arith.constant 976 : index
        %swap3A_156 = tpu.vector_load %arg8[%swap3A_155] {strides = array<i32>} : memref<4096xi32, #tpu.memory_space<vmem>>, vector<16xi32>,
        tpu.vector_store %arg8[%swap3A_155], %broadcast_in_dim3A_5 {strides = array<i32>} : memref<4096xi32, #tpu.memory_space<vmem>>, vector<16xi32>,
        %swap3A_157 = arith.constant 992 : index
        %swap3A_158 = tpu.vector_load %arg8[%swap3A_157] {strides = array<i32>} : memref<4096xi32, #tpu.memory_space<vmem>>, vector<16xi32>,
        tpu.vector_store %arg8[%swap3A_157], %broadcast_in_dim3A_5 {strides = array<i32>} : memref<4096xi32, #tpu.memory_space<vmem>>, vector<16xi32>,
        %swap3A_159 = arith.constant 1008 : index
        %swap3A_160 = tpu.vector_load %arg8[%swap3A_159] {strides = array<i32>} : memref<4096xi32, #tpu.memory_space<vmem>>, vector<16xi32>,
        tpu.vector_store %arg8[%swap3A_159], %broadcast_in_dim3A_5 {strides = array<i32>} : memref<4096xi32, #tpu.memory_space<vmem>>, vector<16xi32>,
        %swap3A_161 = arith.constant 1024 : index
        %swap3A_162 = tpu.vector_load %arg8[%swap3A_161] {strides = array<i32>} : memref<4096xi32, #tpu.memory_space<vmem>>, vector<16xi32>,
        tpu.vector_store %arg8[%swap3A_161], %broadcast_in_dim3A_5 {strides = array<i32>} : memref<4096xi32, #tpu.memory_space<vmem>>, vector<16xi32>,
        %swap3A_163 = arith.constant 1040 : index
        %swap3A_164 = tpu.vector_load %arg8[%swap3A_163] {strides = array<i32>} : memref<4096xi32, #tpu.memory_space<vmem>>, vector<16xi32>,
        tpu.vector_store %arg8[%swap3A_163], %broadcast_in_dim3A_5 {strides = array<i32>} : memref<4096xi32, #tpu.memory_space<vmem>>, vector<16xi32>,
        %swap3A_165 = arith.constant 1056 : index
        %swap3A_166 = tpu.vector_load %arg8[%swap3A_165] {strides = array<i32>} : memref<4096xi32, #tpu.memory_space<vmem>>, vector<16xi32>,
        tpu.vector_store %arg8[%swap3A_165], %broadcast_in_dim3A_5 {strides = array<i32>} : memref<4096xi32, #tpu.memory_space<vmem>>, vector<16xi32>,
        %swap3A_167 = arith.constant 1072 : index
        %swap3A_168 = tpu.vector_load %arg8[%swap3A_167] {strides = array<i32>} : memref<4096xi32, #tpu.memory_space<vmem>>, vector<16xi32>,
        tpu.vector_store %arg8[%swap3A_167], %broadcast_in_dim3A_5 {strides = array<i32>} : memref<4096xi32, #tpu.memory_space<vmem>>, vector<16xi32>,
        %swap3A_169 = arith.constant 1088 : index
        %swap3A_170 = tpu.vector_load %arg8[%swap3A_169] {strides = array<i32>} : memref<4096xi32, #tpu.memory_space<vmem>>, vector<16xi32>,
        tpu.vector_store %arg8[%swap3A_169], %broadcast_in_dim3A_5 {strides = array<i32>} : memref<4096xi32, #tpu.memory_space<vmem>>, vector<16xi32>,
        %swap3A_171 = arith.constant 1104 : index
        %swap3A_172 = tpu.vector_load %arg8[%swap3A_171] {strides = array<i32>} : memref<4096xi32, #tpu.memory_space<vmem>>, vector<16xi32>,
        tpu.vector_store %arg8[%swap3A_171], %broadcast_in_dim3A_5 {strides = array<i32>} : memref<4096xi32, #tpu.memory_space<vmem>>, vector<16xi32>,
        %swap3A_173 = arith.constant 1120 : index
        %swap3A_174 = tpu.vector_load %arg8[%swap3A_173] {strides = array<i32>} : memref<4096xi32, #tpu.memory_space<vmem>>, vector<16xi32>,
        tpu.vector_store %arg8[%swap3A_173], %broadcast_in_dim3A_5 {strides = array<i32>} : memref<4096xi32, #tpu.memory_space<vmem>>, vector<16xi32>,
        %swap3A_175 = arith.constant 1136 : index
        %swap3A_176 = tpu.vector_load %arg8[%swap3A_175] {strides = array<i32>} : memref<4096xi32, #tpu.memory_space<vmem>>, vector<16xi32>,
        tpu.vector_store %arg8[%swap3A_175], %broadcast_in_dim3A_5 {strides = array<i32>} : memref<4096xi32, #tpu.memory_space<vmem>>, vector<16xi32>,
        %swap3A_177 = arith.constant 1152 : index
        %swap3A_178 = tpu.vector_load %arg8[%swap3A_177] {strides = array<i32>} : memref<4096xi32, #tpu.memory_space<vmem>>, vector<16xi32>,
        tpu.vector_store %arg8[%swap3A_177], %broadcast_in_dim3A_5 {strides = array<i32>} : memref<4096xi32, #tpu.memory_space<vmem>>, vector<16xi32>,
        %swap3A_179 = arith.constant 1168 : index
        %swap3A_180 = tpu.vector_load %arg8[%swap3A_179] {strides = array<i32>} : memref<4096xi32, #tpu.memory_space<vmem>>, vector<16xi32>,
        tpu.vector_store %arg8[%swap3A_179], %broadcast_in_dim3A_5 {strides = array<i32>} : memref<4096xi32, #tpu.memory_space<vmem>>, vector<16xi32>,
        %swap3A_181 = arith.constant 1184 : index
        %swap3A_182 = tpu.vector_load %arg8[%swap3A_181] {strides = array<i32>} : memref<4096xi32, #tpu.memory_space<vmem>>, vector<16xi32>,
        tpu.vector_store %arg8[%swap3A_181], %broadcast_in_dim3A_5 {strides = array<i32>} : memref<4096xi32, #tpu.memory_space<vmem>>, vector<16xi32>,
        %swap3A_183 = arith.constant 1200 : index
        %swap3A_184 = tpu.vector_load %arg8[%swap3A_183] {strides = array<i32>} : memref<4096xi32, #tpu.memory_space<vmem>>, vector<16xi32>,
        tpu.vector_store %arg8[%swap3A_183], %broadcast_in_dim3A_5 {strides = array<i32>} : memref<4096xi32, #tpu.memory_space<vmem>>, vector<16xi32>,
        %swap3A_185 = arith.constant 1216 : index
        %swap3A_186 = tpu.vector_load %arg8[%swap3A_185] {strides = array<i32>} : memref<4096xi32, #tpu.memory_space<vmem>>, vector<16xi32>,
        tpu.vector_store %arg8[%swap3A_185], %broadcast_in_dim3A_5 {strides = array<i32>} : memref<4096xi32, #tpu.memory_space<vmem>>, vector<16xi32>,
        %swap3A_187 = arith.constant 1232 : index
        %swap3A_188 = tpu.vector_load %arg8[%swap3A_187] {strides = array<i32>} : memref<4096xi32, #tpu.memory_space<vmem>>, vector<16xi32>,
        tpu.vector_store %arg8[%swap3A_187], %broadcast_in_dim3A_5 {strides = array<i32>} : memref<4096xi32, #tpu.memory_space<vmem>>, vector<16xi32>,
        %swap3A_189 = arith.constant 1248 : index
        %swap3A_190 = tpu.vector_load %arg8[%swap3A_189] {strides = array<i32>} : memref<4096xi32, #tpu.memory_space<vmem>>, vector<16xi32>,
        tpu.vector_store %arg8[%swap3A_189], %broadcast_in_dim3A_5 {strides = array<i32>} : memref<4096xi32, #tpu.memory_space<vmem>>, vector<16xi32>,
        %swap3A_191 = arith.constant 1264 : index
        %swap3A_192 = tpu.vector_load %arg8[%swap3A_191] {strides = array<i32>} : memref<4096xi32, #tpu.memory_space<vmem>>, vector<16xi32>,
        tpu.vector_store %arg8[%swap3A_191], %broadcast_in_dim3A_5 {strides = array<i32>} : memref<4096xi32, #tpu.memory_space<vmem>>, vector<16xi32>,
        %swap3A_193 = arith.constant 1280 : index
        %swap3A_194 = tpu.vector_load %arg8[%swap3A_193] {strides = array<i32>} : memref<4096xi32, #tpu.memory_space<vmem>>, vector<16xi32>,
        tpu.vector_store %arg8[%swap3A_193], %broadcast_in_dim3A_5 {strides = array<i32>} : memref<4096xi32, #tpu.memory_space<vmem>>, vector<16xi32>,
        %swap3A_195 = arith.constant 1296 : index
        %swap3A_196 = tpu.vector_load %arg8[%swap3A_195] {strides = array<i32>} : memref<4096xi32, #tpu.memory_space<vmem>>, vector<16xi32>,
        tpu.vector_store %arg8[%swap3A_195], %broadcast_in_dim3A_5 {strides = array<i32>} : memref<4096xi32, #tpu.memory_space<vmem>>, vector<16xi32>,
        %swap3A_197 = arith.constant 1312 : index
        %swap3A_198 = tpu.vector_load %arg8[%swap3A_197] {strides = array<i32>} : memref<4096xi32, #tpu.memory_space<vmem>>, vector<16xi32>,
        tpu.vector_store %arg8[%swap3A_197], %broadcast_in_dim3A_5 {strides = array<i32>} : memref<4096xi32, #tpu.memory_space<vmem>>, vector<16xi32>,
        %swap3A_199 = arith.constant 1328 : index
        %swap3A_200 = tpu.vector_load %arg8[%swap3A_199] {strides = array<i32>} : memref<4096xi32, #tpu.memory_space<vmem>>, vector<16xi32>,
        tpu.vector_store %arg8[%swap3A_199], %broadcast_in_dim3A_5 {strides = array<i32>} : memref<4096xi32, #tpu.memory_space<vmem>>, vector<16xi32>,
        %swap3A_201 = arith.constant 1344 : index
        %swap3A_202 = tpu.vector_load %arg8[%swap3A_201] {strides = array<i32>} : memref<4096xi32, #tpu.memory_space<vmem>>, vector<16xi32>,
        tpu.vector_store %arg8[%swap3A_201], %broadcast_in_dim3A_5 {strides = array<i32>} : memref<4096xi32, #tpu.memory_space<vmem>>, vector<16xi32>,
        %swap3A_203 = arith.constant 1360 : index
        %swap3A_204 = tpu.vector_load %arg8[%swap3A_203] {strides = array<i32>} : memref<4096xi32, #tpu.memory_space<vmem>>, vector<16xi32>,
        tpu.vector_store %arg8[%swap3A_203], %broadcast_in_dim3A_5 {strides = array<i32>} : memref<4096xi32, #tpu.memory_space<vmem>>, vector<16xi32>,
        %swap3A_205 = arith.constant 1376 : index
        %swap3A_206 = tpu.vector_load %arg8[%swap3A_205] {strides = array<i32>} : memref<4096xi32, #tpu.memory_space<vmem>>, vector<16xi32>,
        tpu.vector_store %arg8[%swap3A_205], %broadcast_in_dim3A_5 {strides = array<i32>} : memref<4096xi32, #tpu.memory_space<vmem>>, vector<16xi32>,
        %swap3A_207 = arith.constant 1392 : index
        %swap3A_208 = tpu.vector_load %arg8[%swap3A_207] {strides = array<i32>} : memref<4096xi32, #tpu.memory_space<vmem>>, vector<16xi32>,
        tpu.vector_store %arg8[%swap3A_207], %broadcast_in_dim3A_5 {strides = array<i32>} : memref<4096xi32, #tpu.memory_space<vmem>>, vector<16xi32>,
        %swap3A_209 = arith.constant 1408 : index
        %swap3A_210 = tpu.vector_load %arg8[%swap3A_209] {strides = array<i32>} : memref<4096xi32, #tpu.memory_space<vmem>>, vector<16xi32>,
        tpu.vector_store %arg8[%swap3A_209], %broadcast_in_dim3A_5 {strides = array<i32>} : memref<4096xi32, #tpu.memory_space<vmem>>, vector<16xi32>,
        %swap3A_211 = arith.constant 1424 : index
        %swap3A_212 = tpu.vector_load %arg8[%swap3A_211] {strides = array<i32>} : memref<4096xi32, #tpu.memory_space<vmem>>, vector<16xi32>,
        tpu.vector_store %arg8[%swap3A_211], %broadcast_in_dim3A_5 {strides = array<i32>} : memref<4096xi32, #tpu.memory_space<vmem>>, vector<16xi32>,
        %swap3A_213 = arith.constant 1440 : index
        %swap3A_214 = tpu.vector_load %arg8[%swap3A_213] {strides = array<i32>} : memref<4096xi32, #tpu.memory_space<vmem>>, vector<16xi32>,
        tpu.vector_store %arg8[%swap3A_213], %broadcast_in_dim3A_5 {strides = array<i32>} : memref<4096xi32, #tpu.memory_space<vmem>>, vector<16xi32>,
        %swap3A_215 = arith.constant 1456 : index
        %swap3A_216 = tpu.vector_load %arg8[%swap3A_215] {strides = array<i32>} : memref<4096xi32, #tpu.memory_space<vmem>>, vector<16xi32>,
        tpu.vector_store %arg8[%swap3A_215], %broadcast_in_dim3A_5 {strides = array<i32>} : memref<4096xi32, #tpu.memory_space<vmem>>, vector<16xi32>,
        %swap3A_217 = arith.constant 1472 : index
        %swap3A_218 = tpu.vector_load %arg8[%swap3A_217] {strides = array<i32>} : memref<4096xi32, #tpu.memory_space<vmem>>, vector<16xi32>,
        tpu.vector_store %arg8[%swap3A_217], %broadcast_in_dim3A_5 {strides = array<i32>} : memref<4096xi32, #tpu.memory_space<vmem>>, vector<16xi32>,
        %swap3A_219 = arith.constant 1488 : index
        %swap3A_220 = tpu.vector_load %arg8[%swap3A_219] {strides = array<i32>} : memref<4096xi32, #tpu.memory_space<vmem>>, vector<16xi32>,
        tpu.vector_store %arg8[%swap3A_219], %broadcast_in_dim3A_5 {strides = array<i32>} : memref<4096xi32, #tpu.memory_space<vmem>>, vector<16xi32>,
        %swap3A_221 = arith.constant 1504 : index
        %swap3A_222 = tpu.vector_load %arg8[%swap3A_221] {strides = array<i32>} : memref<4096xi32, #tpu.memory_space<vmem>>, vector<16xi32>,
        tpu.vector_store %arg8[%swap3A_221], %broadcast_in_dim3A_5 {strides = array<i32>} : memref<4096xi32, #tpu.memory_space<vmem>>, vector<16xi32>,
        %swap3A_223 = arith.constant 1520 : index
        %swap3A_224 = tpu.vector_load %arg8[%swap3A_223] {strides = array<i32>} : memref<4096xi32, #tpu.memory_space<vmem>>, vector<16xi32>,
        tpu.vector_store %arg8[%swap3A_223], %broadcast_in_dim3A_5 {strides = array<i32>} : memref<4096xi32, #tpu.memory_space<vmem>>, vector<16xi32>,
        %swap3A_225 = arith.constant 1536 : index
        %swap3A_226 = tpu.vector_load %arg8[%swap3A_225] {strides = array<i32>} : memref<4096xi32, #tpu.memory_space<vmem>>, vector<16xi32>,
        tpu.vector_store %arg8[%swap3A_225], %broadcast_in_dim3A_5 {strides = array<i32>} : memref<4096xi32, #tpu.memory_space<vmem>>, vector<16xi32>,
        %swap3A_227 = arith.constant 1552 : index
        %swap3A_228 = tpu.vector_load %arg8[%swap3A_227] {strides = array<i32>} : memref<4096xi32, #tpu.memory_space<vmem>>, vector<16xi32>,
        tpu.vector_store %arg8[%swap3A_227], %broadcast_in_dim3A_5 {strides = array<i32>} : memref<4096xi32, #tpu.memory_space<vmem>>, vector<16xi32>,
        %swap3A_229 = arith.constant 1568 : index
        %swap3A_230 = tpu.vector_load %arg8[%swap3A_229] {strides = array<i32>} : memref<4096xi32, #tpu.memory_space<vmem>>, vector<16xi32>,
        tpu.vector_store %arg8[%swap3A_229], %broadcast_in_dim3A_5 {strides = array<i32>} : memref<4096xi32, #tpu.memory_space<vmem>>, vector<16xi32>,
        %swap3A_231 = arith.constant 1584 : index
        %swap3A_232 = tpu.vector_load %arg8[%swap3A_231] {strides = array<i32>} : memref<4096xi32, #tpu.memory_space<vmem>>, vector<16xi32>,
        tpu.vector_store %arg8[%swap3A_231], %broadcast_in_dim3A_5 {strides = array<i32>} : memref<4096xi32, #tpu.memory_space<vmem>>, vector<16xi32>,
        %swap3A_233 = arith.constant 1600 : index
        %swap3A_234 = tpu.vector_load %arg8[%swap3A_233] {strides = array<i32>} : memref<4096xi32, #tpu.memory_space<vmem>>, vector<16xi32>,
        tpu.vector_store %arg8[%swap3A_233], %broadcast_in_dim3A_5 {strides = array<i32>} : memref<4096xi32, #tpu.memory_space<vmem>>, vector<16xi32>,
        %swap3A_235 = arith.constant 1616 : index
        %swap3A_236 = tpu.vector_load %arg8[%swap3A_235] {strides = array<i32>} : memref<4096xi32, #tpu.memory_space<vmem>>, vector<16xi32>,
        tpu.vector_store %arg8[%swap3A_235], %broadcast_in_dim3A_5 {strides = array<i32>} : memref<4096xi32, #tpu.memory_space<vmem>>, vector<16xi32>,
        %swap3A_237 = arith.constant 1632 : index
        %swap3A_238 = tpu.vector_load %arg8[%swap3A_237] {strides = array<i32>} : memref<4096xi32, #tpu.memory_space<vmem>>, vector<16xi32>,
        tpu.vector_store %arg8[%swap3A_237], %broadcast_in_dim3A_5 {strides = array<i32>} : memref<4096xi32, #tpu.memory_space<vmem>>, vector<16xi32>,
        %swap3A_239 = arith.constant 1648 : index
        %swap3A_240 = tpu.vector_load %arg8[%swap3A_239] {strides = array<i32>} : memref<4096xi32, #tpu.memory_space<vmem>>, vector<16xi32>,
        tpu.vector_store %arg8[%swap3A_239], %broadcast_in_dim3A_5 {strides = array<i32>} : memref<4096xi32, #tpu.memory_space<vmem>>, vector<16xi32>,
        %swap3A_241 = arith.constant 1664 : index
        %swap3A_242 = tpu.vector_load %arg8[%swap3A_241] {strides = array<i32>} : memref<4096xi32, #tpu.memory_space<vmem>>, vector<16xi32>,
        tpu.vector_store %arg8[%swap3A_241], %broadcast_in_dim3A_5 {strides = array<i32>} : memref<4096xi32, #tpu.memory_space<vmem>>, vector<16xi32>,
        %swap3A_243 = arith.constant 1680 : index
        %swap3A_244 = tpu.vector_load %arg8[%swap3A_243] {strides = array<i32>} : memref<4096xi32, #tpu.memory_space<vmem>>, vector<16xi32>,
        tpu.vector_store %arg8[%swap3A_243], %broadcast_in_dim3A_5 {strides = array<i32>} : memref<4096xi32, #tpu.memory_space<vmem>>, vector<16xi32>,
        %swap3A_245 = arith.constant 1696 : index
        %swap3A_246 = tpu.vector_load %arg8[%swap3A_245] {strides = array<i32>} : memref<4096xi32, #tpu.memory_space<vmem>>, vector<16xi32>,
        tpu.vector_store %arg8[%swap3A_245], %broadcast_in_dim3A_5 {strides = array<i32>} : memref<4096xi32, #tpu.memory_space<vmem>>, vector<16xi32>,
        %swap3A_247 = arith.constant 1712 : index
        %swap3A_248 = tpu.vector_load %arg8[%swap3A_247] {strides = array<i32>} : memref<4096xi32, #tpu.memory_space<vmem>>, vector<16xi32>,
        tpu.vector_store %arg8[%swap3A_247], %broadcast_in_dim3A_5 {strides = array<i32>} : memref<4096xi32, #tpu.memory_space<vmem>>, vector<16xi32>,
        %swap3A_249 = arith.constant 1728 : index
        %swap3A_250 = tpu.vector_load %arg8[%swap3A_249] {strides = array<i32>} : memref<4096xi32, #tpu.memory_space<vmem>>, vector<16xi32>,
        tpu.vector_store %arg8[%swap3A_249], %broadcast_in_dim3A_5 {strides = array<i32>} : memref<4096xi32, #tpu.memory_space<vmem>>, vector<16xi32>,
        %swap3A_251 = arith.constant 1744 : index
        %swap3A_252 = tpu.vector_load %arg8[%swap3A_251] {strides = array<i32>} : memref<4096xi32, #tpu.memory_space<vmem>>, vector<16xi32>,
        tpu.vector_store %arg8[%swap3A_251], %broadcast_in_dim3A_5 {strides = array<i32>} : memref<4096xi32, #tpu.memory_space<vmem>>, vector<16xi32>,
        %swap3A_253 = arith.constant 1760 : index
        %swap3A_254 = tpu.vector_load %arg8[%swap3A_253] {strides = array<i32>} : memref<4096xi32, #tpu.memory_space<vmem>>, vector<16xi32>,
        tpu.vector_store %arg8[%swap3A_253], %broadcast_in_dim3A_5 {strides = array<i32>} : memref<4096xi32, #tpu.memory_space<vmem>>, vector<16xi32>,
        %swap3A_255 = arith.constant 1776 : index
        %swap3A_256 = tpu.vector_load %arg8[%swap3A_255] {strides = array<i32>} : memref<4096xi32, #tpu.memory_space<vmem>>, vector<16xi32>,
        tpu.vector_store %arg8[%swap3A_255], %broadcast_in_dim3A_5 {strides = array<i32>} : memref<4096xi32, #tpu.memory_space<vmem>>, vector<16xi32>,
        %swap3A_257 = arith.constant 1792 : index
        %swap3A_258 = tpu.vector_load %arg8[%swap3A_257] {strides = array<i32>} : memref<4096xi32, #tpu.memory_space<vmem>>, vector<16xi32>,
        tpu.vector_store %arg8[%swap3A_257], %broadcast_in_dim3A_5 {strides = array<i32>} : memref<4096xi32, #tpu.memory_space<vmem>>, vector<16xi32>,
        %swap3A_259 = arith.constant 1808 : index
        %swap3A_260 = tpu.vector_load %arg8[%swap3A_259] {strides = array<i32>} : memref<4096xi32, #tpu.memory_space<vmem>>, vector<16xi32>,
        tpu.vector_store %arg8[%swap3A_259], %broadcast_in_dim3A_5 {strides = array<i32>} : memref<4096xi32, #tpu.memory_space<vmem>>, vector<16xi32>,
        %swap3A_261 = arith.constant 1824 : index
        %swap3A_262 = tpu.vector_load %arg8[%swap3A_261] {strides = array<i32>} : memref<4096xi32, #tpu.memory_space<vmem>>, vector<16xi32>,
        tpu.vector_store %arg8[%swap3A_261], %broadcast_in_dim3A_5 {strides = array<i32>} : memref<4096xi32, #tpu.memory_space<vmem>>, vector<16xi32>,
        %swap3A_263 = arith.constant 1840 : index
        %swap3A_264 = tpu.vector_load %arg8[%swap3A_263] {strides = array<i32>} : memref<4096xi32, #tpu.memory_space<vmem>>, vector<16xi32>,
        tpu.vector_store %arg8[%swap3A_263], %broadcast_in_dim3A_5 {strides = array<i32>} : memref<4096xi32, #tpu.memory_space<vmem>>, vector<16xi32>,
        %swap3A_265 = arith.constant 1856 : index
        %swap3A_266 = tpu.vector_load %arg8[%swap3A_265] {strides = array<i32>} : memref<4096xi32, #tpu.memory_space<vmem>>, vector<16xi32>,
        tpu.vector_store %arg8[%swap3A_265], %broadcast_in_dim3A_5 {strides = array<i32>} : memref<4096xi32, #tpu.memory_space<vmem>>, vector<16xi32>,
        %swap3A_267 = arith.constant 1872 : index
        %swap3A_268 = tpu.vector_load %arg8[%swap3A_267] {strides = array<i32>} : memref<4096xi32, #tpu.memory_space<vmem>>, vector<16xi32>,
        tpu.vector_store %arg8[%swap3A_267], %broadcast_in_dim3A_5 {strides = array<i32>} : memref<4096xi32, #tpu.memory_space<vmem>>, vector<16xi32>,
        %swap3A_269 = arith.constant 1888 : index
        %swap3A_270 = tpu.vector_load %arg8[%swap3A_269] {strides = array<i32>} : memref<4096xi32, #tpu.memory_space<vmem>>, vector<16xi32>,
        tpu.vector_store %arg8[%swap3A_269], %broadcast_in_dim3A_5 {strides = array<i32>} : memref<4096xi32, #tpu.memory_space<vmem>>, vector<16xi32>,
        %swap3A_271 = arith.constant 1904 : index
        %swap3A_272 = tpu.vector_load %arg8[%swap3A_271] {strides = array<i32>} : memref<4096xi32, #tpu.memory_space<vmem>>, vector<16xi32>,
        tpu.vector_store %arg8[%swap3A_271], %broadcast_in_dim3A_5 {strides = array<i32>} : memref<4096xi32, #tpu.memory_space<vmem>>, vector<16xi32>,
        %swap3A_273 = arith.constant 1920 : index
        %swap3A_274 = tpu.vector_load %arg8[%swap3A_273] {strides = array<i32>} : memref<4096xi32, #tpu.memory_space<vmem>>, vector<16xi32>,
        tpu.vector_store %arg8[%swap3A_273], %broadcast_in_dim3A_5 {strides = array<i32>} : memref<4096xi32, #tpu.memory_space<vmem>>, vector<16xi32>,
        %swap3A_275 = arith.constant 1936 : index
        %swap3A_276 = tpu.vector_load %arg8[%swap3A_275] {strides = array<i32>} : memref<4096xi32, #tpu.memory_space<vmem>>, vector<16xi32>,
        tpu.vector_store %arg8[%swap3A_275], %broadcast_in_dim3A_5 {strides = array<i32>} : memref<4096xi32, #tpu.memory_space<vmem>>, vector<16xi32>,
        %swap3A_277 = arith.constant 1952 : index
        %swap3A_278 = tpu.vector_load %arg8[%swap3A_277] {strides = array<i32>} : memref<4096xi32, #tpu.memory_space<vmem>>, vector<16xi32>,
        tpu.vector_store %arg8[%swap3A_277], %broadcast_in_dim3A_5 {strides = array<i32>} : memref<4096xi32, #tpu.memory_space<vmem>>, vector<16xi32>,
        %swap3A_279 = arith.constant 1968 : index
        %swap3A_280 = tpu.vector_load %arg8[%swap3A_279] {strides = array<i32>} : memref<4096xi32, #tpu.memory_space<vmem>>, vector<16xi32>,
        tpu.vector_store %arg8[%swap3A_279], %broadcast_in_dim3A_5 {strides = array<i32>} : memref<4096xi32, #tpu.memory_space<vmem>>, vector<16xi32>,
        %swap3A_281 = arith.constant 1984 : index
        %swap3A_282 = tpu.vector_load %arg8[%swap3A_281] {strides = array<i32>} : memref<4096xi32, #tpu.memory_space<vmem>>, vector<16xi32>,
        tpu.vector_store %arg8[%swap3A_281], %broadcast_in_dim3A_5 {strides = array<i32>} : memref<4096xi32, #tpu.memory_space<vmem>>, vector<16xi32>,
        %swap3A_283 = arith.constant 2000 : index
        %swap3A_284 = tpu.vector_load %arg8[%swap3A_283] {strides = array<i32>} : memref<4096xi32, #tpu.memory_space<vmem>>, vector<16xi32>,
        tpu.vector_store %arg8[%swap3A_283], %broadcast_in_dim3A_5 {strides = array<i32>} : memref<4096xi32, #tpu.memory_space<vmem>>, vector<16xi32>,
        %swap3A_285 = arith.constant 2016 : index
        %swap3A_286 = tpu.vector_load %arg8[%swap3A_285] {strides = array<i32>} : memref<4096xi32, #tpu.memory_space<vmem>>, vector<16xi32>,
        tpu.vector_store %arg8[%swap3A_285], %broadcast_in_dim3A_5 {strides = array<i32>} : memref<4096xi32, #tpu.memory_space<vmem>>, vector<16xi32>,
        %swap3A_287 = arith.constant 2032 : index
        %swap3A_288 = tpu.vector_load %arg8[%swap3A_287] {strides = array<i32>} : memref<4096xi32, #tpu.memory_space<vmem>>, vector<16xi32>,
        tpu.vector_store %arg8[%swap3A_287], %broadcast_in_dim3A_5 {strides = array<i32>} : memref<4096xi32, #tpu.memory_space<vmem>>, vector<16xi32>,
        %swap3A_289 = arith.constant 2048 : index
        %swap3A_290 = tpu.vector_load %arg8[%swap3A_289] {strides = array<i32>} : memref<4096xi32, #tpu.memory_space<vmem>>, vector<16xi32>,
        tpu.vector_store %arg8[%swap3A_289], %broadcast_in_dim3A_5 {strides = array<i32>} : memref<4096xi32, #tpu.memory_space<vmem>>, vector<16xi32>,
        %swap3A_291 = arith.constant 2064 : index
        %swap3A_292 = tpu.vector_load %arg8[%swap3A_291] {strides = array<i32>} : memref<4096xi32, #tpu.memory_space<vmem>>, vector<16xi32>,
        tpu.vector_store %arg8[%swap3A_291], %broadcast_in_dim3A_5 {strides = array<i32>} : memref<4096xi32, #tpu.memory_space<vmem>>, vector<16xi32>,
        %swap3A_293 = arith.constant 2080 : index
        %swap3A_294 = tpu.vector_load %arg8[%swap3A_293] {strides = array<i32>} : memref<4096xi32, #tpu.memory_space<vmem>>, vector<16xi32>,
        tpu.vector_store %arg8[%swap3A_293], %broadcast_in_dim3A_5 {strides = array<i32>} : memref<4096xi32, #tpu.memory_space<vmem>>, vector<16xi32>,
        %swap3A_295 = arith.constant 2096 : index
        %swap3A_296 = tpu.vector_load %arg8[%swap3A_295] {strides = array<i32>} : memref<4096xi32, #tpu.memory_space<vmem>>, vector<16xi32>,
        tpu.vector_store %arg8[%swap3A_295], %broadcast_in_dim3A_5 {strides = array<i32>} : memref<4096xi32, #tpu.memory_space<vmem>>, vector<16xi32>,
        %swap3A_297 = arith.constant 2112 : index
        %swap3A_298 = tpu.vector_load %arg8[%swap3A_297] {strides = array<i32>} : memref<4096xi32, #tpu.memory_space<vmem>>, vector<16xi32>,
        tpu.vector_store %arg8[%swap3A_297], %broadcast_in_dim3A_5 {strides = array<i32>} : memref<4096xi32, #tpu.memory_space<vmem>>, vector<16xi32>,
        %swap3A_299 = arith.constant 2128 : index
        %swap3A_300 = tpu.vector_load %arg8[%swap3A_299] {strides = array<i32>} : memref<4096xi32, #tpu.memory_space<vmem>>, vector<16xi32>,
        tpu.vector_store %arg8[%swap3A_299], %broadcast_in_dim3A_5 {strides = array<i32>} : memref<4096xi32, #tpu.memory_space<vmem>>, vector<16xi32>,
        %swap3A_301 = arith.constant 2144 : index
        %swap3A_302 = tpu.vector_load %arg8[%swap3A_301] {strides = array<i32>} : memref<4096xi32, #tpu.memory_space<vmem>>, vector<16xi32>,
        tpu.vector_store %arg8[%swap3A_301], %broadcast_in_dim3A_5 {strides = array<i32>} : memref<4096xi32, #tpu.memory_space<vmem>>, vector<16xi32>,
        %swap3A_303 = arith.constant 2160 : index
        %swap3A_304 = tpu.vector_load %arg8[%swap3A_303] {strides = array<i32>} : memref<4096xi32, #tpu.memory_space<vmem>>, vector<16xi32>,
        tpu.vector_store %arg8[%swap3A_303], %broadcast_in_dim3A_5 {strides = array<i32>} : memref<4096xi32, #tpu.memory_space<vmem>>, vector<16xi32>,
        %swap3A_305 = arith.constant 2176 : index
        %swap3A_306 = tpu.vector_load %arg8[%swap3A_305] {strides = array<i32>} : memref<4096xi32, #tpu.memory_space<vmem>>, vector<16xi32>,
        tpu.vector_store %arg8[%swap3A_305], %broadcast_in_dim3A_5 {strides = array<i32>} : memref<4096xi32, #tpu.memory_space<vmem>>, vector<16xi32>,
        %swap3A_307 = arith.constant 2192 : index
        %swap3A_308 = tpu.vector_load %arg8[%swap3A_307] {strides = array<i32>} : memref<4096xi32, #tpu.memory_space<vmem>>, vector<16xi32>,
        tpu.vector_store %arg8[%swap3A_307], %broadcast_in_dim3A_5 {strides = array<i32>} : memref<4096xi32, #tpu.memory_space<vmem>>, vector<16xi32>,
        %swap3A_309 = arith.constant 2208 : index
        %swap3A_310 = tpu.vector_load %arg8[%swap3A_309] {strides = array<i32>} : memref<4096xi32, #tpu.memory_space<vmem>>, vector<16xi32>,
        tpu.vector_store %arg8[%swap3A_309], %broadcast_in_dim3A_5 {strides = array<i32>} : memref<4096xi32, #tpu.memory_space<vmem>>, vector<16xi32>,
        %swap3A_311 = arith.constant 2224 : index
        %swap3A_312 = tpu.vector_load %arg8[%swap3A_311] {strides = array<i32>} : memref<4096xi32, #tpu.memory_space<vmem>>, vector<16xi32>,
        tpu.vector_store %arg8[%swap3A_311], %broadcast_in_dim3A_5 {strides = array<i32>} : memref<4096xi32, #tpu.memory_space<vmem>>, vector<16xi32>,
        %swap3A_313 = arith.constant 2240 : index
        %swap3A_314 = tpu.vector_load %arg8[%swap3A_313] {strides = array<i32>} : memref<4096xi32, #tpu.memory_space<vmem>>, vector<16xi32>,
        tpu.vector_store %arg8[%swap3A_313], %broadcast_in_dim3A_5 {strides = array<i32>} : memref<4096xi32, #tpu.memory_space<vmem>>, vector<16xi32>,
        %swap3A_315 = arith.constant 2256 : index
        %swap3A_316 = tpu.vector_load %arg8[%swap3A_315] {strides = array<i32>} : memref<4096xi32, #tpu.memory_space<vmem>>, vector<16xi32>,
        tpu.vector_store %arg8[%swap3A_315], %broadcast_in_dim3A_5 {strides = array<i32>} : memref<4096xi32, #tpu.memory_space<vmem>>, vector<16xi32>,
        %swap3A_317 = arith.constant 2272 : index
        %swap3A_318 = tpu.vector_load %arg8[%swap3A_317] {strides = array<i32>} : memref<4096xi32, #tpu.memory_space<vmem>>, vector<16xi32>,
        tpu.vector_store %arg8[%swap3A_317], %broadcast_in_dim3A_5 {strides = array<i32>} : memref<4096xi32, #tpu.memory_space<vmem>>, vector<16xi32>,
        %swap3A_319 = arith.constant 2288 : index
        %swap3A_320 = tpu.vector_load %arg8[%swap3A_319] {strides = array<i32>} : memref<4096xi32, #tpu.memory_space<vmem>>, vector<16xi32>,
        tpu.vector_store %arg8[%swap3A_319], %broadcast_in_dim3A_5 {strides = array<i32>} : memref<4096xi32, #tpu.memory_space<vmem>>, vector<16xi32>,
        %swap3A_321 = arith.constant 2304 : index
        %swap3A_322 = tpu.vector_load %arg8[%swap3A_321] {strides = array<i32>} : memref<4096xi32, #tpu.memory_space<vmem>>, vector<16xi32>,
        tpu.vector_store %arg8[%swap3A_321], %broadcast_in_dim3A_5 {strides = array<i32>} : memref<4096xi32, #tpu.memory_space<vmem>>, vector<16xi32>,
        %swap3A_323 = arith.constant 2320 : index
        %swap3A_324 = tpu.vector_load %arg8[%swap3A_323] {strides = array<i32>} : memref<4096xi32, #tpu.memory_space<vmem>>, vector<16xi32>,
        tpu.vector_store %arg8[%swap3A_323], %broadcast_in_dim3A_5 {strides = array<i32>} : memref<4096xi32, #tpu.memory_space<vmem>>, vector<16xi32>,
        %swap3A_325 = arith.constant 2336 : index
        %swap3A_326 = tpu.vector_load %arg8[%swap3A_325] {strides = array<i32>} : memref<4096xi32, #tpu.memory_space<vmem>>, vector<16xi32>,
        tpu.vector_store %arg8[%swap3A_325], %broadcast_in_dim3A_5 {strides = array<i32>} : memref<4096xi32, #tpu.memory_space<vmem>>, vector<16xi32>,
        %swap3A_327 = arith.constant 2352 : index
        %swap3A_328 = tpu.vector_load %arg8[%swap3A_327] {strides = array<i32>} : memref<4096xi32, #tpu.memory_space<vmem>>, vector<16xi32>,
        tpu.vector_store %arg8[%swap3A_327], %broadcast_in_dim3A_5 {strides = array<i32>} : memref<4096xi32, #tpu.memory_space<vmem>>, vector<16xi32>,
        %swap3A_329 = arith.constant 2368 : index
        %swap3A_330 = tpu.vector_load %arg8[%swap3A_329] {strides = array<i32>} : memref<4096xi32, #tpu.memory_space<vmem>>, vector<16xi32>,
        tpu.vector_store %arg8[%swap3A_329], %broadcast_in_dim3A_5 {strides = array<i32>} : memref<4096xi32, #tpu.memory_space<vmem>>, vector<16xi32>,
        %swap3A_331 = arith.constant 2384 : index
        %swap3A_332 = tpu.vector_load %arg8[%swap3A_331] {strides = array<i32>} : memref<4096xi32, #tpu.memory_space<vmem>>, vector<16xi32>,
        tpu.vector_store %arg8[%swap3A_331], %broadcast_in_dim3A_5 {strides = array<i32>} : memref<4096xi32, #tpu.memory_space<vmem>>, vector<16xi32>,
        %swap3A_333 = arith.constant 2400 : index
        %swap3A_334 = tpu.vector_load %arg8[%swap3A_333] {strides = array<i32>} : memref<4096xi32, #tpu.memory_space<vmem>>, vector<16xi32>,
        tpu.vector_store %arg8[%swap3A_333], %broadcast_in_dim3A_5 {strides = array<i32>} : memref<4096xi32, #tpu.memory_space<vmem>>, vector<16xi32>,
        %swap3A_335 = arith.constant 2416 : index
        %swap3A_336 = tpu.vector_load %arg8[%swap3A_335] {strides = array<i32>} : memref<4096xi32, #tpu.memory_space<vmem>>, vector<16xi32>,
        tpu.vector_store %arg8[%swap3A_335], %broadcast_in_dim3A_5 {strides = array<i32>} : memref<4096xi32, #tpu.memory_space<vmem>>, vector<16xi32>,
        %swap3A_337 = arith.constant 2432 : index
        %swap3A_338 = tpu.vector_load %arg8[%swap3A_337] {strides = array<i32>} : memref<4096xi32, #tpu.memory_space<vmem>>, vector<16xi32>,
        tpu.vector_store %arg8[%swap3A_337], %broadcast_in_dim3A_5 {strides = array<i32>} : memref<4096xi32, #tpu.memory_space<vmem>>, vector<16xi32>,
        %swap3A_339 = arith.constant 2448 : index
        %swap3A_340 = tpu.vector_load %arg8[%swap3A_339] {strides = array<i32>} : memref<4096xi32, #tpu.memory_space<vmem>>, vector<16xi32>,
        tpu.vector_store %arg8[%swap3A_339], %broadcast_in_dim3A_5 {strides = array<i32>} : memref<4096xi32, #tpu.memory_space<vmem>>, vector<16xi32>,
        %swap3A_341 = arith.constant 2464 : index
        %swap3A_342 = tpu.vector_load %arg8[%swap3A_341] {strides = array<i32>} : memref<4096xi32, #tpu.memory_space<vmem>>, vector<16xi32>,
        tpu.vector_store %arg8[%swap3A_341], %broadcast_in_dim3A_5 {strides = array<i32>} : memref<4096xi32, #tpu.memory_space<vmem>>, vector<16xi32>,
        %swap3A_343 = arith.constant 2480 : index
        %swap3A_344 = tpu.vector_load %arg8[%swap3A_343] {strides = array<i32>} : memref<4096xi32, #tpu.memory_space<vmem>>, vector<16xi32>,
        tpu.vector_store %arg8[%swap3A_343], %broadcast_in_dim3A_5 {strides = array<i32>} : memref<4096xi32, #tpu.memory_space<vmem>>, vector<16xi32>,
        %swap3A_345 = arith.constant 2496 : index
        %swap3A_346 = tpu.vector_load %arg8[%swap3A_345] {strides = array<i32>} : memref<4096xi32, #tpu.memory_space<vmem>>, vector<16xi32>,
        tpu.vector_store %arg8[%swap3A_345], %broadcast_in_dim3A_5 {strides = array<i32>} : memref<4096xi32, #tpu.memory_space<vmem>>, vector<16xi32>,
        %swap3A_347 = arith.constant 2512 : index
        %swap3A_348 = tpu.vector_load %arg8[%swap3A_347] {strides = array<i32>} : memref<4096xi32, #tpu.memory_space<vmem>>, vector<16xi32>,
        tpu.vector_store %arg8[%swap3A_347], %broadcast_in_dim3A_5 {strides = array<i32>} : memref<4096xi32, #tpu.memory_space<vmem>>, vector<16xi32>,
        %swap3A_349 = arith.constant 2528 : index
        %swap3A_350 = tpu.vector_load %arg8[%swap3A_349] {strides = array<i32>} : memref<4096xi32, #tpu.memory_space<vmem>>, vector<16xi32>,
        tpu.vector_store %arg8[%swap3A_349], %broadcast_in_dim3A_5 {strides = array<i32>} : memref<4096xi32, #tpu.memory_space<vmem>>, vector<16xi32>,
        %swap3A_351 = arith.constant 2544 : index
        %swap3A_352 = tpu.vector_load %arg8[%swap3A_351] {strides = array<i32>} : memref<4096xi32, #tpu.memory_space<vmem>>, vector<16xi32>,
        tpu.vector_store %arg8[%swap3A_351], %broadcast_in_dim3A_5 {strides = array<i32>} : memref<4096xi32, #tpu.memory_space<vmem>>, vector<16xi32>,
        %swap3A_353 = arith.constant 2560 : index
        %swap3A_354 = tpu.vector_load %arg8[%swap3A_353] {strides = array<i32>} : memref<4096xi32, #tpu.memory_space<vmem>>, vector<16xi32>,
        tpu.vector_store %arg8[%swap3A_353], %broadcast_in_dim3A_5 {strides = array<i32>} : memref<4096xi32, #tpu.memory_space<vmem>>, vector<16xi32>,
        %swap3A_355 = arith.constant 2576 : index
        %swap3A_356 = tpu.vector_load %arg8[%swap3A_355] {strides = array<i32>} : memref<4096xi32, #tpu.memory_space<vmem>>, vector<16xi32>,
        tpu.vector_store %arg8[%swap3A_355], %broadcast_in_dim3A_5 {strides = array<i32>} : memref<4096xi32, #tpu.memory_space<vmem>>, vector<16xi32>,
        %swap3A_357 = arith.constant 2592 : index
        %swap3A_358 = tpu.vector_load %arg8[%swap3A_357] {strides = array<i32>} : memref<4096xi32, #tpu.memory_space<vmem>>, vector<16xi32>,
        tpu.vector_store %arg8[%swap3A_357], %broadcast_in_dim3A_5 {strides = array<i32>} : memref<4096xi32, #tpu.memory_space<vmem>>, vector<16xi32>,
        %swap3A_359 = arith.constant 2608 : index
        %swap3A_360 = tpu.vector_load %arg8[%swap3A_359] {strides = array<i32>} : memref<4096xi32, #tpu.memory_space<vmem>>, vector<16xi32>,
        tpu.vector_store %arg8[%swap3A_359], %broadcast_in_dim3A_5 {strides = array<i32>} : memref<4096xi32, #tpu.memory_space<vmem>>, vector<16xi32>,
        %swap3A_361 = arith.constant 2624 : index
        %swap3A_362 = tpu.vector_load %arg8[%swap3A_361] {strides = array<i32>} : memref<4096xi32, #tpu.memory_space<vmem>>, vector<16xi32>,
        tpu.vector_store %arg8[%swap3A_361], %broadcast_in_dim3A_5 {strides = array<i32>} : memref<4096xi32, #tpu.memory_space<vmem>>, vector<16xi32>,
        %swap3A_363 = arith.constant 2640 : index
        %swap3A_364 = tpu.vector_load %arg8[%swap3A_363] {strides = array<i32>} : memref<4096xi32, #tpu.memory_space<vmem>>, vector<16xi32>,
        tpu.vector_store %arg8[%swap3A_363], %broadcast_in_dim3A_5 {strides = array<i32>} : memref<4096xi32, #tpu.memory_space<vmem>>, vector<16xi32>,
        %swap3A_365 = arith.constant 2656 : index
        %swap3A_366 = tpu.vector_load %arg8[%swap3A_365] {strides = array<i32>} : memref<4096xi32, #tpu.memory_space<vmem>>, vector<16xi32>,
        tpu.vector_store %arg8[%swap3A_365], %broadcast_in_dim3A_5 {strides = array<i32>} : memref<4096xi32, #tpu.memory_space<vmem>>, vector<16xi32>,
        %swap3A_367 = arith.constant 2672 : index
        %swap3A_368 = tpu.vector_load %arg8[%swap3A_367] {strides = array<i32>} : memref<4096xi32, #tpu.memory_space<vmem>>, vector<16xi32>,
        tpu.vector_store %arg8[%swap3A_367], %broadcast_in_dim3A_5 {strides = array<i32>} : memref<4096xi32, #tpu.memory_space<vmem>>, vector<16xi32>,
        %swap3A_369 = arith.constant 2688 : index
        %swap3A_370 = tpu.vector_load %arg8[%swap3A_369] {strides = array<i32>} : memref<4096xi32, #tpu.memory_space<vmem>>, vector<16xi32>,
        tpu.vector_store %arg8[%swap3A_369], %broadcast_in_dim3A_5 {strides = array<i32>} : memref<4096xi32, #tpu.memory_space<vmem>>, vector<16xi32>,
        %swap3A_371 = arith.constant 2704 : index
        %swap3A_372 = tpu.vector_load %arg8[%swap3A_371] {strides = array<i32>} : memref<4096xi32, #tpu.memory_space<vmem>>, vector<16xi32>,
        tpu.vector_store %arg8[%swap3A_371], %broadcast_in_dim3A_5 {strides = array<i32>} : memref<4096xi32, #tpu.memory_space<vmem>>, vector<16xi32>,
        %swap3A_373 = arith.constant 2720 : index
        %swap3A_374 = tpu.vector_load %arg8[%swap3A_373] {strides = array<i32>} : memref<4096xi32, #tpu.memory_space<vmem>>, vector<16xi32>,
        tpu.vector_store %arg8[%swap3A_373], %broadcast_in_dim3A_5 {strides = array<i32>} : memref<4096xi32, #tpu.memory_space<vmem>>, vector<16xi32>,
        %swap3A_375 = arith.constant 2736 : index
        %swap3A_376 = tpu.vector_load %arg8[%swap3A_375] {strides = array<i32>} : memref<4096xi32, #tpu.memory_space<vmem>>, vector<16xi32>,
        tpu.vector_store %arg8[%swap3A_375], %broadcast_in_dim3A_5 {strides = array<i32>} : memref<4096xi32, #tpu.memory_space<vmem>>, vector<16xi32>,
        %swap3A_377 = arith.constant 2752 : index
        %swap3A_378 = tpu.vector_load %arg8[%swap3A_377] {strides = array<i32>} : memref<4096xi32, #tpu.memory_space<vmem>>, vector<16xi32>,
        tpu.vector_store %arg8[%swap3A_377], %broadcast_in_dim3A_5 {strides = array<i32>} : memref<4096xi32, #tpu.memory_space<vmem>>, vector<16xi32>,
        %swap3A_379 = arith.constant 2768 : index
        %swap3A_380 = tpu.vector_load %arg8[%swap3A_379] {strides = array<i32>} : memref<4096xi32, #tpu.memory_space<vmem>>, vector<16xi32>,
        tpu.vector_store %arg8[%swap3A_379], %broadcast_in_dim3A_5 {strides = array<i32>} : memref<4096xi32, #tpu.memory_space<vmem>>, vector<16xi32>,
        %swap3A_381 = arith.constant 2784 : index
        %swap3A_382 = tpu.vector_load %arg8[%swap3A_381] {strides = array<i32>} : memref<4096xi32, #tpu.memory_space<vmem>>, vector<16xi32>,
        tpu.vector_store %arg8[%swap3A_381], %broadcast_in_dim3A_5 {strides = array<i32>} : memref<4096xi32, #tpu.memory_space<vmem>>, vector<16xi32>,
        %swap3A_383 = arith.constant 2800 : index
        %swap3A_384 = tpu.vector_load %arg8[%swap3A_383] {strides = array<i32>} : memref<4096xi32, #tpu.memory_space<vmem>>, vector<16xi32>,
        tpu.vector_store %arg8[%swap3A_383], %broadcast_in_dim3A_5 {strides = array<i32>} : memref<4096xi32, #tpu.memory_space<vmem>>, vector<16xi32>,
        %swap3A_385 = arith.constant 2816 : index
        %swap3A_386 = tpu.vector_load %arg8[%swap3A_385] {strides = array<i32>} : memref<4096xi32, #tpu.memory_space<vmem>>, vector<16xi32>,
        tpu.vector_store %arg8[%swap3A_385], %broadcast_in_dim3A_5 {strides = array<i32>} : memref<4096xi32, #tpu.memory_space<vmem>>, vector<16xi32>,
        %swap3A_387 = arith.constant 2832 : index
        %swap3A_388 = tpu.vector_load %arg8[%swap3A_387] {strides = array<i32>} : memref<4096xi32, #tpu.memory_space<vmem>>, vector<16xi32>,
        tpu.vector_store %arg8[%swap3A_387], %broadcast_in_dim3A_5 {strides = array<i32>} : memref<4096xi32, #tpu.memory_space<vmem>>, vector<16xi32>,
        %swap3A_389 = arith.constant 2848 : index
        %swap3A_390 = tpu.vector_load %arg8[%swap3A_389] {strides = array<i32>} : memref<4096xi32, #tpu.memory_space<vmem>>, vector<16xi32>,
        tpu.vector_store %arg8[%swap3A_389], %broadcast_in_dim3A_5 {strides = array<i32>} : memref<4096xi32, #tpu.memory_space<vmem>>, vector<16xi32>,
        %swap3A_391 = arith.constant 2864 : index
        %swap3A_392 = tpu.vector_load %arg8[%swap3A_391] {strides = array<i32>} : memref<4096xi32, #tpu.memory_space<vmem>>, vector<16xi32>,
        tpu.vector_store %arg8[%swap3A_391], %broadcast_in_dim3A_5 {strides = array<i32>} : memref<4096xi32, #tpu.memory_space<vmem>>, vector<16xi32>,
        %swap3A_393 = arith.constant 2880 : index
        %swap3A_394 = tpu.vector_load %arg8[%swap3A_393] {strides = array<i32>} : memref<4096xi32, #tpu.memory_space<vmem>>, vector<16xi32>,
        tpu.vector_store %arg8[%swap3A_393], %broadcast_in_dim3A_5 {strides = array<i32>} : memref<4096xi32, #tpu.memory_space<vmem>>, vector<16xi32>,
        %swap3A_395 = arith.constant 2896 : index
        %swap3A_396 = tpu.vector_load %arg8[%swap3A_395] {strides = array<i32>} : memref<4096xi32, #tpu.memory_space<vmem>>, vector<16xi32>,
        tpu.vector_store %arg8[%swap3A_395], %broadcast_in_dim3A_5 {strides = array<i32>} : memref<4096xi32, #tpu.memory_space<vmem>>, vector<16xi32>,
        %swap3A_397 = arith.constant 2912 : index
        %swap3A_398 = tpu.vector_load %arg8[%swap3A_397] {strides = array<i32>} : memref<4096xi32, #tpu.memory_space<vmem>>, vector<16xi32>,
        tpu.vector_store %arg8[%swap3A_397], %broadcast_in_dim3A_5 {strides = array<i32>} : memref<4096xi32, #tpu.memory_space<vmem>>, vector<16xi32>,
        %swap3A_399 = arith.constant 2928 : index
        %swap3A_400 = tpu.vector_load %arg8[%swap3A_399] {strides = array<i32>} : memref<4096xi32, #tpu.memory_space<vmem>>, vector<16xi32>,
        tpu.vector_store %arg8[%swap3A_399], %broadcast_in_dim3A_5 {strides = array<i32>} : memref<4096xi32, #tpu.memory_space<vmem>>, vector<16xi32>,
        %swap3A_401 = arith.constant 2944 : index
        %swap3A_402 = tpu.vector_load %arg8[%swap3A_401] {strides = array<i32>} : memref<4096xi32, #tpu.memory_space<vmem>>, vector<16xi32>,
        tpu.vector_store %arg8[%swap3A_401], %broadcast_in_dim3A_5 {strides = array<i32>} : memref<4096xi32, #tpu.memory_space<vmem>>, vector<16xi32>,
        %swap3A_403 = arith.constant 2960 : index
        %swap3A_404 = tpu.vector_load %arg8[%swap3A_403] {strides = array<i32>} : memref<4096xi32, #tpu.memory_space<vmem>>, vector<16xi32>,
        tpu.vector_store %arg8[%swap3A_403], %broadcast_in_dim3A_5 {strides = array<i32>} : memref<4096xi32, #tpu.memory_space<vmem>>, vector<16xi32>,
        %swap3A_405 = arith.constant 2976 : index
        %swap3A_406 = tpu.vector_load %arg8[%swap3A_405] {strides = array<i32>} : memref<4096xi32, #tpu.memory_space<vmem>>, vector<16xi32>,
        tpu.vector_store %arg8[%swap3A_405], %broadcast_in_dim3A_5 {strides = array<i32>} : memref<4096xi32, #tpu.memory_space<vmem>>, vector<16xi32>,
        %swap3A_407 = arith.constant 2992 : index
        %swap3A_408 = tpu.vector_load %arg8[%swap3A_407] {strides = array<i32>} : memref<4096xi32, #tpu.memory_space<vmem>>, vector<16xi32>,
        tpu.vector_store %arg8[%swap3A_407], %broadcast_in_dim3A_5 {strides = array<i32>} : memref<4096xi32, #tpu.memory_space<vmem>>, vector<16xi32>,
        %swap3A_409 = arith.constant 3008 : index
        %swap3A_410 = tpu.vector_load %arg8[%swap3A_409] {strides = array<i32>} : memref<4096xi32, #tpu.memory_space<vmem>>, vector<16xi32>,
        tpu.vector_store %arg8[%swap3A_409], %broadcast_in_dim3A_5 {strides = array<i32>} : memref<4096xi32, #tpu.memory_space<vmem>>, vector<16xi32>,
        %swap3A_411 = arith.constant 3024 : index
        %swap3A_412 = tpu.vector_load %arg8[%swap3A_411] {strides = array<i32>} : memref<4096xi32, #tpu.memory_space<vmem>>, vector<16xi32>,
        tpu.vector_store %arg8[%swap3A_411], %broadcast_in_dim3A_5 {strides = array<i32>} : memref<4096xi32, #tpu.memory_space<vmem>>, vector<16xi32>,
        %swap3A_413 = arith.constant 3040 : index
        %swap3A_414 = tpu.vector_load %arg8[%swap3A_413] {strides = array<i32>} : memref<4096xi32, #tpu.memory_space<vmem>>, vector<16xi32>,
        tpu.vector_store %arg8[%swap3A_413], %broadcast_in_dim3A_5 {strides = array<i32>} : memref<4096xi32, #tpu.memory_space<vmem>>, vector<16xi32>,
        %swap3A_415 = arith.constant 3056 : index
        %swap3A_416 = tpu.vector_load %arg8[%swap3A_415] {strides = array<i32>} : memref<4096xi32, #tpu.memory_space<vmem>>, vector<16xi32>,
        tpu.vector_store %arg8[%swap3A_415], %broadcast_in_dim3A_5 {strides = array<i32>} : memref<4096xi32, #tpu.memory_space<vmem>>, vector<16xi32>,
        %swap3A_417 = arith.constant 3072 : index
        %swap3A_418 = tpu.vector_load %arg8[%swap3A_417] {strides = array<i32>} : memref<4096xi32, #tpu.memory_space<vmem>>, vector<16xi32>,
        tpu.vector_store %arg8[%swap3A_417], %broadcast_in_dim3A_5 {strides = array<i32>} : memref<4096xi32, #tpu.memory_space<vmem>>, vector<16xi32>,
        %swap3A_419 = arith.constant 3088 : index
        %swap3A_420 = tpu.vector_load %arg8[%swap3A_419] {strides = array<i32>} : memref<4096xi32, #tpu.memory_space<vmem>>, vector<16xi32>,
        tpu.vector_store %arg8[%swap3A_419], %broadcast_in_dim3A_5 {strides = array<i32>} : memref<4096xi32, #tpu.memory_space<vmem>>, vector<16xi32>,
        %swap3A_421 = arith.constant 3104 : index
        %swap3A_422 = tpu.vector_load %arg8[%swap3A_421] {strides = array<i32>} : memref<4096xi32, #tpu.memory_space<vmem>>, vector<16xi32>,
        tpu.vector_store %arg8[%swap3A_421], %broadcast_in_dim3A_5 {strides = array<i32>} : memref<4096xi32, #tpu.memory_space<vmem>>, vector<16xi32>,
        %swap3A_423 = arith.constant 3120 : index
        %swap3A_424 = tpu.vector_load %arg8[%swap3A_423] {strides = array<i32>} : memref<4096xi32, #tpu.memory_space<vmem>>, vector<16xi32>,
        tpu.vector_store %arg8[%swap3A_423], %broadcast_in_dim3A_5 {strides = array<i32>} : memref<4096xi32, #tpu.memory_space<vmem>>, vector<16xi32>,
        %swap3A_425 = arith.constant 3136 : index
        %swap3A_426 = tpu.vector_load %arg8[%swap3A_425] {strides = array<i32>} : memref<4096xi32, #tpu.memory_space<vmem>>, vector<16xi32>,
        tpu.vector_store %arg8[%swap3A_425], %broadcast_in_dim3A_5 {strides = array<i32>} : memref<4096xi32, #tpu.memory_space<vmem>>, vector<16xi32>,
        %swap3A_427 = arith.constant 3152 : index
        %swap3A_428 = tpu.vector_load %arg8[%swap3A_427] {strides = array<i32>} : memref<4096xi32, #tpu.memory_space<vmem>>, vector<16xi32>,
        tpu.vector_store %arg8[%swap3A_427], %broadcast_in_dim3A_5 {strides = array<i32>} : memref<4096xi32, #tpu.memory_space<vmem>>, vector<16xi32>,
        %swap3A_429 = arith.constant 3168 : index
        %swap3A_430 = tpu.vector_load %arg8[%swap3A_429] {strides = array<i32>} : memref<4096xi32, #tpu.memory_space<vmem>>, vector<16xi32>,
        tpu.vector_store %arg8[%swap3A_429], %broadcast_in_dim3A_5 {strides = array<i32>} : memref<4096xi32, #tpu.memory_space<vmem>>, vector<16xi32>,
        %swap3A_431 = arith.constant 3184 : index
        %swap3A_432 = tpu.vector_load %arg8[%swap3A_431] {strides = array<i32>} : memref<4096xi32, #tpu.memory_space<vmem>>, vector<16xi32>,
        tpu.vector_store %arg8[%swap3A_431], %broadcast_in_dim3A_5 {strides = array<i32>} : memref<4096xi32, #tpu.memory_space<vmem>>, vector<16xi32>,
        %swap3A_433 = arith.constant 3200 : index
        %swap3A_434 = tpu.vector_load %arg8[%swap3A_433] {strides = array<i32>} : memref<4096xi32, #tpu.memory_space<vmem>>, vector<16xi32>,
        tpu.vector_store %arg8[%swap3A_433], %broadcast_in_dim3A_5 {strides = array<i32>} : memref<4096xi32, #tpu.memory_space<vmem>>, vector<16xi32>,
        %swap3A_435 = arith.constant 3216 : index
        %swap3A_436 = tpu.vector_load %arg8[%swap3A_435] {strides = array<i32>} : memref<4096xi32, #tpu.memory_space<vmem>>, vector<16xi32>,
        tpu.vector_store %arg8[%swap3A_435], %broadcast_in_dim3A_5 {strides = array<i32>} : memref<4096xi32, #tpu.memory_space<vmem>>, vector<16xi32>,
        %swap3A_437 = arith.constant 3232 : index
        %swap3A_438 = tpu.vector_load %arg8[%swap3A_437] {strides = array<i32>} : memref<4096xi32, #tpu.memory_space<vmem>>, vector<16xi32>,
        tpu.vector_store %arg8[%swap3A_437], %broadcast_in_dim3A_5 {strides = array<i32>} : memref<4096xi32, #tpu.memory_space<vmem>>, vector<16xi32>,
        %swap3A_439 = arith.constant 3248 : index
        %swap3A_440 = tpu.vector_load %arg8[%swap3A_439] {strides = array<i32>} : memref<4096xi32, #tpu.memory_space<vmem>>, vector<16xi32>,
        tpu.vector_store %arg8[%swap3A_439], %broadcast_in_dim3A_5 {strides = array<i32>} : memref<4096xi32, #tpu.memory_space<vmem>>, vector<16xi32>,
        %swap3A_441 = arith.constant 3264 : index
        %swap3A_442 = tpu.vector_load %arg8[%swap3A_441] {strides = array<i32>} : memref<4096xi32, #tpu.memory_space<vmem>>, vector<16xi32>,
        tpu.vector_store %arg8[%swap3A_441], %broadcast_in_dim3A_5 {strides = array<i32>} : memref<4096xi32, #tpu.memory_space<vmem>>, vector<16xi32>,
        %swap3A_443 = arith.constant 3280 : index
        %swap3A_444 = tpu.vector_load %arg8[%swap3A_443] {strides = array<i32>} : memref<4096xi32, #tpu.memory_space<vmem>>, vector<16xi32>,
        tpu.vector_store %arg8[%swap3A_443], %broadcast_in_dim3A_5 {strides = array<i32>} : memref<4096xi32, #tpu.memory_space<vmem>>, vector<16xi32>,
        %swap3A_445 = arith.constant 3296 : index
        %swap3A_446 = tpu.vector_load %arg8[%swap3A_445] {strides = array<i32>} : memref<4096xi32, #tpu.memory_space<vmem>>, vector<16xi32>,
        tpu.vector_store %arg8[%swap3A_445], %broadcast_in_dim3A_5 {strides = array<i32>} : memref<4096xi32, #tpu.memory_space<vmem>>, vector<16xi32>,
        %swap3A_447 = arith.constant 3312 : index
        %swap3A_448 = tpu.vector_load %arg8[%swap3A_447] {strides = array<i32>} : memref<4096xi32, #tpu.memory_space<vmem>>, vector<16xi32>,
        tpu.vector_store %arg8[%swap3A_447], %broadcast_in_dim3A_5 {strides = array<i32>} : memref<4096xi32, #tpu.memory_space<vmem>>, vector<16xi32>,
        %swap3A_449 = arith.constant 3328 : index
        %swap3A_450 = tpu.vector_load %arg8[%swap3A_449] {strides = array<i32>} : memref<4096xi32, #tpu.memory_space<vmem>>, vector<16xi32>,
        tpu.vector_store %arg8[%swap3A_449], %broadcast_in_dim3A_5 {strides = array<i32>} : memref<4096xi32, #tpu.memory_space<vmem>>, vector<16xi32>,
        %swap3A_451 = arith.constant 3344 : index
        %swap3A_452 = tpu.vector_load %arg8[%swap3A_451] {strides = array<i32>} : memref<4096xi32, #tpu.memory_space<vmem>>, vector<16xi32>,
        tpu.vector_store %arg8[%swap3A_451], %broadcast_in_dim3A_5 {strides = array<i32>} : memref<4096xi32, #tpu.memory_space<vmem>>, vector<16xi32>,
        %swap3A_453 = arith.constant 3360 : index
        %swap3A_454 = tpu.vector_load %arg8[%swap3A_453] {strides = array<i32>} : memref<4096xi32, #tpu.memory_space<vmem>>, vector<16xi32>,
        tpu.vector_store %arg8[%swap3A_453], %broadcast_in_dim3A_5 {strides = array<i32>} : memref<4096xi32, #tpu.memory_space<vmem>>, vector<16xi32>,
        %swap3A_455 = arith.constant 3376 : index
        %swap3A_456 = tpu.vector_load %arg8[%swap3A_455] {strides = array<i32>} : memref<4096xi32, #tpu.memory_space<vmem>>, vector<16xi32>,
        tpu.vector_store %arg8[%swap3A_455], %broadcast_in_dim3A_5 {strides = array<i32>} : memref<4096xi32, #tpu.memory_space<vmem>>, vector<16xi32>,
        %swap3A_457 = arith.constant 3392 : index
        %swap3A_458 = tpu.vector_load %arg8[%swap3A_457] {strides = array<i32>} : memref<4096xi32, #tpu.memory_space<vmem>>, vector<16xi32>,
        tpu.vector_store %arg8[%swap3A_457], %broadcast_in_dim3A_5 {strides = array<i32>} : memref<4096xi32, #tpu.memory_space<vmem>>, vector<16xi32>,
        %swap3A_459 = arith.constant 3408 : index
        %swap3A_460 = tpu.vector_load %arg8[%swap3A_459] {strides = array<i32>} : memref<4096xi32, #tpu.memory_space<vmem>>, vector<16xi32>,
        tpu.vector_store %arg8[%swap3A_459], %broadcast_in_dim3A_5 {strides = array<i32>} : memref<4096xi32, #tpu.memory_space<vmem>>, vector<16xi32>,
        %swap3A_461 = arith.constant 3424 : index
        %swap3A_462 = tpu.vector_load %arg8[%swap3A_461] {strides = array<i32>} : memref<4096xi32, #tpu.memory_space<vmem>>, vector<16xi32>,
        tpu.vector_store %arg8[%swap3A_461], %broadcast_in_dim3A_5 {strides = array<i32>} : memref<4096xi32, #tpu.memory_space<vmem>>, vector<16xi32>,
        %swap3A_463 = arith.constant 3440 : index
        %swap3A_464 = tpu.vector_load %arg8[%swap3A_463] {strides = array<i32>} : memref<4096xi32, #tpu.memory_space<vmem>>, vector<16xi32>,
        tpu.vector_store %arg8[%swap3A_463], %broadcast_in_dim3A_5 {strides = array<i32>} : memref<4096xi32, #tpu.memory_space<vmem>>, vector<16xi32>,
        %swap3A_465 = arith.constant 3456 : index
        %swap3A_466 = tpu.vector_load %arg8[%swap3A_465] {strides = array<i32>} : memref<4096xi32, #tpu.memory_space<vmem>>, vector<16xi32>,
        tpu.vector_store %arg8[%swap3A_465], %broadcast_in_dim3A_5 {strides = array<i32>} : memref<4096xi32, #tpu.memory_space<vmem>>, vector<16xi32>,
        %swap3A_467 = arith.constant 3472 : index
        %swap3A_468 = tpu.vector_load %arg8[%swap3A_467] {strides = array<i32>} : memref<4096xi32, #tpu.memory_space<vmem>>, vector<16xi32>,
        tpu.vector_store %arg8[%swap3A_467], %broadcast_in_dim3A_5 {strides = array<i32>} : memref<4096xi32, #tpu.memory_space<vmem>>, vector<16xi32>,
        %swap3A_469 = arith.constant 3488 : index
        %swap3A_470 = tpu.vector_load %arg8[%swap3A_469] {strides = array<i32>} : memref<4096xi32, #tpu.memory_space<vmem>>, vector<16xi32>,
        tpu.vector_store %arg8[%swap3A_469], %broadcast_in_dim3A_5 {strides = array<i32>} : memref<4096xi32, #tpu.memory_space<vmem>>, vector<16xi32>,
        %swap3A_471 = arith.constant 3504 : index
        %swap3A_472 = tpu.vector_load %arg8[%swap3A_471] {strides = array<i32>} : memref<4096xi32, #tpu.memory_space<vmem>>, vector<16xi32>,
        tpu.vector_store %arg8[%swap3A_471], %broadcast_in_dim3A_5 {strides = array<i32>} : memref<4096xi32, #tpu.memory_space<vmem>>, vector<16xi32>,
        %swap3A_473 = arith.constant 3520 : index
        %swap3A_474 = tpu.vector_load %arg8[%swap3A_473] {strides = array<i32>} : memref<4096xi32, #tpu.memory_space<vmem>>, vector<16xi32>,
        tpu.vector_store %arg8[%swap3A_473], %broadcast_in_dim3A_5 {strides = array<i32>} : memref<4096xi32, #tpu.memory_space<vmem>>, vector<16xi32>,
        %swap3A_475 = arith.constant 3536 : index
        %swap3A_476 = tpu.vector_load %arg8[%swap3A_475] {strides = array<i32>} : memref<4096xi32, #tpu.memory_space<vmem>>, vector<16xi32>,
        tpu.vector_store %arg8[%swap3A_475], %broadcast_in_dim3A_5 {strides = array<i32>} : memref<4096xi32, #tpu.memory_space<vmem>>, vector<16xi32>,
        %swap3A_477 = arith.constant 3552 : index
        %swap3A_478 = tpu.vector_load %arg8[%swap3A_477] {strides = array<i32>} : memref<4096xi32, #tpu.memory_space<vmem>>, vector<16xi32>,
        tpu.vector_store %arg8[%swap3A_477], %broadcast_in_dim3A_5 {strides = array<i32>} : memref<4096xi32, #tpu.memory_space<vmem>>, vector<16xi32>,
        %swap3A_479 = arith.constant 3568 : index
        %swap3A_480 = tpu.vector_load %arg8[%swap3A_479] {strides = array<i32>} : memref<4096xi32, #tpu.memory_space<vmem>>, vector<16xi32>,
        tpu.vector_store %arg8[%swap3A_479], %broadcast_in_dim3A_5 {strides = array<i32>} : memref<4096xi32, #tpu.memory_space<vmem>>, vector<16xi32>,
        %swap3A_481 = arith.constant 3584 : index
        %swap3A_482 = tpu.vector_load %arg8[%swap3A_481] {strides = array<i32>} : memref<4096xi32, #tpu.memory_space<vmem>>, vector<16xi32>,
        tpu.vector_store %arg8[%swap3A_481], %broadcast_in_dim3A_5 {strides = array<i32>} : memref<4096xi32, #tpu.memory_space<vmem>>, vector<16xi32>,
        %swap3A_483 = arith.constant 3600 : index
        %swap3A_484 = tpu.vector_load %arg8[%swap3A_483] {strides = array<i32>} : memref<4096xi32, #tpu.memory_space<vmem>>, vector<16xi32>,
        tpu.vector_store %arg8[%swap3A_483], %broadcast_in_dim3A_5 {strides = array<i32>} : memref<4096xi32, #tpu.memory_space<vmem>>, vector<16xi32>,
        %swap3A_485 = arith.constant 3616 : index
        %swap3A_486 = tpu.vector_load %arg8[%swap3A_485] {strides = array<i32>} : memref<4096xi32, #tpu.memory_space<vmem>>, vector<16xi32>,
        tpu.vector_store %arg8[%swap3A_485], %broadcast_in_dim3A_5 {strides = array<i32>} : memref<4096xi32, #tpu.memory_space<vmem>>, vector<16xi32>,
        %swap3A_487 = arith.constant 3632 : index
        %swap3A_488 = tpu.vector_load %arg8[%swap3A_487] {strides = array<i32>} : memref<4096xi32, #tpu.memory_space<vmem>>, vector<16xi32>,
        tpu.vector_store %arg8[%swap3A_487], %broadcast_in_dim3A_5 {strides = array<i32>} : memref<4096xi32, #tpu.memory_space<vmem>>, vector<16xi32>,
        %swap3A_489 = arith.constant 3648 : index
        %swap3A_490 = tpu.vector_load %arg8[%swap3A_489] {strides = array<i32>} : memref<4096xi32, #tpu.memory_space<vmem>>, vector<16xi32>,
        tpu.vector_store %arg8[%swap3A_489], %broadcast_in_dim3A_5 {strides = array<i32>} : memref<4096xi32, #tpu.memory_space<vmem>>, vector<16xi32>,
        %swap3A_491 = arith.constant 3664 : index
        %swap3A_492 = tpu.vector_load %arg8[%swap3A_491] {strides = array<i32>} : memref<4096xi32, #tpu.memory_space<vmem>>, vector<16xi32>,
        tpu.vector_store %arg8[%swap3A_491], %broadcast_in_dim3A_5 {strides = array<i32>} : memref<4096xi32, #tpu.memory_space<vmem>>, vector<16xi32>,
        %swap3A_493 = arith.constant 3680 : index
        %swap3A_494 = tpu.vector_load %arg8[%swap3A_493] {strides = array<i32>} : memref<4096xi32, #tpu.memory_space<vmem>>, vector<16xi32>,
        tpu.vector_store %arg8[%swap3A_493], %broadcast_in_dim3A_5 {strides = array<i32>} : memref<4096xi32, #tpu.memory_space<vmem>>, vector<16xi32>,
        %swap3A_495 = arith.constant 3696 : index
        %swap3A_496 = tpu.vector_load %arg8[%swap3A_495] {strides = array<i32>} : memref<4096xi32, #tpu.memory_space<vmem>>, vector<16xi32>,
        tpu.vector_store %arg8[%swap3A_495], %broadcast_in_dim3A_5 {strides = array<i32>} : memref<4096xi32, #tpu.memory_space<vmem>>, vector<16xi32>,
        %swap3A_497 = arith.constant 3712 : index
        %swap3A_498 = tpu.vector_load %arg8[%swap3A_497] {strides = array<i32>} : memref<4096xi32, #tpu.memory_space<vmem>>, vector<16xi32>,
        tpu.vector_store %arg8[%swap3A_497], %broadcast_in_dim3A_5 {strides = array<i32>} : memref<4096xi32, #tpu.memory_space<vmem>>, vector<16xi32>,
        %swap3A_499 = arith.constant 3728 : index
        %swap3A_500 = tpu.vector_load %arg8[%swap3A_499] {strides = array<i32>} : memref<4096xi32, #tpu.memory_space<vmem>>, vector<16xi32>,
        tpu.vector_store %arg8[%swap3A_499], %broadcast_in_dim3A_5 {strides = array<i32>} : memref<4096xi32, #tpu.memory_space<vmem>>, vector<16xi32>,
        %swap3A_501 = arith.constant 3744 : index
        %swap3A_502 = tpu.vector_load %arg8[%swap3A_501] {strides = array<i32>} : memref<4096xi32, #tpu.memory_space<vmem>>, vector<16xi32>,
        tpu.vector_store %arg8[%swap3A_501], %broadcast_in_dim3A_5 {strides = array<i32>} : memref<4096xi32, #tpu.memory_space<vmem>>, vector<16xi32>,
        %swap3A_503 = arith.constant 3760 : index
        %swap3A_504 = tpu.vector_load %arg8[%swap3A_503] {strides = array<i32>} : memref<4096xi32, #tpu.memory_space<vmem>>, vector<16xi32>,
        tpu.vector_store %arg8[%swap3A_503], %broadcast_in_dim3A_5 {strides = array<i32>} : memref<4096xi32, #tpu.memory_space<vmem>>, vector<16xi32>,
        %swap3A_505 = arith.constant 3776 : index
        %swap3A_506 = tpu.vector_load %arg8[%swap3A_505] {strides = array<i32>} : memref<4096xi32, #tpu.memory_space<vmem>>, vector<16xi32>,
        tpu.vector_store %arg8[%swap3A_505], %broadcast_in_dim3A_5 {strides = array<i32>} : memref<4096xi32, #tpu.memory_space<vmem>>, vector<16xi32>,
        %swap3A_507 = arith.constant 3792 : index
        %swap3A_508 = tpu.vector_load %arg8[%swap3A_507] {strides = array<i32>} : memref<4096xi32, #tpu.memory_space<vmem>>, vector<16xi32>,
        tpu.vector_store %arg8[%swap3A_507], %broadcast_in_dim3A_5 {strides = array<i32>} : memref<4096xi32, #tpu.memory_space<vmem>>, vector<16xi32>,
        %swap3A_509 = arith.constant 3808 : index
        %swap3A_510 = tpu.vector_load %arg8[%swap3A_509] {strides = array<i32>} : memref<4096xi32, #tpu.memory_space<vmem>>, vector<16xi32>,
        tpu.vector_store %arg8[%swap3A_509], %broadcast_in_dim3A_5 {strides = array<i32>} : memref<4096xi32, #tpu.memory_space<vmem>>, vector<16xi32>,
        %swap3A_511 = arith.constant 3824 : index
        %swap3A_512 = tpu.vector_load %arg8[%swap3A_511] {strides = array<i32>} : memref<4096xi32, #tpu.memory_space<vmem>>, vector<16xi32>,
        tpu.vector_store %arg8[%swap3A_511], %broadcast_in_dim3A_5 {strides = array<i32>} : memref<4096xi32, #tpu.memory_space<vmem>>, vector<16xi32>,
        %swap3A_513 = arith.constant 3840 : index
        %swap3A_514 = tpu.vector_load %arg8[%swap3A_513] {strides = array<i32>} : memref<4096xi32, #tpu.memory_space<vmem>>, vector<16xi32>,
        tpu.vector_store %arg8[%swap3A_513], %broadcast_in_dim3A_5 {strides = array<i32>} : memref<4096xi32, #tpu.memory_space<vmem>>, vector<16xi32>,
        %swap3A_515 = arith.constant 3856 : index
        %swap3A_516 = tpu.vector_load %arg8[%swap3A_515] {strides = array<i32>} : memref<4096xi32, #tpu.memory_space<vmem>>, vector<16xi32>,
        tpu.vector_store %arg8[%swap3A_515], %broadcast_in_dim3A_5 {strides = array<i32>} : memref<4096xi32, #tpu.memory_space<vmem>>, vector<16xi32>,
        %swap3A_517 = arith.constant 3872 : index
        %swap3A_518 = tpu.vector_load %arg8[%swap3A_517] {strides = array<i32>} : memref<4096xi32, #tpu.memory_space<vmem>>, vector<16xi32>,
        tpu.vector_store %arg8[%swap3A_517], %broadcast_in_dim3A_5 {strides = array<i32>} : memref<4096xi32, #tpu.memory_space<vmem>>, vector<16xi32>,
        %swap3A_519 = arith.constant 3888 : index
        %swap3A_520 = tpu.vector_load %arg8[%swap3A_519] {strides = array<i32>} : memref<4096xi32, #tpu.memory_space<vmem>>, vector<16xi32>,
        tpu.vector_store %arg8[%swap3A_519], %broadcast_in_dim3A_5 {strides = array<i32>} : memref<4096xi32, #tpu.memory_space<vmem>>, vector<16xi32>,
        %swap3A_521 = arith.constant 3904 : index
        %swap3A_522 = tpu.vector_load %arg8[%swap3A_521] {strides = array<i32>} : memref<4096xi32, #tpu.memory_space<vmem>>, vector<16xi32>,
        tpu.vector_store %arg8[%swap3A_521], %broadcast_in_dim3A_5 {strides = array<i32>} : memref<4096xi32, #tpu.memory_space<vmem>>, vector<16xi32>,
        %swap3A_523 = arith.constant 3920 : index
        %swap3A_524 = tpu.vector_load %arg8[%swap3A_523] {strides = array<i32>} : memref<4096xi32, #tpu.memory_space<vmem>>, vector<16xi32>,
        tpu.vector_store %arg8[%swap3A_523], %broadcast_in_dim3A_5 {strides = array<i32>} : memref<4096xi32, #tpu.memory_space<vmem>>, vector<16xi32>,
        %swap3A_525 = arith.constant 3936 : index
        %swap3A_526 = tpu.vector_load %arg8[%swap3A_525] {strides = array<i32>} : memref<4096xi32, #tpu.memory_space<vmem>>, vector<16xi32>,
        tpu.vector_store %arg8[%swap3A_525], %broadcast_in_dim3A_5 {strides = array<i32>} : memref<4096xi32, #tpu.memory_space<vmem>>, vector<16xi32>,
        %swap3A_527 = arith.constant 3952 : index
        %swap3A_528 = tpu.vector_load %arg8[%swap3A_527] {strides = array<i32>} : memref<4096xi32, #tpu.memory_space<vmem>>, vector<16xi32>,
        tpu.vector_store %arg8[%swap3A_527], %broadcast_in_dim3A_5 {strides = array<i32>} : memref<4096xi32, #tpu.memory_space<vmem>>, vector<16xi32>,
        %swap3A_529 = arith.constant 3968 : index
        %swap3A_530 = tpu.vector_load %arg8[%swap3A_529] {strides = array<i32>} : memref<4096xi32, #tpu.memory_space<vmem>>, vector<16xi32>,
        tpu.vector_store %arg8[%swap3A_529], %broadcast_in_dim3A_5 {strides = array<i32>} : memref<4096xi32, #tpu.memory_space<vmem>>, vector<16xi32>,
        %swap3A_531 = arith.constant 3984 : index
        %swap3A_532 = tpu.vector_load %arg8[%swap3A_531] {strides = array<i32>} : memref<4096xi32, #tpu.memory_space<vmem>>, vector<16xi32>,
        tpu.vector_store %arg8[%swap3A_531], %broadcast_in_dim3A_5 {strides = array<i32>} : memref<4096xi32, #tpu.memory_space<vmem>>, vector<16xi32>,
        %swap3A_533 = arith.constant 4000 : index
        %swap3A_534 = tpu.vector_load %arg8[%swap3A_533] {strides = array<i32>} : memref<4096xi32, #tpu.memory_space<vmem>>, vector<16xi32>,
        tpu.vector_store %arg8[%swap3A_533], %broadcast_in_dim3A_5 {strides = array<i32>} : memref<4096xi32, #tpu.memory_space<vmem>>, vector<16xi32>,
        %swap3A_535 = arith.constant 4016 : index
        %swap3A_536 = tpu.vector_load %arg8[%swap3A_535] {strides = array<i32>} : memref<4096xi32, #tpu.memory_space<vmem>>, vector<16xi32>,
        tpu.vector_store %arg8[%swap3A_535], %broadcast_in_dim3A_5 {strides = array<i32>} : memref<4096xi32, #tpu.memory_space<vmem>>, vector<16xi32>,
        %swap3A_537 = arith.constant 4032 : index
        %swap3A_538 = tpu.vector_load %arg8[%swap3A_537] {strides = array<i32>} : memref<4096xi32, #tpu.memory_space<vmem>>, vector<16xi32>,
        tpu.vector_store %arg8[%swap3A_537], %broadcast_in_dim3A_5 {strides = array<i32>} : memref<4096xi32, #tpu.memory_space<vmem>>, vector<16xi32>,
        %swap3A_539 = arith.constant 4048 : index
        %swap3A_540 = tpu.vector_load %arg8[%swap3A_539] {strides = array<i32>} : memref<4096xi32, #tpu.memory_space<vmem>>, vector<16xi32>,
        tpu.vector_store %arg8[%swap3A_539], %broadcast_in_dim3A_5 {strides = array<i32>} : memref<4096xi32, #tpu.memory_space<vmem>>, vector<16xi32>,
        %swap3A_541 = arith.constant 4064 : index
        %swap3A_542 = tpu.vector_load %arg8[%swap3A_541] {strides = array<i32>} : memref<4096xi32, #tpu.memory_space<vmem>>, vector<16xi32>,
        tpu.vector_store %arg8[%swap3A_541], %broadcast_in_dim3A_5 {strides = array<i32>} : memref<4096xi32, #tpu.memory_space<vmem>>, vector<16xi32>,
        %swap3A_543 = arith.constant 4080 : index
        %swap3A_544 = tpu.vector_load %arg8[%swap3A_543] {strides = array<i32>} : memref<4096xi32, #tpu.memory_space<vmem>>, vector<16xi32>,
        tpu.vector_store %arg8[%swap3A_543], %broadcast_in_dim3A_5 {strides = array<i32>} : memref<4096xi32, #tpu.memory_space<vmem>>, vector<16xi32>,
        %scan3A_545 = arith.constant 0 : i32
        %scan3A_546 = arith.constant 0 : i32
        %scan3A_547 = arith.constant 32 : i32
        %scan3A_548 = arith.addi %scan3A_546, %scan3A_547 : i32
        %scan3A_549 = arith.constant 1 : i32
        %scan3A_550 = scf.for %scan3A_808 = %scan3A_546 to %scan3A_548 step %scan3A_549 iter_args(%scan3A_809 = %scan3A_545) -> (i32)  : i32 {
          %mul3A_810 = arith.constant 8 : i32
          %mul3A_811 = arith.muli %scan3A_808, %mul3A_810 : i32
          %add3A_812 = arith.constant 0 : i32
          %add3A_813 = arith.addi %mul3A_811, %add3A_812 : i32
          %mul3A_814 = arith.constant 16 : i32
          %mul3A_815 = arith.muli %add3A_813, %mul3A_814 : i32
          %get3A_816 = arith.index_cast %mul3A_815 : i32 to index
          %get3A_817 = tpu.vector_load %arg4[%get3A_816] {strides = array<i32>} : memref<4096xf32, #tpu.memory_space<vmem>>, vector<16xf32>,
          %bitcast_convert_type3A = tpu.bitcast %get3A_817 : vector<16xf32> -> vector<16xi32>
          %shift_right_arithmetic3A_818 = arith.constant 31 : i32
          %shift_right_arithmetic3A_819 = vector.broadcast %shift_right_arithmetic3A_818 : i32 to vector<16xi32>
          %shift_right_arithmetic3A_820 = arith.shrsi %bitcast_convert_type3A, %shift_right_arithmetic3A_819 : vector<16xi32>
          %and3A = arith.constant 2147483647 : i32
          %and3A_821 = vector.broadcast %and3A : i32 to vector<16xi32>
          %and3A_822 = arith.andi %shift_right_arithmetic3A_820, %and3A_821 : vector<16xi32>
          %xor3A = arith.xori %bitcast_convert_type3A, %and3A_822 : vector<16xi32>
          %mul3A_823 = arith.constant 16 : i32
          %mul3A_824 = arith.muli %add3A_813, %mul3A_823 : i32
          %swap3A_825 = arith.index_cast %mul3A_824 : i32 to index
          %swap3A_826 = tpu.vector_load %arg5[%swap3A_825] {strides = array<i32>} : memref<4112xi32, #tpu.memory_space<vmem>>, vector<16xi32>,
          tpu.vector_store %arg5[%swap3A_825], %xor3A {strides = array<i32>} : memref<4112xi32, #tpu.memory_space<vmem>>, vector<16xi32>,
          %shift_right_arithmetic3A_827 = arith.constant 24 : i32
          %shift_right_arithmetic3A_828 = vector.broadcast %shift_right_arithmetic3A_827 : i32 to vector<16xi32>
          %shift_right_arithmetic3A_829 = arith.shrsi %xor3A, %shift_right_arithmetic3A_828 : vector<16xi32>
          %add3A_830 = arith.constant 128 : i32
          %add3A_831 = vector.broadcast %add3A_830 : i32 to vector<16xi32>
          %add3A_832 = arith.addi %shift_right_arithmetic3A_829, %add3A_831 : vector<16xi32>
          %add3A_833 = arith.addi %add3A_832, %mul3A_8 : vector<16xi32>
          tpu.vector_store_idx %arg8[%add3A_833], %broadcast_in_dim3A_3 {add = true} : memref<4096xi32, #tpu.memory_space<vmem>>[vector<16xi32>], vector<16xi32>,
          %mul3A_834 = arith.constant 8 : i32
          %mul3A_835 = arith.muli %scan3A_808, %mul3A_834 : i32
          %add3A_836 = arith.constant 1 : i32
          %add3A_837 = arith.addi %mul3A_835, %add3A_836 : i32
          %mul3A_838 = arith.constant 16 : i32
          %mul3A_839 = arith.muli %add3A_837, %mul3A_838 : i32
          %get3A_840 = arith.index_cast %mul3A_839 : i32 to index
          %get3A_841 = tpu.vector_load %arg4[%get3A_840] {strides = array<i32>} : memref<4096xf32, #tpu.memory_space<vmem>>, vector<16xf32>,
          %bitcast_convert_type3A_842 = tpu.bitcast %get3A_841 : vector<16xf32> -> vector<16xi32>
          %shift_right_arithmetic3A_843 = arith.constant 31 : i32
          %shift_right_arithmetic3A_844 = vector.broadcast %shift_right_arithmetic3A_843 : i32 to vector<16xi32>
          %shift_right_arithmetic3A_845 = arith.shrsi %bitcast_convert_type3A_842, %shift_right_arithmetic3A_844 : vector<16xi32>
          %and3A_846 = arith.constant 2147483647 : i32
          %and3A_847 = vector.broadcast %and3A_846 : i32 to vector<16xi32>
          %and3A_848 = arith.andi %shift_right_arithmetic3A_845, %and3A_847 : vector<16xi32>
          %xor3A_849 = arith.xori %bitcast_convert_type3A_842, %and3A_848 : vector<16xi32>
          %mul3A_850 = arith.constant 16 : i32
          %mul3A_851 = arith.muli %add3A_837, %mul3A_850 : i32
          %swap3A_852 = arith.index_cast %mul3A_851 : i32 to index
          %swap3A_853 = tpu.vector_load %arg5[%swap3A_852] {strides = array<i32>} : memref<4112xi32, #tpu.memory_space<vmem>>, vector<16xi32>,
          tpu.vector_store %arg5[%swap3A_852], %xor3A_849 {strides = array<i32>} : memref<4112xi32, #tpu.memory_space<vmem>>, vector<16xi32>,
          %shift_right_arithmetic3A_854 = arith.constant 24 : i32
          %shift_right_arithmetic3A_855 = vector.broadcast %shift_right_arithmetic3A_854 : i32 to vector<16xi32>
          %shift_right_arithmetic3A_856 = arith.shrsi %xor3A_849, %shift_right_arithmetic3A_855 : vector<16xi32>
          %add3A_857 = arith.constant 128 : i32
          %add3A_858 = vector.broadcast %add3A_857 : i32 to vector<16xi32>
          %add3A_859 = arith.addi %shift_right_arithmetic3A_856, %add3A_858 : vector<16xi32>
          %add3A_860 = arith.addi %add3A_859, %mul3A_8 : vector<16xi32>
          tpu.vector_store_idx %arg8[%add3A_860], %broadcast_in_dim3A_3 {add = true} : memref<4096xi32, #tpu.memory_space<vmem>>[vector<16xi32>], vector<16xi32>,
          %mul3A_861 = arith.constant 8 : i32
          %mul3A_862 = arith.muli %scan3A_808, %mul3A_861 : i32
          %add3A_863 = arith.constant 2 : i32
          %add3A_864 = arith.addi %mul3A_862, %add3A_863 : i32
          %mul3A_865 = arith.constant 16 : i32
          %mul3A_866 = arith.muli %add3A_864, %mul3A_865 : i32
          %get3A_867 = arith.index_cast %mul3A_866 : i32 to index
          %get3A_868 = tpu.vector_load %arg4[%get3A_867] {strides = array<i32>} : memref<4096xf32, #tpu.memory_space<vmem>>, vector<16xf32>,
          %bitcast_convert_type3A_869 = tpu.bitcast %get3A_868 : vector<16xf32> -> vector<16xi32>
          %shift_right_arithmetic3A_870 = arith.constant 31 : i32
          %shift_right_arithmetic3A_871 = vector.broadcast %shift_right_arithmetic3A_870 : i32 to vector<16xi32>
          %shift_right_arithmetic3A_872 = arith.shrsi %bitcast_convert_type3A_869, %shift_right_arithmetic3A_871 : vector<16xi32>
          %and3A_873 = arith.constant 2147483647 : i32
          %and3A_874 = vector.broadcast %and3A_873 : i32 to vector<16xi32>
          %and3A_875 = arith.andi %shift_right_arithmetic3A_872, %and3A_874 : vector<16xi32>
          %xor3A_876 = arith.xori %bitcast_convert_type3A_869, %and3A_875 : vector<16xi32>
          %mul3A_877 = arith.constant 16 : i32
          %mul3A_878 = arith.muli %add3A_864, %mul3A_877 : i32
          %swap3A_879 = arith.index_cast %mul3A_878 : i32 to index
          %swap3A_880 = tpu.vector_load %arg5[%swap3A_879] {strides = array<i32>} : memref<4112xi32, #tpu.memory_space<vmem>>, vector<16xi32>,
          tpu.vector_store %arg5[%swap3A_879], %xor3A_876 {strides = array<i32>} : memref<4112xi32, #tpu.memory_space<vmem>>, vector<16xi32>,
          %shift_right_arithmetic3A_881 = arith.constant 24 : i32
          %shift_right_arithmetic3A_882 = vector.broadcast %shift_right_arithmetic3A_881 : i32 to vector<16xi32>
          %shift_right_arithmetic3A_883 = arith.shrsi %xor3A_876, %shift_right_arithmetic3A_882 : vector<16xi32>
          %add3A_884 = arith.constant 128 : i32
          %add3A_885 = vector.broadcast %add3A_884 : i32 to vector<16xi32>
          %add3A_886 = arith.addi %shift_right_arithmetic3A_883, %add3A_885 : vector<16xi32>
          %add3A_887 = arith.addi %add3A_886, %mul3A_8 : vector<16xi32>
          tpu.vector_store_idx %arg8[%add3A_887], %broadcast_in_dim3A_3 {add = true} : memref<4096xi32, #tpu.memory_space<vmem>>[vector<16xi32>], vector<16xi32>,
          %mul3A_888 = arith.constant 8 : i32
          %mul3A_889 = arith.muli %scan3A_808, %mul3A_888 : i32
          %add3A_890 = arith.constant 3 : i32
          %add3A_891 = arith.addi %mul3A_889, %add3A_890 : i32
          %mul3A_892 = arith.constant 16 : i32
          %mul3A_893 = arith.muli %add3A_891, %mul3A_892 : i32
          %get3A_894 = arith.index_cast %mul3A_893 : i32 to index
          %get3A_895 = tpu.vector_load %arg4[%get3A_894] {strides = array<i32>} : memref<4096xf32, #tpu.memory_space<vmem>>, vector<16xf32>,
          %bitcast_convert_type3A_896 = tpu.bitcast %get3A_895 : vector<16xf32> -> vector<16xi32>
          %shift_right_arithmetic3A_897 = arith.constant 31 : i32
          %shift_right_arithmetic3A_898 = vector.broadcast %shift_right_arithmetic3A_897 : i32 to vector<16xi32>
          %shift_right_arithmetic3A_899 = arith.shrsi %bitcast_convert_type3A_896, %shift_right_arithmetic3A_898 : vector<16xi32>
          %and3A_900 = arith.constant 2147483647 : i32
          %and3A_901 = vector.broadcast %and3A_900 : i32 to vector<16xi32>
          %and3A_902 = arith.andi %shift_right_arithmetic3A_899, %and3A_901 : vector<16xi32>
          %xor3A_903 = arith.xori %bitcast_convert_type3A_896, %and3A_902 : vector<16xi32>
          %mul3A_904 = arith.constant 16 : i32
          %mul3A_905 = arith.muli %add3A_891, %mul3A_904 : i32
          %swap3A_906 = arith.index_cast %mul3A_905 : i32 to index
          %swap3A_907 = tpu.vector_load %arg5[%swap3A_906] {strides = array<i32>} : memref<4112xi32, #tpu.memory_space<vmem>>, vector<16xi32>,
          tpu.vector_store %arg5[%swap3A_906], %xor3A_903 {strides = array<i32>} : memref<4112xi32, #tpu.memory_space<vmem>>, vector<16xi32>,
          %shift_right_arithmetic3A_908 = arith.constant 24 : i32
          %shift_right_arithmetic3A_909 = vector.broadcast %shift_right_arithmetic3A_908 : i32 to vector<16xi32>
          %shift_right_arithmetic3A_910 = arith.shrsi %xor3A_903, %shift_right_arithmetic3A_909 : vector<16xi32>
          %add3A_911 = arith.constant 128 : i32
          %add3A_912 = vector.broadcast %add3A_911 : i32 to vector<16xi32>
          %add3A_913 = arith.addi %shift_right_arithmetic3A_910, %add3A_912 : vector<16xi32>
          %add3A_914 = arith.addi %add3A_913, %mul3A_8 : vector<16xi32>
          tpu.vector_store_idx %arg8[%add3A_914], %broadcast_in_dim3A_3 {add = true} : memref<4096xi32, #tpu.memory_space<vmem>>[vector<16xi32>], vector<16xi32>,
          %mul3A_915 = arith.constant 8 : i32
          %mul3A_916 = arith.muli %scan3A_808, %mul3A_915 : i32
          %add3A_917 = arith.constant 4 : i32
          %add3A_918 = arith.addi %mul3A_916, %add3A_917 : i32
          %mul3A_919 = arith.constant 16 : i32
          %mul3A_920 = arith.muli %add3A_918, %mul3A_919 : i32
          %get3A_921 = arith.index_cast %mul3A_920 : i32 to index
          %get3A_922 = tpu.vector_load %arg4[%get3A_921] {strides = array<i32>} : memref<4096xf32, #tpu.memory_space<vmem>>, vector<16xf32>,
          %bitcast_convert_type3A_923 = tpu.bitcast %get3A_922 : vector<16xf32> -> vector<16xi32>
          %shift_right_arithmetic3A_924 = arith.constant 31 : i32
          %shift_right_arithmetic3A_925 = vector.broadcast %shift_right_arithmetic3A_924 : i32 to vector<16xi32>
          %shift_right_arithmetic3A_926 = arith.shrsi %bitcast_convert_type3A_923, %shift_right_arithmetic3A_925 : vector<16xi32>
          %and3A_927 = arith.constant 2147483647 : i32
          %and3A_928 = vector.broadcast %and3A_927 : i32 to vector<16xi32>
          %and3A_929 = arith.andi %shift_right_arithmetic3A_926, %and3A_928 : vector<16xi32>
          %xor3A_930 = arith.xori %bitcast_convert_type3A_923, %and3A_929 : vector<16xi32>
          %mul3A_931 = arith.constant 16 : i32
          %mul3A_932 = arith.muli %add3A_918, %mul3A_931 : i32
          %swap3A_933 = arith.index_cast %mul3A_932 : i32 to index
          %swap3A_934 = tpu.vector_load %arg5[%swap3A_933] {strides = array<i32>} : memref<4112xi32, #tpu.memory_space<vmem>>, vector<16xi32>,
          tpu.vector_store %arg5[%swap3A_933], %xor3A_930 {strides = array<i32>} : memref<4112xi32, #tpu.memory_space<vmem>>, vector<16xi32>,
          %shift_right_arithmetic3A_935 = arith.constant 24 : i32
          %shift_right_arithmetic3A_936 = vector.broadcast %shift_right_arithmetic3A_935 : i32 to vector<16xi32>
          %shift_right_arithmetic3A_937 = arith.shrsi %xor3A_930, %shift_right_arithmetic3A_936 : vector<16xi32>
          %add3A_938 = arith.constant 128 : i32
          %add3A_939 = vector.broadcast %add3A_938 : i32 to vector<16xi32>
          %add3A_940 = arith.addi %shift_right_arithmetic3A_937, %add3A_939 : vector<16xi32>
          %add3A_941 = arith.addi %add3A_940, %mul3A_8 : vector<16xi32>
          tpu.vector_store_idx %arg8[%add3A_941], %broadcast_in_dim3A_3 {add = true} : memref<4096xi32, #tpu.memory_space<vmem>>[vector<16xi32>], vector<16xi32>,
          %mul3A_942 = arith.constant 8 : i32
          %mul3A_943 = arith.muli %scan3A_808, %mul3A_942 : i32
          %add3A_944 = arith.constant 5 : i32
          %add3A_945 = arith.addi %mul3A_943, %add3A_944 : i32
          %mul3A_946 = arith.constant 16 : i32
          %mul3A_947 = arith.muli %add3A_945, %mul3A_946 : i32
          %get3A_948 = arith.index_cast %mul3A_947 : i32 to index
          %get3A_949 = tpu.vector_load %arg4[%get3A_948] {strides = array<i32>} : memref<4096xf32, #tpu.memory_space<vmem>>, vector<16xf32>,
          %bitcast_convert_type3A_950 = tpu.bitcast %get3A_949 : vector<16xf32> -> vector<16xi32>
          %shift_right_arithmetic3A_951 = arith.constant 31 : i32
          %shift_right_arithmetic3A_952 = vector.broadcast %shift_right_arithmetic3A_951 : i32 to vector<16xi32>
          %shift_right_arithmetic3A_953 = arith.shrsi %bitcast_convert_type3A_950, %shift_right_arithmetic3A_952 : vector<16xi32>
          %and3A_954 = arith.constant 2147483647 : i32
          %and3A_955 = vector.broadcast %and3A_954 : i32 to vector<16xi32>
          %and3A_956 = arith.andi %shift_right_arithmetic3A_953, %and3A_955 : vector<16xi32>
          %xor3A_957 = arith.xori %bitcast_convert_type3A_950, %and3A_956 : vector<16xi32>
          %mul3A_958 = arith.constant 16 : i32
          %mul3A_959 = arith.muli %add3A_945, %mul3A_958 : i32
          %swap3A_960 = arith.index_cast %mul3A_959 : i32 to index
          %swap3A_961 = tpu.vector_load %arg5[%swap3A_960] {strides = array<i32>} : memref<4112xi32, #tpu.memory_space<vmem>>, vector<16xi32>,
          tpu.vector_store %arg5[%swap3A_960], %xor3A_957 {strides = array<i32>} : memref<4112xi32, #tpu.memory_space<vmem>>, vector<16xi32>,
          %shift_right_arithmetic3A_962 = arith.constant 24 : i32
          %shift_right_arithmetic3A_963 = vector.broadcast %shift_right_arithmetic3A_962 : i32 to vector<16xi32>
          %shift_right_arithmetic3A_964 = arith.shrsi %xor3A_957, %shift_right_arithmetic3A_963 : vector<16xi32>
          %add3A_965 = arith.constant 128 : i32
          %add3A_966 = vector.broadcast %add3A_965 : i32 to vector<16xi32>
          %add3A_967 = arith.addi %shift_right_arithmetic3A_964, %add3A_966 : vector<16xi32>
          %add3A_968 = arith.addi %add3A_967, %mul3A_8 : vector<16xi32>
          tpu.vector_store_idx %arg8[%add3A_968], %broadcast_in_dim3A_3 {add = true} : memref<4096xi32, #tpu.memory_space<vmem>>[vector<16xi32>], vector<16xi32>,
          %mul3A_969 = arith.constant 8 : i32
          %mul3A_970 = arith.muli %scan3A_808, %mul3A_969 : i32
          %add3A_971 = arith.constant 6 : i32
          %add3A_972 = arith.addi %mul3A_970, %add3A_971 : i32
          %mul3A_973 = arith.constant 16 : i32
          %mul3A_974 = arith.muli %add3A_972, %mul3A_973 : i32
          %get3A_975 = arith.index_cast %mul3A_974 : i32 to index
          %get3A_976 = tpu.vector_load %arg4[%get3A_975] {strides = array<i32>} : memref<4096xf32, #tpu.memory_space<vmem>>, vector<16xf32>,
          %bitcast_convert_type3A_977 = tpu.bitcast %get3A_976 : vector<16xf32> -> vector<16xi32>
          %shift_right_arithmetic3A_978 = arith.constant 31 : i32
          %shift_right_arithmetic3A_979 = vector.broadcast %shift_right_arithmetic3A_978 : i32 to vector<16xi32>
          %shift_right_arithmetic3A_980 = arith.shrsi %bitcast_convert_type3A_977, %shift_right_arithmetic3A_979 : vector<16xi32>
          %and3A_981 = arith.constant 2147483647 : i32
          %and3A_982 = vector.broadcast %and3A_981 : i32 to vector<16xi32>
          %and3A_983 = arith.andi %shift_right_arithmetic3A_980, %and3A_982 : vector<16xi32>
          %xor3A_984 = arith.xori %bitcast_convert_type3A_977, %and3A_983 : vector<16xi32>
          %mul3A_985 = arith.constant 16 : i32
          %mul3A_986 = arith.muli %add3A_972, %mul3A_985 : i32
          %swap3A_987 = arith.index_cast %mul3A_986 : i32 to index
          %swap3A_988 = tpu.vector_load %arg5[%swap3A_987] {strides = array<i32>} : memref<4112xi32, #tpu.memory_space<vmem>>, vector<16xi32>,
          tpu.vector_store %arg5[%swap3A_987], %xor3A_984 {strides = array<i32>} : memref<4112xi32, #tpu.memory_space<vmem>>, vector<16xi32>,
          %shift_right_arithmetic3A_989 = arith.constant 24 : i32
          %shift_right_arithmetic3A_990 = vector.broadcast %shift_right_arithmetic3A_989 : i32 to vector<16xi32>
          %shift_right_arithmetic3A_991 = arith.shrsi %xor3A_984, %shift_right_arithmetic3A_990 : vector<16xi32>
          %add3A_992 = arith.constant 128 : i32
          %add3A_993 = vector.broadcast %add3A_992 : i32 to vector<16xi32>
          %add3A_994 = arith.addi %shift_right_arithmetic3A_991, %add3A_993 : vector<16xi32>
          %add3A_995 = arith.addi %add3A_994, %mul3A_8 : vector<16xi32>
          tpu.vector_store_idx %arg8[%add3A_995], %broadcast_in_dim3A_3 {add = true} : memref<4096xi32, #tpu.memory_space<vmem>>[vector<16xi32>], vector<16xi32>,
          %mul3A_996 = arith.constant 8 : i32
          %mul3A_997 = arith.muli %scan3A_808, %mul3A_996 : i32
          %add3A_998 = arith.constant 7 : i32
          %add3A_999 = arith.addi %mul3A_997, %add3A_998 : i32
          %mul3A_1000 = arith.constant 16 : i32
          %mul3A_1001 = arith.muli %add3A_999, %mul3A_1000 : i32
          %get3A_1002 = arith.index_cast %mul3A_1001 : i32 to index
          %get3A_1003 = tpu.vector_load %arg4[%get3A_1002] {strides = array<i32>} : memref<4096xf32, #tpu.memory_space<vmem>>, vector<16xf32>,
          %bitcast_convert_type3A_1004 = tpu.bitcast %get3A_1003 : vector<16xf32> -> vector<16xi32>
          %shift_right_arithmetic3A_1005 = arith.constant 31 : i32
          %shift_right_arithmetic3A_1006 = vector.broadcast %shift_right_arithmetic3A_1005 : i32 to vector<16xi32>
          %shift_right_arithmetic3A_1007 = arith.shrsi %bitcast_convert_type3A_1004, %shift_right_arithmetic3A_1006 : vector<16xi32>
          %and3A_1008 = arith.constant 2147483647 : i32
          %and3A_1009 = vector.broadcast %and3A_1008 : i32 to vector<16xi32>
          %and3A_1010 = arith.andi %shift_right_arithmetic3A_1007, %and3A_1009 : vector<16xi32>
          %xor3A_1011 = arith.xori %bitcast_convert_type3A_1004, %and3A_1010 : vector<16xi32>
          %mul3A_1012 = arith.constant 16 : i32
          %mul3A_1013 = arith.muli %add3A_999, %mul3A_1012 : i32
          %swap3A_1014 = arith.index_cast %mul3A_1013 : i32 to index
          %swap3A_1015 = tpu.vector_load %arg5[%swap3A_1014] {strides = array<i32>} : memref<4112xi32, #tpu.memory_space<vmem>>, vector<16xi32>,
          tpu.vector_store %arg5[%swap3A_1014], %xor3A_1011 {strides = array<i32>} : memref<4112xi32, #tpu.memory_space<vmem>>, vector<16xi32>,
          %shift_right_arithmetic3A_1016 = arith.constant 24 : i32
          %shift_right_arithmetic3A_1017 = vector.broadcast %shift_right_arithmetic3A_1016 : i32 to vector<16xi32>
          %shift_right_arithmetic3A_1018 = arith.shrsi %xor3A_1011, %shift_right_arithmetic3A_1017 : vector<16xi32>
          %add3A_1019 = arith.constant 128 : i32
          %add3A_1020 = vector.broadcast %add3A_1019 : i32 to vector<16xi32>
          %add3A_1021 = arith.addi %shift_right_arithmetic3A_1018, %add3A_1020 : vector<16xi32>
          %add3A_1022 = arith.addi %add3A_1021, %mul3A_8 : vector<16xi32>
          tpu.vector_store_idx %arg8[%add3A_1022], %broadcast_in_dim3A_3 {add = true} : memref<4096xi32, #tpu.memory_space<vmem>>[vector<16xi32>], vector<16xi32>,
          %scan3A_1023 = arith.constant 0 : i32
          scf.yield %scan3A_1023 : i32
        }
        %scan3A_551 = arith.constant 32 : i32
        %scan3A_552 = arith.constant 2048 : i32
        %scan3A_553 = arith.constant 0 : i32
        %scan3A_554 = arith.constant 0 : i32
        %scan3A_555 = arith.constant 0 : i32
        %scan3A_556 = arith.constant 0 : i32
        %scan3A_557 = arith.constant 0 : i32
        %scan3A_558 = arith.constant 16 : i32
        %scan3A_559 = arith.addi %scan3A_557, %scan3A_558 : i32
        %scan3A_560 = arith.constant 1 : i32
        %scan3A_561:4 = scf.for %scan3A_808 = %scan3A_557 to %scan3A_559 step %scan3A_560 iter_args(%scan3A_809 = %scan3A_553, %scan3A_810 = %scan3A_554, %scan3A_811 = %scan3A_555, %scan3A_812 = %scan3A_556) -> (i32, i32, i32, i32)  : i32 {
          %mul3A_813 = arith.constant 16 : i32
          %mul3A_814 = arith.muli %scan3A_808, %mul3A_813 : i32
          %get3A_815 = arith.index_cast %mul3A_814 : i32 to index
          %get3A_816 = tpu.vector_load %arg8[%get3A_815] {strides = array<i32>} : memref<4096xi32, #tpu.memory_space<vmem>>, vector<16xi32>,
          %mul3A_817 = arith.constant 16 : i32
          %mul3A_818 = arith.muli %scan3A_808, %mul3A_817 : i32
          %add3A_819 = arith.constant 256 : i32
          %add3A_820 = arith.addi %add3A_819, %mul3A_818 : i32
          %get3A_821 = arith.index_cast %add3A_820 : i32 to index
          %get3A_822 = tpu.vector_load %arg8[%get3A_821] {strides = array<i32>} : memref<4096xi32, #tpu.memory_space<vmem>>, vector<16xi32>,
          %add3A_823 = arith.addi %get3A_816, %get3A_822 : vector<16xi32>
          %mul3A_824 = arith.constant 16 : i32
          %mul3A_825 = arith.muli %scan3A_808, %mul3A_824 : i32
          %add3A_826 = arith.constant 512 : i32
          %add3A_827 = arith.addi %add3A_826, %mul3A_825 : i32
          %get3A_828 = arith.index_cast %add3A_827 : i32 to index
          %get3A_829 = tpu.vector_load %arg8[%get3A_828] {strides = array<i32>} : memref<4096xi32, #tpu.memory_space<vmem>>, vector<16xi32>,
          %add3A_830 = arith.addi %add3A_823, %get3A_829 : vector<16xi32>
          %mul3A_831 = arith.constant 16 : i32
          %mul3A_832 = arith.muli %scan3A_808, %mul3A_831 : i32
          %add3A_833 = arith.constant 768 : i32
          %add3A_834 = arith.addi %add3A_833, %mul3A_832 : i32
          %get3A_835 = arith.index_cast %add3A_834 : i32 to index
          %get3A_836 = tpu.vector_load %arg8[%get3A_835] {strides = array<i32>} : memref<4096xi32, #tpu.memory_space<vmem>>, vector<16xi32>,
          %add3A_837 = arith.addi %add3A_830, %get3A_836 : vector<16xi32>
          %mul3A_838 = arith.constant 16 : i32
          %mul3A_839 = arith.muli %scan3A_808, %mul3A_838 : i32
          %add3A_840 = arith.constant 1024 : i32
          %add3A_841 = arith.addi %add3A_840, %mul3A_839 : i32
          %get3A_842 = arith.index_cast %add3A_841 : i32 to index
          %get3A_843 = tpu.vector_load %arg8[%get3A_842] {strides = array<i32>} : memref<4096xi32, #tpu.memory_space<vmem>>, vector<16xi32>,
          %add3A_844 = arith.addi %add3A_837, %get3A_843 : vector<16xi32>
          %mul3A_845 = arith.constant 16 : i32
          %mul3A_846 = arith.muli %scan3A_808, %mul3A_845 : i32
          %add3A_847 = arith.constant 1280 : i32
          %add3A_848 = arith.addi %add3A_847, %mul3A_846 : i32
          %get3A_849 = arith.index_cast %add3A_848 : i32 to index
          %get3A_850 = tpu.vector_load %arg8[%get3A_849] {strides = array<i32>} : memref<4096xi32, #tpu.memory_space<vmem>>, vector<16xi32>,
          %add3A_851 = arith.addi %add3A_844, %get3A_850 : vector<16xi32>
          %mul3A_852 = arith.constant 16 : i32
          %mul3A_853 = arith.muli %scan3A_808, %mul3A_852 : i32
          %add3A_854 = arith.constant 1536 : i32
          %add3A_855 = arith.addi %add3A_854, %mul3A_853 : i32
          %get3A_856 = arith.index_cast %add3A_855 : i32 to index
          %get3A_857 = tpu.vector_load %arg8[%get3A_856] {strides = array<i32>} : memref<4096xi32, #tpu.memory_space<vmem>>, vector<16xi32>,
          %add3A_858 = arith.addi %add3A_851, %get3A_857 : vector<16xi32>
          %mul3A_859 = arith.constant 16 : i32
          %mul3A_860 = arith.muli %scan3A_808, %mul3A_859 : i32
          %add3A_861 = arith.constant 1792 : i32
          %add3A_862 = arith.addi %add3A_861, %mul3A_860 : i32
          %get3A_863 = arith.index_cast %add3A_862 : i32 to index
          %get3A_864 = tpu.vector_load %arg8[%get3A_863] {strides = array<i32>} : memref<4096xi32, #tpu.memory_space<vmem>>, vector<16xi32>,
          %add3A_865 = arith.addi %add3A_858, %get3A_864 : vector<16xi32>
          %mul3A_866 = arith.constant 16 : i32
          %mul3A_867 = arith.muli %scan3A_808, %mul3A_866 : i32
          %add3A_868 = arith.constant 2048 : i32
          %add3A_869 = arith.addi %add3A_868, %mul3A_867 : i32
          %get3A_870 = arith.index_cast %add3A_869 : i32 to index
          %get3A_871 = tpu.vector_load %arg8[%get3A_870] {strides = array<i32>} : memref<4096xi32, #tpu.memory_space<vmem>>, vector<16xi32>,
          %add3A_872 = arith.addi %add3A_865, %get3A_871 : vector<16xi32>
          %mul3A_873 = arith.constant 16 : i32
          %mul3A_874 = arith.muli %scan3A_808, %mul3A_873 : i32
          %add3A_875 = arith.constant 2304 : i32
          %add3A_876 = arith.addi %add3A_875, %mul3A_874 : i32
          %get3A_877 = arith.index_cast %add3A_876 : i32 to index
          %get3A_878 = tpu.vector_load %arg8[%get3A_877] {strides = array<i32>} : memref<4096xi32, #tpu.memory_space<vmem>>, vector<16xi32>,
          %add3A_879 = arith.addi %add3A_872, %get3A_878 : vector<16xi32>
          %mul3A_880 = arith.constant 16 : i32
          %mul3A_881 = arith.muli %scan3A_808, %mul3A_880 : i32
          %add3A_882 = arith.constant 2560 : i32
          %add3A_883 = arith.addi %add3A_882, %mul3A_881 : i32
          %get3A_884 = arith.index_cast %add3A_883 : i32 to index
          %get3A_885 = tpu.vector_load %arg8[%get3A_884] {strides = array<i32>} : memref<4096xi32, #tpu.memory_space<vmem>>, vector<16xi32>,
          %add3A_886 = arith.addi %add3A_879, %get3A_885 : vector<16xi32>
          %mul3A_887 = arith.constant 16 : i32
          %mul3A_888 = arith.muli %scan3A_808, %mul3A_887 : i32
          %add3A_889 = arith.constant 2816 : i32
          %add3A_890 = arith.addi %add3A_889, %mul3A_888 : i32
          %get3A_891 = arith.index_cast %add3A_890 : i32 to index
          %get3A_892 = tpu.vector_load %arg8[%get3A_891] {strides = array<i32>} : memref<4096xi32, #tpu.memory_space<vmem>>, vector<16xi32>,
          %add3A_893 = arith.addi %add3A_886, %get3A_892 : vector<16xi32>
          %mul3A_894 = arith.constant 16 : i32
          %mul3A_895 = arith.muli %scan3A_808, %mul3A_894 : i32
          %add3A_896 = arith.constant 3072 : i32
          %add3A_897 = arith.addi %add3A_896, %mul3A_895 : i32
          %get3A_898 = arith.index_cast %add3A_897 : i32 to index
          %get3A_899 = tpu.vector_load %arg8[%get3A_898] {strides = array<i32>} : memref<4096xi32, #tpu.memory_space<vmem>>, vector<16xi32>,
          %add3A_900 = arith.addi %add3A_893, %get3A_899 : vector<16xi32>
          %mul3A_901 = arith.constant 16 : i32
          %mul3A_902 = arith.muli %scan3A_808, %mul3A_901 : i32
          %add3A_903 = arith.constant 3328 : i32
          %add3A_904 = arith.addi %add3A_903, %mul3A_902 : i32
          %get3A_905 = arith.index_cast %add3A_904 : i32 to index
          %get3A_906 = tpu.vector_load %arg8[%get3A_905] {strides = array<i32>} : memref<4096xi32, #tpu.memory_space<vmem>>, vector<16xi32>,
          %add3A_907 = arith.addi %add3A_900, %get3A_906 : vector<16xi32>
          %mul3A_908 = arith.constant 16 : i32
          %mul3A_909 = arith.muli %scan3A_808, %mul3A_908 : i32
          %add3A_910 = arith.constant 3584 : i32
          %add3A_911 = arith.addi %add3A_910, %mul3A_909 : i32
          %get3A_912 = arith.index_cast %add3A_911 : i32 to index
          %get3A_913 = tpu.vector_load %arg8[%get3A_912] {strides = array<i32>} : memref<4096xi32, #tpu.memory_space<vmem>>, vector<16xi32>,
          %add3A_914 = arith.addi %add3A_907, %get3A_913 : vector<16xi32>
          %mul3A_915 = arith.constant 16 : i32
          %mul3A_916 = arith.muli %scan3A_808, %mul3A_915 : i32
          %add3A_917 = arith.constant 3840 : i32
          %add3A_918 = arith.addi %add3A_917, %mul3A_916 : i32
          %get3A_919 = arith.index_cast %add3A_918 : i32 to index
          %get3A_920 = tpu.vector_load %arg8[%get3A_919] {strides = array<i32>} : memref<4096xi32, #tpu.memory_space<vmem>>, vector<16xi32>,
          %add3A_921 = arith.addi %add3A_914, %get3A_920 : vector<16xi32>
          %broadcast_in_dim3A_922 = arith.constant true
          %broadcast_in_dim3A_923 = vector.broadcast %broadcast_in_dim3A_922 : i1 to vector<16xi1>
          %masked_cumsum3A_924 = tpu.scan <sum>, %add3A_921 masked %broadcast_in_dim3A_923 : vector<16xi32>, vector<16xi1> -> vector<16xi32>
          %slice3A_925 = vector.extract_strided_slice %masked_cumsum3A_924 {offsets = [15], sizes = [1], strides = [1]} : vector<16xi32> to vector<1xi32>
          %squeeze3A_926 = vector.extract %slice3A_925[0] : i32 from vector<1xi32>
          %sub3A_927 = arith.subi %scan3A_552, %scan3A_812 : i32
          %lt3A_928 = vector.broadcast %sub3A_927 : i32 to vector<16xi32>
          %lt3A_929 = arith.cmpi slt, %masked_cumsum3A_924, %lt3A_928 : vector<16xi32>
          %all_reduce_population_count3A_930 = tpu.all_reduce %lt3A_929 {dim = 0 : i64, kind = #tpu.reduction_kind<sum>} : vector<16xi1> -> vector<16xi32>
          %slice3A_931 = vector.extract_strided_slice %all_reduce_population_count3A_930 {offsets = [0], sizes = [1], strides = [1]} : vector<16xi32> to vector<1xi32>
          %squeeze3A_932 = vector.extract %slice3A_931[0] : i32 from vector<1xi32>
          %sub3A_933 = arith.constant 1 : i32
          %sub3A_934 = arith.subi %sub3A_933, %scan3A_809 : i32
          %lt3A_935 = arith.constant 16 : i32
          %lt3A_936 = arith.cmpi slt, %squeeze3A_932, %lt3A_935 : i32
          %jit3A_937 = arith.constant 1 : i32
          %jit3A_938 = arith.constant 0 : i32
          %select_n3A_939 = arith.select %lt3A_936, %jit3A_937, %jit3A_938 : i32
          %mul3A_940 = arith.muli %sub3A_934, %select_n3A_939 : i32
          %eq3A_941 = arith.constant 1 : i32
          %eq3A_942 = arith.cmpi eq, %mul3A_940, %eq3A_941 : i32
          %select_n3A_943 = arith.select %eq3A_942, %scan3A_808, %scan3A_810 : i32
          %eq3A_944 = arith.constant 1 : i32
          %eq3A_945 = arith.cmpi eq, %mul3A_940, %eq3A_944 : i32
          %select_n3A_946 = arith.select %eq3A_945, %scan3A_812, %scan3A_811 : i32
          %lt3A_947 = arith.constant 16 : i32
          %lt3A_948 = arith.cmpi slt, %squeeze3A_932, %lt3A_947 : i32
          %jit3A_949 = arith.constant 1 : i32
          %select_n3A_950 = arith.select %lt3A_948, %jit3A_949, %scan3A_809 : i32
          %add3A_951 = arith.addi %scan3A_812, %squeeze3A_926 : i32
          scf.yield %select_n3A_950, %select_n3A_943, %select_n3A_946, %add3A_951 : i32, i32, i32, i32
        }
        %scan3A_562 = arith.constant 16 : i32
        %mul3A_563 = arith.constant 16 : i32
        %mul3A_564 = arith.muli %scan3A_561#1, %mul3A_563 : i32
        %get3A = arith.index_cast %mul3A_564 : i32 to index
        %get3A_565 = tpu.vector_load %arg8[%get3A] {strides = array<i32>} : memref<4096xi32, #tpu.memory_space<vmem>>, vector<16xi32>,
        %mul3A_566 = arith.constant 16 : i32
        %mul3A_567 = arith.muli %scan3A_561#1, %mul3A_566 : i32
        %add3A_568 = arith.constant 256 : i32
        %add3A_569 = arith.addi %add3A_568, %mul3A_567 : i32
        %get3A_570 = arith.index_cast %add3A_569 : i32 to index
        %get3A_571 = tpu.vector_load %arg8[%get3A_570] {strides = array<i32>} : memref<4096xi32, #tpu.memory_space<vmem>>, vector<16xi32>,
        %add3A_572 = arith.addi %get3A_565, %get3A_571 : vector<16xi32>
        %mul3A_573 = arith.constant 16 : i32
        %mul3A_574 = arith.muli %scan3A_561#1, %mul3A_573 : i32
        %add3A_575 = arith.constant 512 : i32
        %add3A_576 = arith.addi %add3A_575, %mul3A_574 : i32
        %get3A_577 = arith.index_cast %add3A_576 : i32 to index
        %get3A_578 = tpu.vector_load %arg8[%get3A_577] {strides = array<i32>} : memref<4096xi32, #tpu.memory_space<vmem>>, vector<16xi32>,
        %add3A_579 = arith.addi %add3A_572, %get3A_578 : vector<16xi32>
        %mul3A_580 = arith.constant 16 : i32
        %mul3A_581 = arith.muli %scan3A_561#1, %mul3A_580 : i32
        %add3A_582 = arith.constant 768 : i32
        %add3A_583 = arith.addi %add3A_582, %mul3A_581 : i32
        %get3A_584 = arith.index_cast %add3A_583 : i32 to index
        %get3A_585 = tpu.vector_load %arg8[%get3A_584] {strides = array<i32>} : memref<4096xi32, #tpu.memory_space<vmem>>, vector<16xi32>,
        %add3A_586 = arith.addi %add3A_579, %get3A_585 : vector<16xi32>
        %mul3A_587 = arith.constant 16 : i32
        %mul3A_588 = arith.muli %scan3A_561#1, %mul3A_587 : i32
        %add3A_589 = arith.constant 1024 : i32
        %add3A_590 = arith.addi %add3A_589, %mul3A_588 : i32
        %get3A_591 = arith.index_cast %add3A_590 : i32 to index
        %get3A_592 = tpu.vector_load %arg8[%get3A_591] {strides = array<i32>} : memref<4096xi32, #tpu.memory_space<vmem>>, vector<16xi32>,
        %add3A_593 = arith.addi %add3A_586, %get3A_592 : vector<16xi32>
        %mul3A_594 = arith.constant 16 : i32
        %mul3A_595 = arith.muli %scan3A_561#1, %mul3A_594 : i32
        %add3A_596 = arith.constant 1280 : i32
        %add3A_597 = arith.addi %add3A_596, %mul3A_595 : i32
        %get3A_598 = arith.index_cast %add3A_597 : i32 to index
        %get3A_599 = tpu.vector_load %arg8[%get3A_598] {strides = array<i32>} : memref<4096xi32, #tpu.memory_space<vmem>>, vector<16xi32>,
        %add3A_600 = arith.addi %add3A_593, %get3A_599 : vector<16xi32>
        %mul3A_601 = arith.constant 16 : i32
        %mul3A_602 = arith.muli %scan3A_561#1, %mul3A_601 : i32
        %add3A_603 = arith.constant 1536 : i32
        %add3A_604 = arith.addi %add3A_603, %mul3A_602 : i32
        %get3A_605 = arith.index_cast %add3A_604 : i32 to index
        %get3A_606 = tpu.vector_load %arg8[%get3A_605] {strides = array<i32>} : memref<4096xi32, #tpu.memory_space<vmem>>, vector<16xi32>,
        %add3A_607 = arith.addi %add3A_600, %get3A_606 : vector<16xi32>
        %mul3A_608 = arith.constant 16 : i32
        %mul3A_609 = arith.muli %scan3A_561#1, %mul3A_608 : i32
        %add3A_610 = arith.constant 1792 : i32
        %add3A_611 = arith.addi %add3A_610, %mul3A_609 : i32
        %get3A_612 = arith.index_cast %add3A_611 : i32 to index
        %get3A_613 = tpu.vector_load %arg8[%get3A_612] {strides = array<i32>} : memref<4096xi32, #tpu.memory_space<vmem>>, vector<16xi32>,
        %add3A_614 = arith.addi %add3A_607, %get3A_613 : vector<16xi32>
        %mul3A_615 = arith.constant 16 : i32
        %mul3A_616 = arith.muli %scan3A_561#1, %mul3A_615 : i32
        %add3A_617 = arith.constant 2048 : i32
        %add3A_618 = arith.addi %add3A_617, %mul3A_616 : i32
        %get3A_619 = arith.index_cast %add3A_618 : i32 to index
        %get3A_620 = tpu.vector_load %arg8[%get3A_619] {strides = array<i32>} : memref<4096xi32, #tpu.memory_space<vmem>>, vector<16xi32>,
        %add3A_621 = arith.addi %add3A_614, %get3A_620 : vector<16xi32>
        %mul3A_622 = arith.constant 16 : i32
        %mul3A_623 = arith.muli %scan3A_561#1, %mul3A_622 : i32
        %add3A_624 = arith.constant 2304 : i32
        %add3A_625 = arith.addi %add3A_624, %mul3A_623 : i32
        %get3A_626 = arith.index_cast %add3A_625 : i32 to index
        %get3A_627 = tpu.vector_load %arg8[%get3A_626] {strides = array<i32>} : memref<4096xi32, #tpu.memory_space<vmem>>, vector<16xi32>,
        %add3A_628 = arith.addi %add3A_621, %get3A_627 : vector<16xi32>
        %mul3A_629 = arith.constant 16 : i32
        %mul3A_630 = arith.muli %scan3A_561#1, %mul3A_629 : i32
        %add3A_631 = arith.constant 2560 : i32
        %add3A_632 = arith.addi %add3A_631, %mul3A_630 : i32
        %get3A_633 = arith.index_cast %add3A_632 : i32 to index
        %get3A_634 = tpu.vector_load %arg8[%get3A_633] {strides = array<i32>} : memref<4096xi32, #tpu.memory_space<vmem>>, vector<16xi32>,
        %add3A_635 = arith.addi %add3A_628, %get3A_634 : vector<16xi32>
        %mul3A_636 = arith.constant 16 : i32
        %mul3A_637 = arith.muli %scan3A_561#1, %mul3A_636 : i32
        %add3A_638 = arith.constant 2816 : i32
        %add3A_639 = arith.addi %add3A_638, %mul3A_637 : i32
        %get3A_640 = arith.index_cast %add3A_639 : i32 to index
        %get3A_641 = tpu.vector_load %arg8[%get3A_640] {strides = array<i32>} : memref<4096xi32, #tpu.memory_space<vmem>>, vector<16xi32>,
        %add3A_642 = arith.addi %add3A_635, %get3A_641 : vector<16xi32>
        %mul3A_643 = arith.constant 16 : i32
        %mul3A_644 = arith.muli %scan3A_561#1, %mul3A_643 : i32
        %add3A_645 = arith.constant 3072 : i32
        %add3A_646 = arith.addi %add3A_645, %mul3A_644 : i32
        %get3A_647 = arith.index_cast %add3A_646 : i32 to index
        %get3A_648 = tpu.vector_load %arg8[%get3A_647] {strides = array<i32>} : memref<4096xi32, #tpu.memory_space<vmem>>, vector<16xi32>,
        %add3A_649 = arith.addi %add3A_642, %get3A_648 : vector<16xi32>
        %mul3A_650 = arith.constant 16 : i32
        %mul3A_651 = arith.muli %scan3A_561#1, %mul3A_650 : i32
        %add3A_652 = arith.constant 3328 : i32
        %add3A_653 = arith.addi %add3A_652, %mul3A_651 : i32
        %get3A_654 = arith.index_cast %add3A_653 : i32 to index
        %get3A_655 = tpu.vector_load %arg8[%get3A_654] {strides = array<i32>} : memref<4096xi32, #tpu.memory_space<vmem>>, vector<16xi32>,
        %add3A_656 = arith.addi %add3A_649, %get3A_655 : vector<16xi32>
        %mul3A_657 = arith.constant 16 : i32
        %mul3A_658 = arith.muli %scan3A_561#1, %mul3A_657 : i32
        %add3A_659 = arith.constant 3584 : i32
        %add3A_660 = arith.addi %add3A_659, %mul3A_658 : i32
        %get3A_661 = arith.index_cast %add3A_660 : i32 to index
        %get3A_662 = tpu.vector_load %arg8[%get3A_661] {strides = array<i32>} : memref<4096xi32, #tpu.memory_space<vmem>>, vector<16xi32>,
        %add3A_663 = arith.addi %add3A_656, %get3A_662 : vector<16xi32>
        %mul3A_664 = arith.constant 16 : i32
        %mul3A_665 = arith.muli %scan3A_561#1, %mul3A_664 : i32
        %add3A_666 = arith.constant 3840 : i32
        %add3A_667 = arith.addi %add3A_666, %mul3A_665 : i32
        %get3A_668 = arith.index_cast %add3A_667 : i32 to index
        %get3A_669 = tpu.vector_load %arg8[%get3A_668] {strides = array<i32>} : memref<4096xi32, #tpu.memory_space<vmem>>, vector<16xi32>,
        %add3A_670 = arith.addi %add3A_663, %get3A_669 : vector<16xi32>
        %broadcast_in_dim3A_671 = arith.constant true
        %broadcast_in_dim3A_672 = vector.broadcast %broadcast_in_dim3A_671 : i1 to vector<16xi1>
        %masked_cumsum3A = tpu.scan <sum>, %add3A_670 masked %broadcast_in_dim3A_672 : vector<16xi32>, vector<16xi1> -> vector<16xi32>
        %sub3A = arith.constant 2048 : i32
        %sub3A_673 = arith.subi %sub3A, %scan3A_561#2 : i32
        %lt3A = vector.broadcast %sub3A_673 : i32 to vector<16xi32>
        %lt3A_674 = arith.cmpi slt, %masked_cumsum3A, %lt3A : vector<16xi32>
        %all_reduce_population_count3A = tpu.all_reduce %lt3A_674 {dim = 0 : i64, kind = #tpu.reduction_kind<sum>} : vector<16xi1> -> vector<16xi32>
        %slice3A = vector.extract_strided_slice %all_reduce_population_count3A {offsets = [0], sizes = [1], strides = [1]} : vector<16xi32> to vector<1xi32>
        %squeeze3A = vector.extract %slice3A[0] : i32 from vector<1xi32>
        %jit3A = arith.constant 0 : i32
        %broadcast_in_dim3A_675 = vector.broadcast %jit3A : i32 to vector<16xi32>
        %select_n3A = arith.select %lt3A_674, %add3A_670, %broadcast_in_dim3A_675 : vector<16xi1>, vector<16xi32>
        %reduce_sum3A = arith.constant true
        %reduce_sum3A_676 = vector.broadcast %reduce_sum3A : i1 to vector<16xi1>
        %reduce_sum3A_677 = tpu.scan <sum>, %select_n3A masked %reduce_sum3A_676 : vector<16xi32>, vector<16xi1> -> vector<16xi32>
        %reduce_sum3A_678 = vector.extract %reduce_sum3A_677[15] : i32 from vector<16xi32>
        %mul3A_679 = arith.constant 16 : i32
        %mul3A_680 = arith.muli %scan3A_561#1, %mul3A_679 : i32
        %add3A_681 = arith.addi %mul3A_680, %squeeze3A : i32
        %sub3A_682 = arith.constant 128 : i32
        %sub3A_683 = arith.subi %add3A_681, %sub3A_682 : i32
        %add3A_684 = arith.addi %scan3A_561#2, %reduce_sum3A_678 : i32
        %sub3A_685 = arith.constant 2048 : i32
        %sub3A_686 = arith.subi %sub3A_685, %add3A_684 : i32
        %scan3A_687 = arith.constant 0 : i32
        %scan3A_688 = arith.constant 0 : i32
        %scan3A_689 = arith.constant 0 : i32
        %scan3A_690 = arith.constant 0 : i32
        %scan3A_691 = arith.constant 0 : i32
        %scan3A_692 = arith.constant 64 : i32
        %scan3A_693 = arith.addi %scan3A_691, %scan3A_692 : i32
        %scan3A_694 = arith.constant 1 : i32
        %scan3A_695:4 = scf.for %scan3A_808 = %scan3A_691 to %scan3A_693 step %scan3A_694 iter_args(%scan3A_809 = %scan3A_687, %scan3A_810 = %scan3A_688, %scan3A_811 = %scan3A_689, %scan3A_812 = %scan3A_690) -> (i32, i32, i32, i32)  : i32 {
          %add3A_813 = arith.constant 0 : i32
          %add3A_814 = arith.addi %add3A_813, %scan3A_808 : i32
          %mul3A_815 = arith.constant 16 : i32
          %mul3A_816 = arith.muli %add3A_814, %mul3A_815 : i32
          %get3A_817 = arith.index_cast %mul3A_816 : i32 to index
          %get3A_818 = tpu.vector_load %arg5[%get3A_817] {strides = array<i32>} : memref<4112xi32, #tpu.memory_space<vmem>>, vector<16xi32>,
          %shift_right_arithmetic3A_819 = arith.constant 24 : i32
          %shift_right_arithmetic3A_820 = vector.broadcast %shift_right_arithmetic3A_819 : i32 to vector<16xi32>
          %shift_right_arithmetic3A_821 = arith.shrsi %get3A_818, %shift_right_arithmetic3A_820 : vector<16xi32>
          %eq3A_822 = vector.broadcast %sub3A_683 : i32 to vector<16xi32>
          %eq3A_823 = arith.cmpi eq, %shift_right_arithmetic3A_821, %eq3A_822 : vector<16xi32>
          %add3A_824 = arith.constant 0 : i32
          %add3A_825 = arith.addi %add3A_824, %scan3A_809 : i32
          %swap3A_826 = arith.index_cast %add3A_825 : i32 to index
          %swap3A_827 = tpu.vector_load %arg7[%swap3A_826] masked %eq3A_823 {strides = array<i32>} : memref<4160xi32, #tpu.memory_space<vmem>>, vector<16xi32>, vector<16xi1>
          tpu.vector_store %arg7[%swap3A_826], %get3A_818 masked %eq3A_823 {strides = array<i32>} : memref<4160xi32, #tpu.memory_space<vmem>>, vector<16xi32>, vector<16xi1>
          %all_reduce_population_count3A_828 = tpu.all_reduce %eq3A_823 {dim = 0 : i64, kind = #tpu.reduction_kind<sum>} : vector<16xi1> -> vector<16xi32>
          %slice3A_829 = vector.extract_strided_slice %all_reduce_population_count3A_828 {offsets = [0], sizes = [1], strides = [1]} : vector<16xi32> to vector<1xi32>
          %squeeze3A_830 = vector.extract %slice3A_829[0] : i32 from vector<1xi32>
          %add3A_831 = arith.addi %scan3A_809, %squeeze3A_830 : i32
          %add3A_832 = arith.constant 64 : i32
          %add3A_833 = arith.addi %add3A_832, %scan3A_808 : i32
          %mul3A_834 = arith.constant 16 : i32
          %mul3A_835 = arith.muli %add3A_833, %mul3A_834 : i32
          %get3A_836 = arith.index_cast %mul3A_835 : i32 to index
          %get3A_837 = tpu.vector_load %arg5[%get3A_836] {strides = array<i32>} : memref<4112xi32, #tpu.memory_space<vmem>>, vector<16xi32>,
          %shift_right_arithmetic3A_838 = arith.constant 24 : i32
          %shift_right_arithmetic3A_839 = vector.broadcast %shift_right_arithmetic3A_838 : i32 to vector<16xi32>
          %shift_right_arithmetic3A_840 = arith.shrsi %get3A_837, %shift_right_arithmetic3A_839 : vector<16xi32>
          %eq3A_841 = vector.broadcast %sub3A_683 : i32 to vector<16xi32>
          %eq3A_842 = arith.cmpi eq, %shift_right_arithmetic3A_840, %eq3A_841 : vector<16xi32>
          %add3A_843 = arith.constant 1040 : i32
          %add3A_844 = arith.addi %add3A_843, %scan3A_810 : i32
          %swap3A_845 = arith.index_cast %add3A_844 : i32 to index
          %swap3A_846 = tpu.vector_load %arg7[%swap3A_845] masked %eq3A_842 {strides = array<i32>} : memref<4160xi32, #tpu.memory_space<vmem>>, vector<16xi32>, vector<16xi1>
          tpu.vector_store %arg7[%swap3A_845], %get3A_837 masked %eq3A_842 {strides = array<i32>} : memref<4160xi32, #tpu.memory_space<vmem>>, vector<16xi32>, vector<16xi1>
          %all_reduce_population_count3A_847 = tpu.all_reduce %eq3A_842 {dim = 0 : i64, kind = #tpu.reduction_kind<sum>} : vector<16xi1> -> vector<16xi32>
          %slice3A_848 = vector.extract_strided_slice %all_reduce_population_count3A_847 {offsets = [0], sizes = [1], strides = [1]} : vector<16xi32> to vector<1xi32>
          %squeeze3A_849 = vector.extract %slice3A_848[0] : i32 from vector<1xi32>
          %add3A_850 = arith.addi %scan3A_810, %squeeze3A_849 : i32
          %add3A_851 = arith.constant 128 : i32
          %add3A_852 = arith.addi %add3A_851, %scan3A_808 : i32
          %mul3A_853 = arith.constant 16 : i32
          %mul3A_854 = arith.muli %add3A_852, %mul3A_853 : i32
          %get3A_855 = arith.index_cast %mul3A_854 : i32 to index
          %get3A_856 = tpu.vector_load %arg5[%get3A_855] {strides = array<i32>} : memref<4112xi32, #tpu.memory_space<vmem>>, vector<16xi32>,
          %shift_right_arithmetic3A_857 = arith.constant 24 : i32
          %shift_right_arithmetic3A_858 = vector.broadcast %shift_right_arithmetic3A_857 : i32 to vector<16xi32>
          %shift_right_arithmetic3A_859 = arith.shrsi %get3A_856, %shift_right_arithmetic3A_858 : vector<16xi32>
          %eq3A_860 = vector.broadcast %sub3A_683 : i32 to vector<16xi32>
          %eq3A_861 = arith.cmpi eq, %shift_right_arithmetic3A_859, %eq3A_860 : vector<16xi32>
          %add3A_862 = arith.constant 2080 : i32
          %add3A_863 = arith.addi %add3A_862, %scan3A_811 : i32
          %swap3A_864 = arith.index_cast %add3A_863 : i32 to index
          %swap3A_865 = tpu.vector_load %arg7[%swap3A_864] masked %eq3A_861 {strides = array<i32>} : memref<4160xi32, #tpu.memory_space<vmem>>, vector<16xi32>, vector<16xi1>
          tpu.vector_store %arg7[%swap3A_864], %get3A_856 masked %eq3A_861 {strides = array<i32>} : memref<4160xi32, #tpu.memory_space<vmem>>, vector<16xi32>, vector<16xi1>
          %all_reduce_population_count3A_866 = tpu.all_reduce %eq3A_861 {dim = 0 : i64, kind = #tpu.reduction_kind<sum>} : vector<16xi1> -> vector<16xi32>
          %slice3A_867 = vector.extract_strided_slice %all_reduce_population_count3A_866 {offsets = [0], sizes = [1], strides = [1]} : vector<16xi32> to vector<1xi32>
          %squeeze3A_868 = vector.extract %slice3A_867[0] : i32 from vector<1xi32>
          %add3A_869 = arith.addi %scan3A_811, %squeeze3A_868 : i32
          %add3A_870 = arith.constant 192 : i32
          %add3A_871 = arith.addi %add3A_870, %scan3A_808 : i32
          %mul3A_872 = arith.constant 16 : i32
          %mul3A_873 = arith.muli %add3A_871, %mul3A_872 : i32
          %get3A_874 = arith.index_cast %mul3A_873 : i32 to index
          %get3A_875 = tpu.vector_load %arg5[%get3A_874] {strides = array<i32>} : memref<4112xi32, #tpu.memory_space<vmem>>, vector<16xi32>,
          %shift_right_arithmetic3A_876 = arith.constant 24 : i32
          %shift_right_arithmetic3A_877 = vector.broadcast %shift_right_arithmetic3A_876 : i32 to vector<16xi32>
          %shift_right_arithmetic3A_878 = arith.shrsi %get3A_875, %shift_right_arithmetic3A_877 : vector<16xi32>
          %eq3A_879 = vector.broadcast %sub3A_683 : i32 to vector<16xi32>
          %eq3A_880 = arith.cmpi eq, %shift_right_arithmetic3A_878, %eq3A_879 : vector<16xi32>
          %add3A_881 = arith.constant 3120 : i32
          %add3A_882 = arith.addi %add3A_881, %scan3A_812 : i32
          %swap3A_883 = arith.index_cast %add3A_882 : i32 to index
          %swap3A_884 = tpu.vector_load %arg7[%swap3A_883] masked %eq3A_880 {strides = array<i32>} : memref<4160xi32, #tpu.memory_space<vmem>>, vector<16xi32>, vector<16xi1>
          tpu.vector_store %arg7[%swap3A_883], %get3A_875 masked %eq3A_880 {strides = array<i32>} : memref<4160xi32, #tpu.memory_space<vmem>>, vector<16xi32>, vector<16xi1>
          %all_reduce_population_count3A_885 = tpu.all_reduce %eq3A_880 {dim = 0 : i64, kind = #tpu.reduction_kind<sum>} : vector<16xi1> -> vector<16xi32>
          %slice3A_886 = vector.extract_strided_slice %all_reduce_population_count3A_885 {offsets = [0], sizes = [1], strides = [1]} : vector<16xi32> to vector<1xi32>
          %squeeze3A_887 = vector.extract %slice3A_886[0] : i32 from vector<1xi32>
          %add3A_888 = arith.addi %scan3A_812, %squeeze3A_887 : i32
          scf.yield %add3A_831, %add3A_850, %add3A_869, %add3A_888 : i32, i32, i32, i32
        }
        %scan3A_696 = arith.constant 64 : i32
        %add3A_697 = arith.constant 16 : i32
        %add3A_698 = arith.addi %scan3A_695#0, %add3A_697 : i32
        %sub3A_699 = arith.constant 1 : i32
        %sub3A_700 = arith.subi %add3A_698, %sub3A_699 : i32
        %shift_right_arithmetic3A = arith.constant 4 : i32
        %shift_right_arithmetic3A_701 = arith.shrsi %sub3A_700, %shift_right_arithmetic3A : i32
        %while3A = arith.constant 0 : i32
        %while3A_702 = arith.constant 0 : i32
        %while3A_703 = arith.constant 0 : i32
        %while3A_704 = arith.subi %shift_right_arithmetic3A_701, %while3A_702 : i32
        %while3A_705 = arith.addi %while3A_702, %while3A_704 : i32
        %while3A_706 = arith.constant 1 : i32
        %while3A_707 = arith.divsi %while3A_704, %while3A_706 : i32
        %while3A_708 = arith.muli %while3A_707, %while3A_706 : i32
        %while3A_709 = arith.addi %while3A_702, %while3A_708 : i32
        %while3A_710 = arith.constant 1 : i32
        %while3A_711 = scf.for %while3A_808 = %while3A_702 to %while3A_709 step %while3A_710 iter_args(%while3A_809 = %while3A_703) -> (i32)  : i32 {
          %mul3A_810 = arith.constant 16 : i32
          %mul3A_811 = arith.muli %while3A_808, %mul3A_810 : i32
          %add3A_812 = arith.constant 0 : i32
          %add3A_813 = arith.addi %add3A_812, %mul3A_811 : i32
          %get3A_814 = arith.index_cast %add3A_813 : i32 to index
          %get3A_815 = tpu.vector_load %arg7[%get3A_814] {strides = array<i32>} : memref<4160xi32, #tpu.memory_space<vmem>>, vector<16xi32>,
          %mul3A_816 = arith.constant 16 : i32
          %mul3A_817 = arith.muli %while3A_808, %mul3A_816 : i32
          %add3A_818 = arith.addi %while3A, %mul3A_817 : i32
          %swap3A_819 = arith.index_cast %add3A_818 : i32 to index
          %swap3A_820 = tpu.vector_load %arg6[%swap3A_819] {strides = array<i32>} : memref<4112xi32, #tpu.memory_space<vmem>>, vector<16xi32>,
          tpu.vector_store %arg6[%swap3A_819], %get3A_815 {strides = array<i32>} : memref<4112xi32, #tpu.memory_space<vmem>>, vector<16xi32>,
          %while3A_821 = arith.constant 0 : i32
          scf.yield %while3A_821 : i32
        }
        %while3A_712 = arith.constant 1 : i32
        %while3A_713 = scf.for %while3A_808 = %while3A_709 to %while3A_705 step %while3A_712 iter_args(%while3A_809 = %while3A_711) -> (i32)  : i32 {
          %mul3A_810 = arith.constant 16 : i32
          %mul3A_811 = arith.muli %while3A_808, %mul3A_810 : i32
          %add3A_812 = arith.constant 0 : i32
          %add3A_813 = arith.addi %add3A_812, %mul3A_811 : i32
          %get3A_814 = arith.index_cast %add3A_813 : i32 to index
          %get3A_815 = tpu.vector_load %arg7[%get3A_814] {strides = array<i32>} : memref<4160xi32, #tpu.memory_space<vmem>>, vector<16xi32>,
          %mul3A_816 = arith.constant 16 : i32
          %mul3A_817 = arith.muli %while3A_808, %mul3A_816 : i32
          %add3A_818 = arith.addi %while3A, %mul3A_817 : i32
          %swap3A_819 = arith.index_cast %add3A_818 : i32 to index
          %swap3A_820 = tpu.vector_load %arg6[%swap3A_819] {strides = array<i32>} : memref<4112xi32, #tpu.memory_space<vmem>>, vector<16xi32>,
          tpu.vector_store %arg6[%swap3A_819], %get3A_815 {strides = array<i32>} : memref<4112xi32, #tpu.memory_space<vmem>>, vector<16xi32>,
          %while3A_821 = arith.constant 0 : i32
          scf.yield %while3A_821 : i32
        }
        %add3A_714 = arith.constant 0 : i32
        %add3A_715 = arith.addi %add3A_714, %scan3A_695#0 : i32
        %add3A_716 = arith.constant 16 : i32
        %add3A_717 = arith.addi %scan3A_695#1, %add3A_716 : i32
        %sub3A_718 = arith.constant 1 : i32
        %sub3A_719 = arith.subi %add3A_717, %sub3A_718 : i32
        %shift_right_arithmetic3A_720 = arith.constant 4 : i32
        %shift_right_arithmetic3A_721 = arith.shrsi %sub3A_719, %shift_right_arithmetic3A_720 : i32
        %while3A_722 = arith.constant 0 : i32
        %while3A_723 = arith.constant 0 : i32
        %while3A_724 = arith.subi %shift_right_arithmetic3A_721, %while3A_722 : i32
        %while3A_725 = arith.addi %while3A_722, %while3A_724 : i32
        %while3A_726 = arith.constant 1 : i32
        %while3A_727 = arith.divsi %while3A_724, %while3A_726 : i32
        %while3A_728 = arith.muli %while3A_727, %while3A_726 : i32
        %while3A_729 = arith.addi %while3A_722, %while3A_728 : i32
        %while3A_730 = arith.constant 1 : i32
        %while3A_731 = scf.for %while3A_808 = %while3A_722 to %while3A_729 step %while3A_730 iter_args(%while3A_809 = %while3A_723) -> (i32)  : i32 {
          %mul3A_810 = arith.constant 16 : i32
          %mul3A_811 = arith.muli %while3A_808, %mul3A_810 : i32
          %add3A_812 = arith.constant 1040 : i32
          %add3A_813 = arith.addi %add3A_812, %mul3A_811 : i32
          %get3A_814 = arith.index_cast %add3A_813 : i32 to index
          %get3A_815 = tpu.vector_load %arg7[%get3A_814] {strides = array<i32>} : memref<4160xi32, #tpu.memory_space<vmem>>, vector<16xi32>,
          %mul3A_816 = arith.constant 16 : i32
          %mul3A_817 = arith.muli %while3A_808, %mul3A_816 : i32
          %add3A_818 = arith.addi %add3A_715, %mul3A_817 : i32
          %swap3A_819 = arith.index_cast %add3A_818 : i32 to index
          %swap3A_820 = tpu.vector_load %arg6[%swap3A_819] {strides = array<i32>} : memref<4112xi32, #tpu.memory_space<vmem>>, vector<16xi32>,
          tpu.vector_store %arg6[%swap3A_819], %get3A_815 {strides = array<i32>} : memref<4112xi32, #tpu.memory_space<vmem>>, vector<16xi32>,
          %while3A_821 = arith.constant 0 : i32
          scf.yield %while3A_821 : i32
        }
        %while3A_732 = arith.constant 1 : i32
        %while3A_733 = scf.for %while3A_808 = %while3A_729 to %while3A_725 step %while3A_732 iter_args(%while3A_809 = %while3A_731) -> (i32)  : i32 {
          %mul3A_810 = arith.constant 16 : i32
          %mul3A_811 = arith.muli %while3A_808, %mul3A_810 : i32
          %add3A_812 = arith.constant 1040 : i32
          %add3A_813 = arith.addi %add3A_812, %mul3A_811 : i32
          %get3A_814 = arith.index_cast %add3A_813 : i32 to index
          %get3A_815 = tpu.vector_load %arg7[%get3A_814] {strides = array<i32>} : memref<4160xi32, #tpu.memory_space<vmem>>, vector<16xi32>,
          %mul3A_816 = arith.constant 16 : i32
          %mul3A_817 = arith.muli %while3A_808, %mul3A_816 : i32
          %add3A_818 = arith.addi %add3A_715, %mul3A_817 : i32
          %swap3A_819 = arith.index_cast %add3A_818 : i32 to index
          %swap3A_820 = tpu.vector_load %arg6[%swap3A_819] {strides = array<i32>} : memref<4112xi32, #tpu.memory_space<vmem>>, vector<16xi32>,
          tpu.vector_store %arg6[%swap3A_819], %get3A_815 {strides = array<i32>} : memref<4112xi32, #tpu.memory_space<vmem>>, vector<16xi32>,
          %while3A_821 = arith.constant 0 : i32
          scf.yield %while3A_821 : i32
        }
        %add3A_734 = arith.addi %add3A_715, %scan3A_695#1 : i32
        %add3A_735 = arith.constant 16 : i32
        %add3A_736 = arith.addi %scan3A_695#2, %add3A_735 : i32
        %sub3A_737 = arith.constant 1 : i32
        %sub3A_738 = arith.subi %add3A_736, %sub3A_737 : i32
        %shift_right_arithmetic3A_739 = arith.constant 4 : i32
        %shift_right_arithmetic3A_740 = arith.shrsi %sub3A_738, %shift_right_arithmetic3A_739 : i32
        %while3A_741 = arith.constant 0 : i32
        %while3A_742 = arith.constant 0 : i32
        %while3A_743 = arith.subi %shift_right_arithmetic3A_740, %while3A_741 : i32
        %while3A_744 = arith.addi %while3A_741, %while3A_743 : i32
        %while3A_745 = arith.constant 1 : i32
        %while3A_746 = arith.divsi %while3A_743, %while3A_745 : i32
        %while3A_747 = arith.muli %while3A_746, %while3A_745 : i32
        %while3A_748 = arith.addi %while3A_741, %while3A_747 : i32
        %while3A_749 = arith.constant 1 : i32
        %while3A_750 = scf.for %while3A_808 = %while3A_741 to %while3A_748 step %while3A_749 iter_args(%while3A_809 = %while3A_742) -> (i32)  : i32 {
          %mul3A_810 = arith.constant 16 : i32
          %mul3A_811 = arith.muli %while3A_808, %mul3A_810 : i32
          %add3A_812 = arith.constant 2080 : i32
          %add3A_813 = arith.addi %add3A_812, %mul3A_811 : i32
          %get3A_814 = arith.index_cast %add3A_813 : i32 to index
          %get3A_815 = tpu.vector_load %arg7[%get3A_814] {strides = array<i32>} : memref<4160xi32, #tpu.memory_space<vmem>>, vector<16xi32>,
          %mul3A_816 = arith.constant 16 : i32
          %mul3A_817 = arith.muli %while3A_808, %mul3A_816 : i32
          %add3A_818 = arith.addi %add3A_734, %mul3A_817 : i32
          %swap3A_819 = arith.index_cast %add3A_818 : i32 to index
          %swap3A_820 = tpu.vector_load %arg6[%swap3A_819] {strides = array<i32>} : memref<4112xi32, #tpu.memory_space<vmem>>, vector<16xi32>,
          tpu.vector_store %arg6[%swap3A_819], %get3A_815 {strides = array<i32>} : memref<4112xi32, #tpu.memory_space<vmem>>, vector<16xi32>,
          %while3A_821 = arith.constant 0 : i32
          scf.yield %while3A_821 : i32
        }
        %while3A_751 = arith.constant 1 : i32
        %while3A_752 = scf.for %while3A_808 = %while3A_748 to %while3A_744 step %while3A_751 iter_args(%while3A_809 = %while3A_750) -> (i32)  : i32 {
          %mul3A_810 = arith.constant 16 : i32
          %mul3A_811 = arith.muli %while3A_808, %mul3A_810 : i32
          %add3A_812 = arith.constant 2080 : i32
          %add3A_813 = arith.addi %add3A_812, %mul3A_811 : i32
          %get3A_814 = arith.index_cast %add3A_813 : i32 to index
          %get3A_815 = tpu.vector_load %arg7[%get3A_814] {strides = array<i32>} : memref<4160xi32, #tpu.memory_space<vmem>>, vector<16xi32>,
          %mul3A_816 = arith.constant 16 : i32
          %mul3A_817 = arith.muli %while3A_808, %mul3A_816 : i32
          %add3A_818 = arith.addi %add3A_734, %mul3A_817 : i32
          %swap3A_819 = arith.index_cast %add3A_818 : i32 to index
          %swap3A_820 = tpu.vector_load %arg6[%swap3A_819] {strides = array<i32>} : memref<4112xi32, #tpu.memory_space<vmem>>, vector<16xi32>,
          tpu.vector_store %arg6[%swap3A_819], %get3A_815 {strides = array<i32>} : memref<4112xi32, #tpu.memory_space<vmem>>, vector<16xi32>,
          %while3A_821 = arith.constant 0 : i32
          scf.yield %while3A_821 : i32
        }
        %add3A_753 = arith.addi %add3A_734, %scan3A_695#2 : i32
        %add3A_754 = arith.constant 16 : i32
        %add3A_755 = arith.addi %scan3A_695#3, %add3A_754 : i32
        %sub3A_756 = arith.constant 1 : i32
        %sub3A_757 = arith.subi %add3A_755, %sub3A_756 : i32
        %shift_right_arithmetic3A_758 = arith.constant 4 : i32
        %shift_right_arithmetic3A_759 = arith.shrsi %sub3A_757, %shift_right_arithmetic3A_758 : i32
        %while3A_760 = arith.constant 0 : i32
        %while3A_761 = arith.constant 0 : i32
        %while3A_762 = arith.subi %shift_right_arithmetic3A_759, %while3A_760 : i32
        %while3A_763 = arith.addi %while3A_760, %while3A_762 : i32
        %while3A_764 = arith.constant 1 : i32
        %while3A_765 = arith.divsi %while3A_762, %while3A_764 : i32
        %while3A_766 = arith.muli %while3A_765, %while3A_764 : i32
        %while3A_767 = arith.addi %while3A_760, %while3A_766 : i32
        %while3A_768 = arith.constant 1 : i32
        %while3A_769 = scf.for %while3A_808 = %while3A_760 to %while3A_767 step %while3A_768 iter_args(%while3A_809 = %while3A_761) -> (i32)  : i32 {
          %mul3A_810 = arith.constant 16 : i32
          %mul3A_811 = arith.muli %while3A_808, %mul3A_810 : i32
          %add3A_812 = arith.constant 3120 : i32
          %add3A_813 = arith.addi %add3A_812, %mul3A_811 : i32
          %get3A_814 = arith.index_cast %add3A_813 : i32 to index
          %get3A_815 = tpu.vector_load %arg7[%get3A_814] {strides = array<i32>} : memref<4160xi32, #tpu.memory_space<vmem>>, vector<16xi32>,
          %mul3A_816 = arith.constant 16 : i32
          %mul3A_817 = arith.muli %while3A_808, %mul3A_816 : i32
          %add3A_818 = arith.addi %add3A_753, %mul3A_817 : i32
          %swap3A_819 = arith.index_cast %add3A_818 : i32 to index
          %swap3A_820 = tpu.vector_load %arg6[%swap3A_819] {strides = array<i32>} : memref<4112xi32, #tpu.memory_space<vmem>>, vector<16xi32>,
          tpu.vector_store %arg6[%swap3A_819], %get3A_815 {strides = array<i32>} : memref<4112xi32, #tpu.memory_space<vmem>>, vector<16xi32>,
          %while3A_821 = arith.constant 0 : i32
          scf.yield %while3A_821 : i32
        }
        %while3A_770 = arith.constant 1 : i32
        %while3A_771 = scf.for %while3A_808 = %while3A_767 to %while3A_763 step %while3A_770 iter_args(%while3A_809 = %while3A_769) -> (i32)  : i32 {
          %mul3A_810 = arith.constant 16 : i32
          %mul3A_811 = arith.muli %while3A_808, %mul3A_810 : i32
          %add3A_812 = arith.constant 3120 : i32
          %add3A_813 = arith.addi %add3A_812, %mul3A_811 : i32
          %get3A_814 = arith.index_cast %add3A_813 : i32 to index
          %get3A_815 = tpu.vector_load %arg7[%get3A_814] {strides = array<i32>} : memref<4160xi32, #tpu.memory_space<vmem>>, vector<16xi32>,
          %mul3A_816 = arith.constant 16 : i32
          %mul3A_817 = arith.muli %while3A_808, %mul3A_816 : i32
          %add3A_818 = arith.addi %add3A_753, %mul3A_817 : i32
          %swap3A_819 = arith.index_cast %add3A_818 : i32 to index
          %swap3A_820 = tpu.vector_load %arg6[%swap3A_819] {strides = array<i32>} : memref<4112xi32, #tpu.memory_space<vmem>>, vector<16xi32>,
          tpu.vector_store %arg6[%swap3A_819], %get3A_815 {strides = array<i32>} : memref<4112xi32, #tpu.memory_space<vmem>>, vector<16xi32>,
          %while3A_821 = arith.constant 0 : i32
          scf.yield %while3A_821 : i32
        }
        %add3A_772 = arith.addi %add3A_753, %scan3A_695#3 : i32
        %while3A_773 = arith.constant 0 : i32
        %while3A_774 = arith.constant 0 : i32
        %while3A_775 = arith.constant 0 : i32
        %while3A_776:5 = scf.while (%while3A_808 = %add3A_772, %while3A_809 = %sub3A_686, %while3A_810 = %while3A_773, %while3A_811 = %while3A_774, %while3A_812 = %while3A_775) : (i32, i32, i32, i32, i32) -> (i32, i32, i32, i32, i32) {
          %eq3A_813 = arith.constant 0 : i32
          %eq3A_814 = arith.cmpi eq, %while3A_810, %eq3A_813 : i32
          %gt3A = arith.constant 16 : i32
          %gt3A_815 = arith.cmpi sgt, %while3A_808, %gt3A : i32
          %lt3A_816 = arith.constant 64 : i32
          %lt3A_817 = arith.cmpi slt, %while3A_812, %lt3A_816 : i32
          %and3A = arith.andi %gt3A_815, %lt3A_817 : i1
          %and3A_818 = arith.andi %eq3A_814, %and3A : i1
          scf.condition(%and3A_818) %while3A_808, %while3A_809, %while3A_810, %while3A_811, %while3A_812 : i32, i32, i32, i32, i32
        } do {
        ^bb0(%while3A_808: i32, %while3A_809: i32, %while3A_810: i32, %while3A_811: i32, %while3A_812: i32):
          %get3A_813 = arith.constant 0 : index
          %get3A_814 = tpu.vector_load %arg6[%get3A_813] {strides = array<i32>} : memref<4112xi32, #tpu.memory_space<vmem>>, vector<16xi32>,
          %masked_sort3A_815 = arith.constant dense<true> : vector<16xi1>
          %masked_sort3A_816 = arith.constant -2147483648 : i32
          %masked_sort3A_817 = vector.broadcast %masked_sort3A_816 : i32 to vector<16xi32>
          %masked_sort3A_818 = arith.xori %get3A_814, %masked_sort3A_817 : vector<16xi32>
          %masked_sort3A_819, %masked_sort3A_820, %masked_sort3A_821 = tpu.sort %masked_sort3A_818, %get3A_814 masked %masked_sort3A_815 : (vector<16xi32>, vector<16xi32>, vector<16xi1>) -> (vector<16xi1>, vector<16xi32>, vector<16xi32>)
          %masked_sort3A_822 = arith.xori %masked_sort3A_820, %masked_sort3A_817 : vector<16xi32>
          %slice3A_823 = vector.extract_strided_slice %masked_sort3A_822 {offsets = [4], sizes = [1], strides = [1]} : vector<16xi32> to vector<1xi32>
          %squeeze3A_824 = vector.extract %slice3A_823[0] : i32 from vector<1xi32>
          %slice3A_825 = vector.extract_strided_slice %masked_sort3A_822 {offsets = [8], sizes = [1], strides = [1]} : vector<16xi32> to vector<1xi32>
          %squeeze3A_826 = vector.extract %slice3A_825[0] : i32 from vector<1xi32>
          %slice3A_827 = vector.extract_strided_slice %masked_sort3A_822 {offsets = [12], sizes = [1], strides = [1]} : vector<16xi32> to vector<1xi32>
          %squeeze3A_828 = vector.extract %slice3A_827[0] : i32 from vector<1xi32>
          %add3A_829 = arith.constant 16 : i32
          %add3A_830 = arith.addi %while3A_808, %add3A_829 : i32
          %sub3A_831 = arith.constant 1 : i32
          %sub3A_832 = arith.subi %add3A_830, %sub3A_831 : i32
          %shift_right_arithmetic3A_833 = arith.constant 4 : i32
          %shift_right_arithmetic3A_834 = arith.shrsi %sub3A_832, %shift_right_arithmetic3A_833 : i32
          %while3A_835 = arith.constant 0 : i32
          %while3A_836 = arith.subi %shift_right_arithmetic3A_834, %while3A_835 : i32
          %while3A_837 = arith.addi %while3A_835, %while3A_836 : i32
          %while3A_838 = arith.constant 1 : i32
          %while3A_839 = arith.divsi %while3A_836, %while3A_838 : i32
          %while3A_840 = arith.muli %while3A_839, %while3A_838 : i32
          %while3A_841 = arith.addi %while3A_835, %while3A_840 : i32
          %while3A_842 = arith.constant 1 : i32
          %while3A_843:6 = scf.for %while3A_945 = %while3A_835 to %while3A_841 step %while3A_842 iter_args(%while3A_946 = %broadcast_in_dim3A_5, %while3A_947 = %broadcast_in_dim3A_5, %while3A_948 = %broadcast_in_dim3A_5, %while3A_949 = %broadcast_in_dim3A_5, %while3A_950 = %broadcast_in_dim3A_5, %while3A_951 = %broadcast_in_dim3A_5) -> (vector<16xi32>, vector<16xi32>, vector<16xi32>, vector<16xi32>, vector<16xi32>, vector<16xi32>)  : i32 {
            %mul3A_952 = arith.constant 16 : i32
            %mul3A_953 = arith.muli %while3A_945, %mul3A_952 : i32
            %get3A_954 = arith.index_cast %mul3A_953 : i32 to index
            %get3A_955 = tpu.vector_load %arg6[%get3A_954] {strides = array<i32>} : memref<4112xi32, #tpu.memory_space<vmem>>, vector<16xi32>,
            %mul3A_956 = arith.constant 16 : i32
            %mul3A_957 = arith.muli %while3A_945, %mul3A_956 : i32
            %sub3A_958 = arith.subi %while3A_808, %mul3A_957 : i32
            %lt3A_959 = vector.broadcast %sub3A_958 : i32 to vector<16xi32>
            %lt3A_960 = arith.cmpi slt, %iota3A, %lt3A_959 : vector<16xi32>
            %jit3A_961 = arith.constant 2147483647 : i32
            %broadcast_in_dim3A_962 = vector.broadcast %jit3A_961 : i32 to vector<16xi32>
            %select_n3A_963 = arith.select %lt3A_960, %get3A_955, %broadcast_in_dim3A_962 : vector<16xi1>, vector<16xi32>
            %lt3A_964 = vector.broadcast %squeeze3A_824 : i32 to vector<16xi32>
            %lt3A_965 = arith.cmpi slt, %select_n3A_963, %lt3A_964 : vector<16xi32>
            %convert_element_type3A_966 = arith.extui %lt3A_965 : vector<16xi1> to vector<16xi32>
            %add3A_967 = arith.addi %while3A_946, %convert_element_type3A_966 : vector<16xi32>
            %lt3A_968 = vector.broadcast %squeeze3A_826 : i32 to vector<16xi32>
            %lt3A_969 = arith.cmpi slt, %select_n3A_963, %lt3A_968 : vector<16xi32>
            %convert_element_type3A_970 = arith.extui %lt3A_969 : vector<16xi1> to vector<16xi32>
            %add3A_971 = arith.addi %while3A_947, %convert_element_type3A_970 : vector<16xi32>
            %lt3A_972 = vector.broadcast %squeeze3A_828 : i32 to vector<16xi32>
            %lt3A_973 = arith.cmpi slt, %select_n3A_963, %lt3A_972 : vector<16xi32>
            %convert_element_type3A_974 = arith.extui %lt3A_973 : vector<16xi1> to vector<16xi32>
            %add3A_975 = arith.addi %while3A_948, %convert_element_type3A_974 : vector<16xi32>
            %eq3A_976 = vector.broadcast %squeeze3A_824 : i32 to vector<16xi32>
            %eq3A_977 = arith.cmpi eq, %select_n3A_963, %eq3A_976 : vector<16xi32>
            %convert_element_type3A_978 = arith.extui %eq3A_977 : vector<16xi1> to vector<16xi32>
            %add3A_979 = arith.addi %while3A_949, %convert_element_type3A_978 : vector<16xi32>
            %eq3A_980 = vector.broadcast %squeeze3A_826 : i32 to vector<16xi32>
            %eq3A_981 = arith.cmpi eq, %select_n3A_963, %eq3A_980 : vector<16xi32>
            %convert_element_type3A_982 = arith.extui %eq3A_981 : vector<16xi1> to vector<16xi32>
            %add3A_983 = arith.addi %while3A_950, %convert_element_type3A_982 : vector<16xi32>
            %eq3A_984 = vector.broadcast %squeeze3A_828 : i32 to vector<16xi32>
            %eq3A_985 = arith.cmpi eq, %select_n3A_963, %eq3A_984 : vector<16xi32>
            %convert_element_type3A_986 = arith.extui %eq3A_985 : vector<16xi1> to vector<16xi32>
            %add3A_987 = arith.addi %while3A_951, %convert_element_type3A_986 : vector<16xi32>
            scf.yield %add3A_967, %add3A_971, %add3A_975, %add3A_979, %add3A_983, %add3A_987 : vector<16xi32>, vector<16xi32>, vector<16xi32>, vector<16xi32>, vector<16xi32>, vector<16xi32>
          }
          %while3A_844 = arith.constant 1 : i32
          %while3A_845:6 = scf.for %while3A_945 = %while3A_841 to %while3A_837 step %while3A_844 iter_args(%while3A_946 = %while3A_843#0, %while3A_947 = %while3A_843#1, %while3A_948 = %while3A_843#2, %while3A_949 = %while3A_843#3, %while3A_950 = %while3A_843#4, %while3A_951 = %while3A_843#5) -> (vector<16xi32>, vector<16xi32>, vector<16xi32>, vector<16xi32>, vector<16xi32>, vector<16xi32>)  : i32 {
            %mul3A_952 = arith.constant 16 : i32
            %mul3A_953 = arith.muli %while3A_945, %mul3A_952 : i32
            %get3A_954 = arith.index_cast %mul3A_953 : i32 to index
            %get3A_955 = tpu.vector_load %arg6[%get3A_954] {strides = array<i32>} : memref<4112xi32, #tpu.memory_space<vmem>>, vector<16xi32>,
            %mul3A_956 = arith.constant 16 : i32
            %mul3A_957 = arith.muli %while3A_945, %mul3A_956 : i32
            %sub3A_958 = arith.subi %while3A_808, %mul3A_957 : i32
            %lt3A_959 = vector.broadcast %sub3A_958 : i32 to vector<16xi32>
            %lt3A_960 = arith.cmpi slt, %iota3A, %lt3A_959 : vector<16xi32>
            %jit3A_961 = arith.constant 2147483647 : i32
            %broadcast_in_dim3A_962 = vector.broadcast %jit3A_961 : i32 to vector<16xi32>
            %select_n3A_963 = arith.select %lt3A_960, %get3A_955, %broadcast_in_dim3A_962 : vector<16xi1>, vector<16xi32>
            %lt3A_964 = vector.broadcast %squeeze3A_824 : i32 to vector<16xi32>
            %lt3A_965 = arith.cmpi slt, %select_n3A_963, %lt3A_964 : vector<16xi32>
            %convert_element_type3A_966 = arith.extui %lt3A_965 : vector<16xi1> to vector<16xi32>
            %add3A_967 = arith.addi %while3A_946, %convert_element_type3A_966 : vector<16xi32>
            %lt3A_968 = vector.broadcast %squeeze3A_826 : i32 to vector<16xi32>
            %lt3A_969 = arith.cmpi slt, %select_n3A_963, %lt3A_968 : vector<16xi32>
            %convert_element_type3A_970 = arith.extui %lt3A_969 : vector<16xi1> to vector<16xi32>
            %add3A_971 = arith.addi %while3A_947, %convert_element_type3A_970 : vector<16xi32>
            %lt3A_972 = vector.broadcast %squeeze3A_828 : i32 to vector<16xi32>
            %lt3A_973 = arith.cmpi slt, %select_n3A_963, %lt3A_972 : vector<16xi32>
            %convert_element_type3A_974 = arith.extui %lt3A_973 : vector<16xi1> to vector<16xi32>
            %add3A_975 = arith.addi %while3A_948, %convert_element_type3A_974 : vector<16xi32>
            %eq3A_976 = vector.broadcast %squeeze3A_824 : i32 to vector<16xi32>
            %eq3A_977 = arith.cmpi eq, %select_n3A_963, %eq3A_976 : vector<16xi32>
            %convert_element_type3A_978 = arith.extui %eq3A_977 : vector<16xi1> to vector<16xi32>
            %add3A_979 = arith.addi %while3A_949, %convert_element_type3A_978 : vector<16xi32>
            %eq3A_980 = vector.broadcast %squeeze3A_826 : i32 to vector<16xi32>
            %eq3A_981 = arith.cmpi eq, %select_n3A_963, %eq3A_980 : vector<16xi32>
            %convert_element_type3A_982 = arith.extui %eq3A_981 : vector<16xi1> to vector<16xi32>
            %add3A_983 = arith.addi %while3A_950, %convert_element_type3A_982 : vector<16xi32>
            %eq3A_984 = vector.broadcast %squeeze3A_828 : i32 to vector<16xi32>
            %eq3A_985 = arith.cmpi eq, %select_n3A_963, %eq3A_984 : vector<16xi32>
            %convert_element_type3A_986 = arith.extui %eq3A_985 : vector<16xi1> to vector<16xi32>
            %add3A_987 = arith.addi %while3A_951, %convert_element_type3A_986 : vector<16xi32>
            scf.yield %add3A_967, %add3A_971, %add3A_975, %add3A_979, %add3A_983, %add3A_987 : vector<16xi32>, vector<16xi32>, vector<16xi32>, vector<16xi32>, vector<16xi32>, vector<16xi32>
          }
          %reduce_sum3A_846 = arith.constant true
          %reduce_sum3A_847 = vector.broadcast %reduce_sum3A_846 : i1 to vector<16xi1>
          %reduce_sum3A_848 = tpu.scan <sum>, %while3A_845#0 masked %reduce_sum3A_847 : vector<16xi32>, vector<16xi1> -> vector<16xi32>
          %reduce_sum3A_849 = vector.extract %reduce_sum3A_848[15] : i32 from vector<16xi32>
          %reduce_sum3A_850 = arith.constant true
          %reduce_sum3A_851 = vector.broadcast %reduce_sum3A_850 : i1 to vector<16xi1>
          %reduce_sum3A_852 = tpu.scan <sum>, %while3A_845#1 masked %reduce_sum3A_851 : vector<16xi32>, vector<16xi1> -> vector<16xi32>
          %reduce_sum3A_853 = vector.extract %reduce_sum3A_852[15] : i32 from vector<16xi32>
          %reduce_sum3A_854 = arith.constant true
          %reduce_sum3A_855 = vector.broadcast %reduce_sum3A_854 : i1 to vector<16xi1>
          %reduce_sum3A_856 = tpu.scan <sum>, %while3A_845#2 masked %reduce_sum3A_855 : vector<16xi32>, vector<16xi1> -> vector<16xi32>
          %reduce_sum3A_857 = vector.extract %reduce_sum3A_856[15] : i32 from vector<16xi32>
          %reduce_sum3A_858 = arith.constant true
          %reduce_sum3A_859 = vector.broadcast %reduce_sum3A_858 : i1 to vector<16xi1>
          %reduce_sum3A_860 = tpu.scan <sum>, %while3A_845#3 masked %reduce_sum3A_859 : vector<16xi32>, vector<16xi1> -> vector<16xi32>
          %reduce_sum3A_861 = vector.extract %reduce_sum3A_860[15] : i32 from vector<16xi32>
          %reduce_sum3A_862 = arith.constant true
          %reduce_sum3A_863 = vector.broadcast %reduce_sum3A_862 : i1 to vector<16xi1>
          %reduce_sum3A_864 = tpu.scan <sum>, %while3A_845#4 masked %reduce_sum3A_863 : vector<16xi32>, vector<16xi1> -> vector<16xi32>
          %reduce_sum3A_865 = vector.extract %reduce_sum3A_864[15] : i32 from vector<16xi32>
          %reduce_sum3A_866 = arith.constant true
          %reduce_sum3A_867 = vector.broadcast %reduce_sum3A_866 : i1 to vector<16xi1>
          %reduce_sum3A_868 = tpu.scan <sum>, %while3A_845#5 masked %reduce_sum3A_867 : vector<16xi32>, vector<16xi1> -> vector<16xi32>
          %reduce_sum3A_869 = vector.extract %reduce_sum3A_868[15] : i32 from vector<16xi32>
          %add3A_870 = arith.addi %reduce_sum3A_849, %reduce_sum3A_861 : i32
          %add3A_871 = arith.addi %reduce_sum3A_853, %reduce_sum3A_865 : i32
          %add3A_872 = arith.addi %reduce_sum3A_857, %reduce_sum3A_869 : i32
          %gt3A = arith.cmpi sgt, %while3A_809, %reduce_sum3A_849 : i32
          %le3A = arith.cmpi sle, %while3A_809, %add3A_870 : i32
          %and3A = arith.andi %gt3A, %le3A : i1
          %gt3A_873 = arith.cmpi sgt, %while3A_809, %reduce_sum3A_853 : i32
          %le3A_874 = arith.cmpi sle, %while3A_809, %add3A_871 : i32
          %and3A_875 = arith.andi %gt3A_873, %le3A_874 : i1
          %gt3A_876 = arith.cmpi sgt, %while3A_809, %reduce_sum3A_857 : i32
          %le3A_877 = arith.cmpi sle, %while3A_809, %add3A_872 : i32
          %and3A_878 = arith.andi %gt3A_876, %le3A_877 : i1
          %or3A = arith.ori %and3A_875, %and3A_878 : i1
          %or3A_879 = arith.ori %and3A, %or3A : i1
          %le3A_880 = arith.cmpi sle, %while3A_809, %add3A_870 : i32
          %le3A_881 = arith.cmpi sle, %while3A_809, %add3A_871 : i32
          %select_n3A_882 = arith.select %le3A_881, %squeeze3A_826, %squeeze3A_828 : i32
          %select_n3A_883 = arith.select %le3A_880, %squeeze3A_824, %select_n3A_882 : i32
          %le3A_884 = arith.cmpi sle, %while3A_809, %reduce_sum3A_849 : i32
          %le3A_885 = arith.cmpi sle, %while3A_809, %reduce_sum3A_853 : i32
          %le3A_886 = arith.cmpi sle, %while3A_809, %reduce_sum3A_857 : i32
          %select_n3A_887 = arith.select %le3A_886, %squeeze3A_826, %squeeze3A_828 : i32
          %select_n3A_888 = arith.select %le3A_885, %squeeze3A_824, %select_n3A_887 : i32
          %jit3A_889 = arith.constant -2147483648 : i32
          %select_n3A_890 = arith.select %le3A_884, %jit3A_889, %select_n3A_888 : i32
          %le3A_891 = arith.cmpi sle, %while3A_809, %reduce_sum3A_849 : i32
          %le3A_892 = arith.cmpi sle, %while3A_809, %reduce_sum3A_853 : i32
          %le3A_893 = arith.cmpi sle, %while3A_809, %reduce_sum3A_857 : i32
          %jit3A_894 = arith.constant 2147483647 : i32
          %select_n3A_895 = arith.select %le3A_893, %squeeze3A_828, %jit3A_894 : i32
          %select_n3A_896 = arith.select %le3A_892, %squeeze3A_826, %select_n3A_895 : i32
          %select_n3A_897 = arith.select %le3A_891, %squeeze3A_824, %select_n3A_896 : i32
          %le3A_898 = arith.cmpi sle, %while3A_809, %reduce_sum3A_849 : i32
          %le3A_899 = arith.cmpi sle, %while3A_809, %reduce_sum3A_853 : i32
          %le3A_900 = arith.cmpi sle, %while3A_809, %reduce_sum3A_857 : i32
          %select_n3A_901 = arith.select %le3A_900, %add3A_871, %add3A_872 : i32
          %select_n3A_902 = arith.select %le3A_899, %add3A_870, %select_n3A_901 : i32
          %jit3A_903 = arith.constant 0 : i32
          %select_n3A_904 = arith.select %le3A_898, %jit3A_903, %select_n3A_902 : i32
          %while3A_905 = arith.constant 0 : i32
          %while3A_906 = arith.constant 0 : i32
          %while3A_907 = arith.subi %shift_right_arithmetic3A_834, %while3A_905 : i32
          %while3A_908 = arith.addi %while3A_905, %while3A_907 : i32
          %while3A_909 = arith.constant 1 : i32
          %while3A_910 = arith.divsi %while3A_907, %while3A_909 : i32
          %while3A_911 = arith.muli %while3A_910, %while3A_909 : i32
          %while3A_912 = arith.addi %while3A_905, %while3A_911 : i32
          %while3A_913 = arith.constant 1 : i32
          %while3A_914 = scf.for %while3A_945 = %while3A_905 to %while3A_912 step %while3A_913 iter_args(%while3A_946 = %while3A_906) -> (i32)  : i32 {
            %mul3A_947 = arith.constant 16 : i32
            %mul3A_948 = arith.muli %while3A_945, %mul3A_947 : i32
            %get3A_949 = arith.index_cast %mul3A_948 : i32 to index
            %get3A_950 = tpu.vector_load %arg6[%get3A_949] {strides = array<i32>} : memref<4112xi32, #tpu.memory_space<vmem>>, vector<16xi32>,
            %mul3A_951 = arith.constant 16 : i32
            %mul3A_952 = arith.muli %while3A_945, %mul3A_951 : i32
            %sub3A_953 = arith.subi %while3A_808, %mul3A_952 : i32
            %lt3A_954 = vector.broadcast %sub3A_953 : i32 to vector<16xi32>
            %lt3A_955 = arith.cmpi slt, %iota3A, %lt3A_954 : vector<16xi32>
            %gt3A_956 = vector.broadcast %select_n3A_890 : i32 to vector<16xi32>
            %gt3A_957 = arith.cmpi sgt, %get3A_950, %gt3A_956 : vector<16xi32>
            %lt3A_958 = vector.broadcast %select_n3A_897 : i32 to vector<16xi32>
            %lt3A_959 = arith.cmpi slt, %get3A_950, %lt3A_958 : vector<16xi32>
            %and3A_960 = arith.andi %gt3A_957, %lt3A_959 : vector<16xi1>
            %and3A_961 = arith.andi %lt3A_955, %and3A_960 : vector<16xi1>
            %swap3A_962 = arith.index_cast %while3A_946 : i32 to index
            %swap3A_963 = tpu.vector_load %arg7[%swap3A_962] masked %and3A_961 {strides = array<i32>} : memref<4160xi32, #tpu.memory_space<vmem>>, vector<16xi32>, vector<16xi1>
            tpu.vector_store %arg7[%swap3A_962], %get3A_950 masked %and3A_961 {strides = array<i32>} : memref<4160xi32, #tpu.memory_space<vmem>>, vector<16xi32>, vector<16xi1>
            %all_reduce_population_count3A_964 = tpu.all_reduce %and3A_961 {dim = 0 : i64, kind = #tpu.reduction_kind<sum>} : vector<16xi1> -> vector<16xi32>
            %slice3A_965 = vector.extract_strided_slice %all_reduce_population_count3A_964 {offsets = [0], sizes = [1], strides = [1]} : vector<16xi32> to vector<1xi32>
            %squeeze3A_966 = vector.extract %slice3A_965[0] : i32 from vector<1xi32>
            %add3A_967 = arith.addi %while3A_946, %squeeze3A_966 : i32
            scf.yield %add3A_967 : i32
          }
          %while3A_915 = arith.constant 1 : i32
          %while3A_916 = scf.for %while3A_945 = %while3A_912 to %while3A_908 step %while3A_915 iter_args(%while3A_946 = %while3A_914) -> (i32)  : i32 {
            %mul3A_947 = arith.constant 16 : i32
            %mul3A_948 = arith.muli %while3A_945, %mul3A_947 : i32
            %get3A_949 = arith.index_cast %mul3A_948 : i32 to index
            %get3A_950 = tpu.vector_load %arg6[%get3A_949] {strides = array<i32>} : memref<4112xi32, #tpu.memory_space<vmem>>, vector<16xi32>,
            %mul3A_951 = arith.constant 16 : i32
            %mul3A_952 = arith.muli %while3A_945, %mul3A_951 : i32
            %sub3A_953 = arith.subi %while3A_808, %mul3A_952 : i32
            %lt3A_954 = vector.broadcast %sub3A_953 : i32 to vector<16xi32>
            %lt3A_955 = arith.cmpi slt, %iota3A, %lt3A_954 : vector<16xi32>
            %gt3A_956 = vector.broadcast %select_n3A_890 : i32 to vector<16xi32>
            %gt3A_957 = arith.cmpi sgt, %get3A_950, %gt3A_956 : vector<16xi32>
            %lt3A_958 = vector.broadcast %select_n3A_897 : i32 to vector<16xi32>
            %lt3A_959 = arith.cmpi slt, %get3A_950, %lt3A_958 : vector<16xi32>
            %and3A_960 = arith.andi %gt3A_957, %lt3A_959 : vector<16xi1>
            %and3A_961 = arith.andi %lt3A_955, %and3A_960 : vector<16xi1>
            %swap3A_962 = arith.index_cast %while3A_946 : i32 to index
            %swap3A_963 = tpu.vector_load %arg7[%swap3A_962] masked %and3A_961 {strides = array<i32>} : memref<4160xi32, #tpu.memory_space<vmem>>, vector<16xi32>, vector<16xi1>
            tpu.vector_store %arg7[%swap3A_962], %get3A_950 masked %and3A_961 {strides = array<i32>} : memref<4160xi32, #tpu.memory_space<vmem>>, vector<16xi32>, vector<16xi1>
            %all_reduce_population_count3A_964 = tpu.all_reduce %and3A_961 {dim = 0 : i64, kind = #tpu.reduction_kind<sum>} : vector<16xi1> -> vector<16xi32>
            %slice3A_965 = vector.extract_strided_slice %all_reduce_population_count3A_964 {offsets = [0], sizes = [1], strides = [1]} : vector<16xi32> to vector<1xi32>
            %squeeze3A_966 = vector.extract %slice3A_965[0] : i32 from vector<1xi32>
            %add3A_967 = arith.addi %while3A_946, %squeeze3A_966 : i32
            scf.yield %add3A_967 : i32
          }
          %jit3A_917 = arith.constant 1 : i32
          %select_n3A_918 = arith.select %or3A_879, %jit3A_917, %while3A_916 : i32
          %sub3A_919 = arith.subi %while3A_809, %select_n3A_904 : i32
          %jit3A_920 = arith.constant 1 : i32
          %select_n3A_921 = arith.select %or3A_879, %jit3A_920, %sub3A_919 : i32
          %convert_element_type3A = arith.extui %or3A_879 : i1 to i32
          %add3A_922 = arith.constant 16 : i32
          %add3A_923 = arith.addi %select_n3A_918, %add3A_922 : i32
          %sub3A_924 = arith.constant 1 : i32
          %sub3A_925 = arith.subi %add3A_923, %sub3A_924 : i32
          %shift_right_arithmetic3A_926 = arith.constant 4 : i32
          %shift_right_arithmetic3A_927 = arith.shrsi %sub3A_925, %shift_right_arithmetic3A_926 : i32
          %while3A_928 = arith.constant 0 : i32
          %while3A_929 = arith.constant 0 : i32
          %while3A_930 = arith.subi %shift_right_arithmetic3A_927, %while3A_928 : i32
          %while3A_931 = arith.addi %while3A_928, %while3A_930 : i32
          %while3A_932 = arith.constant 1 : i32
          %while3A_933 = arith.divsi %while3A_930, %while3A_932 : i32
          %while3A_934 = arith.muli %while3A_933, %while3A_932 : i32
          %while3A_935 = arith.addi %while3A_928, %while3A_934 : i32
          %while3A_936 = arith.constant 1 : i32
          %while3A_937 = scf.for %while3A_945 = %while3A_928 to %while3A_935 step %while3A_936 iter_args(%while3A_946 = %while3A_929) -> (i32)  : i32 {
            %mul3A_947 = arith.constant 16 : i32
            %mul3A_948 = arith.muli %while3A_945, %mul3A_947 : i32
            %get3A_949 = arith.index_cast %mul3A_948 : i32 to index
            %get3A_950 = tpu.vector_load %arg7[%get3A_949] {strides = array<i32>} : memref<4160xi32, #tpu.memory_space<vmem>>, vector<16xi32>,
            %mul3A_951 = arith.constant 16 : i32
            %mul3A_952 = arith.muli %while3A_945, %mul3A_951 : i32
            %swap3A_953 = arith.index_cast %mul3A_952 : i32 to index
            %swap3A_954 = tpu.vector_load %arg6[%swap3A_953] {strides = array<i32>} : memref<4112xi32, #tpu.memory_space<vmem>>, vector<16xi32>,
            tpu.vector_store %arg6[%swap3A_953], %get3A_950 {strides = array<i32>} : memref<4112xi32, #tpu.memory_space<vmem>>, vector<16xi32>,
            %while3A_955 = arith.constant 0 : i32
            scf.yield %while3A_955 : i32
          }
          %while3A_938 = arith.constant 1 : i32
          %while3A_939 = scf.for %while3A_945 = %while3A_935 to %while3A_931 step %while3A_938 iter_args(%while3A_946 = %while3A_937) -> (i32)  : i32 {
            %mul3A_947 = arith.constant 16 : i32
            %mul3A_948 = arith.muli %while3A_945, %mul3A_947 : i32
            %get3A_949 = arith.index_cast %mul3A_948 : i32 to index
            %get3A_950 = tpu.vector_load %arg7[%get3A_949] {strides = array<i32>} : memref<4160xi32, #tpu.memory_space<vmem>>, vector<16xi32>,
            %mul3A_951 = arith.constant 16 : i32
            %mul3A_952 = arith.muli %while3A_945, %mul3A_951 : i32
            %swap3A_953 = arith.index_cast %mul3A_952 : i32 to index
            %swap3A_954 = tpu.vector_load %arg6[%swap3A_953] {strides = array<i32>} : memref<4112xi32, #tpu.memory_space<vmem>>, vector<16xi32>,
            tpu.vector_store %arg6[%swap3A_953], %get3A_950 {strides = array<i32>} : memref<4112xi32, #tpu.memory_space<vmem>>, vector<16xi32>,
            %while3A_955 = arith.constant 0 : i32
            scf.yield %while3A_955 : i32
          }
          %eq3A_940 = arith.constant 1 : i32
          %eq3A_941 = arith.cmpi eq, %convert_element_type3A, %eq3A_940 : i32
          %select_n3A_942 = arith.select %eq3A_941, %select_n3A_883, %while3A_811 : i32
          %add3A_943 = arith.constant 1 : i32
          %add3A_944 = arith.addi %while3A_812, %add3A_943 : i32
          scf.yield %select_n3A_918, %select_n3A_921, %convert_element_type3A, %select_n3A_942, %add3A_944 : i32, i32, i32, i32, i32
        }
        %lt3A_777 = vector.broadcast %while3A_776#0 : i32 to vector<16xi32>
        %lt3A_778 = arith.cmpi slt, %iota3A, %lt3A_777 : vector<16xi32>
        %get3A_779 = arith.constant 0 : index
        %get3A_780 = tpu.vector_load %arg6[%get3A_779] {strides = array<i32>} : memref<4112xi32, #tpu.memory_space<vmem>>, vector<16xi32>,
        %jit3A_781 = arith.constant 2147483647 : i32
        %broadcast_in_dim3A_782 = vector.broadcast %jit3A_781 : i32 to vector<16xi32>
        %select_n3A_783 = arith.select %lt3A_778, %get3A_780, %broadcast_in_dim3A_782 : vector<16xi1>, vector<16xi32>
        %masked_sort3A = arith.constant dense<true> : vector<16xi1>
        %masked_sort3A_784 = arith.constant -2147483648 : i32
        %masked_sort3A_785 = vector.broadcast %masked_sort3A_784 : i32 to vector<16xi32>
        %masked_sort3A_786 = arith.xori %select_n3A_783, %masked_sort3A_785 : vector<16xi32>
        %masked_sort3A_787, %masked_sort3A_788, %masked_sort3A_789 = tpu.sort %masked_sort3A_786, %select_n3A_783 masked %masked_sort3A : (vector<16xi32>, vector<16xi32>, vector<16xi1>) -> (vector<16xi1>, vector<16xi32>, vector<16xi32>)
        %masked_sort3A_790 = arith.xori %masked_sort3A_788, %masked_sort3A_785 : vector<16xi32>
        %sub3A_791 = arith.constant 1 : i32
        %sub3A_792 = arith.subi %while3A_776#1, %sub3A_791 : i32
        %eq3A = vector.broadcast %sub3A_792 : i32 to vector<16xi32>
        %eq3A_793 = arith.cmpi eq, %iota3A, %eq3A : vector<16xi32>
        %jit3A_794 = arith.constant 0 : i32
        %broadcast_in_dim3A_795 = vector.broadcast %jit3A_794 : i32 to vector<16xi32>
        %select_n3A_796 = arith.select %eq3A_793, %masked_sort3A_790, %broadcast_in_dim3A_795 : vector<16xi1>, vector<16xi32>
        %reduce_sum3A_797 = arith.constant true
        %reduce_sum3A_798 = vector.broadcast %reduce_sum3A_797 : i1 to vector<16xi1>
        %reduce_sum3A_799 = tpu.scan <sum>, %select_n3A_796 masked %reduce_sum3A_798 : vector<16xi32>, vector<16xi1> -> vector<16xi32>
        %reduce_sum3A_800 = vector.extract %reduce_sum3A_799[15] : i32 from vector<16xi32>
        %eq3A_801 = arith.constant 1 : i32
        %eq3A_802 = arith.cmpi eq, %while3A_776#2, %eq3A_801 : i32
        %select_n3A_803 = arith.select %eq3A_802, %while3A_776#3, %reduce_sum3A_800 : i32
        %eq3A_804 = vector.broadcast %scan3A_27 : i32 to vector<16xi32>
        %eq3A_805 = arith.cmpi eq, %iota3A, %eq3A_804 : vector<16xi32>
        %broadcast_in_dim3A_806 = vector.broadcast %select_n3A_803 : i32 to vector<16xi32>
        %select_n3A_807 = arith.select %eq3A_805, %broadcast_in_dim3A_806, %scan3A_28 : vector<16xi1>, vector<16xi32>
        scf.yield %select_n3A_807 : vector<16xi32>
      }
      %scan3A_22 = arith.constant 16 : i32
      %mul3A_23 = arith.constant 16 : i32
      %mul3A_24 = arith.muli %scan3A_15, %mul3A_23 : i32
      %swap3A = arith.index_cast %mul3A_24 : i32 to index
      %swap3A_25 = tpu.vector_load %arg9[%swap3A] {strides = array<i32>} : memref<64xi32, #tpu.memory_space<vmem>>, vector<16xi32>,
      tpu.vector_store %arg9[%swap3A], %scan3A_21 {strides = array<i32>} : memref<64xi32, #tpu.memory_space<vmem>>, vector<16xi32>,
      %scan3A_26 = arith.constant 0 : i32
      scf.yield %scan3A_26 : i32
    }
    %scan3A_14 = arith.constant 4 : i32
    "tpu.region"() ({
      %run_scoped3A = tpu.sem_alloc : memref<!tpu.dma_semaphore, #tpu.memory_space<semaphore_mem>>
      %dma_start3A = tpu.memref_slice %arg3[%mul3A_2] : memref<2048xi32, #tpu.memory_space<hbm>> -> memref<64xi32, #tpu.memory_space<hbm>>
      %dma_start3A_15 = tpu.memref_slice %arg3[%mul3A_2] : memref<2048xi32, #tpu.memory_space<hbm>> -> memref<64xi32, #tpu.memory_space<hbm>>
      tpu.enqueue_dma source(%arg9 : memref<64xi32, #tpu.memory_space<vmem>>) target(%dma_start3A_15 : memref<64xi32, #tpu.memory_space<hbm>>) target_semaphore(%run_scoped3A : memref<!tpu.dma_semaphore, #tpu.memory_space<semaphore_mem>>)
      %dma_wait3A = tpu.memref_slice %arg3[%mul3A_2] : memref<2048xi32, #tpu.memory_space<hbm>> -> memref<64xi32, #tpu.memory_space<hbm>>
      %dma_wait3A_16 = tpu.memref_slice %arg3[%mul3A_2] : memref<2048xi32, #tpu.memory_space<hbm>> -> memref<64xi32, #tpu.memory_space<hbm>>
      tpu.wait_dma2 semaphore(%run_scoped3A : memref<!tpu.dma_semaphore, #tpu.memory_space<semaphore_mem>>) src(%arg9 : memref<64xi32, #tpu.memory_space<vmem>>) dst(%dma_wait3A_16 : memref<64xi32, #tpu.memory_space<hbm>>)
      tpu.yield
    }) : () -> ()
    return
  }
}

module attributes {stable_mosaic.version = 14 : i64} {
  func.func @_tc_body(%arg0: i32, %arg1: memref<128x4096xf32, #tpu.memory_space<vmem>>, %arg2: memref<128x1xi32, #tpu.memory_space<vmem>>, %arg3: memref<128x4096xf32, #tpu.memory_space<vmem>>) attributes {dimension_semantics = [#tpu.dimension_semantics<arbitrary>], iteration_bounds = array<i64: 16>, scalar_prefetch = 0 : i64, scratch_operands = 0 : i64, tpu.core_type = #tpu.core_type<tc>, window_params = [{transform_indices = @transform_0, window_bounds = array<i64: 128, 4096>}, {transform_indices = @transform_1, window_bounds = array<i64: 128, 1>}, {transform_indices = @transform_2, window_bounds = array<i64: 128, 4096>}]} {
    %get3A = arith.constant 0 : index
    %get3A_0 = arith.constant 0 : index
    %get3A_1 = vector.load %arg1[%get3A, %get3A_0] : memref<128x4096xf32, #tpu.memory_space<vmem>>, vector<128x4096xf32>
    %bitcast_convert_type3A = tpu.bitcast %get3A_1 : vector<128x4096xf32> -> vector<128x4096xi32>
    %shift_right_arithmetic3A = arith.constant 31 : i32
    %shift_right_arithmetic3A_2 = vector.broadcast %shift_right_arithmetic3A : i32 to vector<128x4096xi32>
    %shift_right_arithmetic3A_3 = arith.shrsi %bitcast_convert_type3A, %shift_right_arithmetic3A_2 : vector<128x4096xi32>
    %and3A = arith.constant 2147483647 : i32
    %and3A_4 = vector.broadcast %and3A : i32 to vector<128x4096xi32>
    %and3A_5 = arith.andi %shift_right_arithmetic3A_3, %and3A_4 : vector<128x4096xi32>
    %xor3A = arith.xori %bitcast_convert_type3A, %and3A_5 : vector<128x4096xi32>
    %get3A_6 = arith.constant 0 : index
    %get3A_7 = arith.constant 0 : index
    %get3A_8 = vector.load %arg2[%get3A_6, %get3A_7] : memref<128x1xi32, #tpu.memory_space<vmem>>, vector<128x1xi32>
    %mul3A = arith.constant 1.200000e+00 : f32
    %mul3A_9 = vector.broadcast %mul3A : f32 to vector<128x4096xf32>
    %mul3A_10 = arith.mulf %get3A_1, %mul3A_9 : vector<128x4096xf32>
    %logistic3A = arith.negf %mul3A_10 : vector<128x4096xf32>
    %logistic3A_11 = math.exp %logistic3A : vector<128x4096xf32>
    %logistic3A_12 = arith.constant 1.000000e+00 : f32
    %logistic3A_13 = vector.broadcast %logistic3A_12 : f32 to vector<128x4096xf32>
    %logistic3A_14 = arith.addf %logistic3A_13, %logistic3A_11 : vector<128x4096xf32>
    %logistic3A_15 = arith.divf %logistic3A_13, %logistic3A_14 : vector<128x4096xf32>
    %le3A = vector.broadcast %get3A_8 : vector<128x1xi32> to vector<128x4096xi32>
    %le3A_16 = arith.cmpi sle, %xor3A, %le3A : vector<128x4096xi32>
    %jit3A = arith.constant 0.000000e+00 : f32
    %broadcast_in_dim3A = vector.broadcast %jit3A : f32 to vector<128x4096xf32>
    %select_n3A = arith.select %le3A_16, %broadcast_in_dim3A, %logistic3A_15 : vector<128x4096xi1>, vector<128x4096xf32>
    %swap3A = arith.constant 0 : index
    %swap3A_17 = arith.constant 0 : index
    %swap3A_18 = vector.load %arg3[%swap3A, %swap3A_17] : memref<128x4096xf32, #tpu.memory_space<vmem>>, vector<128x4096xf32>
    tpu.vector_store %arg3[%swap3A, %swap3A_17], %select_n3A {strides = array<i32>} : memref<128x4096xf32, #tpu.memory_space<vmem>>, vector<128x4096xf32>,
    return
  }
  func.func @transform_0(%arg0: i32) -> (i32, i32) {
    %c0_i32 = arith.constant 0 : i32
    %c0_i32_0 = arith.constant 0 : i32
    return %arg0, %c0_i32 : i32, i32
  }
  func.func @transform_1(%arg0: i32) -> (i32, i32) {
    %c0_i32 = arith.constant 0 : i32
    %c0_i32_0 = arith.constant 0 : i32
    return %arg0, %c0_i32 : i32, i32
  }
  func.func @transform_2(%arg0: i32) -> (i32, i32) {
    %c0_i32 = arith.constant 0 : i32
    %c0_i32_0 = arith.constant 0 : i32
    return %arg0, %c0_i32 : i32, i32
  }
}

</mosaic_0001>

<sc_bundles>
// kernel: _impl.4.cloned.1.call-start
scs
__scs_entry_jumppad:
0x0: {  	(pc) =	sbr.rel $0x88, $3  }
0x1: {  	(tag) =	ssettag $0x0;
	lr =	simm.s32 $0x1  }
0x2: {  	[smem:$0x3FA0] =	sst lr;
	_ =	strace $0xD0000000  }
0x3: {  	_ = 	snop  }
0x4: {  	_ = 	snop  }
0x5: {  	_ = 	snop  }
0x6: {  	_ = 	snop  }
0x7: {  	_ = 	snop  }
__scs_overlays_trampoline_lowered:
0x8: {  	[smem:$0x3FAF] =	sst s0  }
0x9: {  	[smem:$0x3FB0] =	sst s1  }
0xa: {  	[smem:$0x3FB1] =	sst s2  }
0xb: {  	[smem:$0x3FB2] =	sst s3  }
0xc: {  	[smem:$0x3FB3] =	sst s4  }
0xd: {  	[smem:$0x3FB4] =	sst s5  }
0xe: {  	[smem:$0x3FB5] =	sst s6  }
0xf: {  	[smem:$0x3FB6] =	sst s7  }
0x10: {  	[smem:$0x3FB7] =	sst s8  }
0x11: {  	[smem:$0x3FB8] =	sst s9;
	s0 =	simm.s32 @!p0 $0x0  }
0x12: {  	s1 =	sld [smem:$0x3F9E];
	s0 =	simm.s32 @p0 $0x1  }
0x13: {  	[smem:$0x3FB9] =	sst s0;
	s0 =	simm.s32 @!p1 $0x0  }
0x14: {  	s2 =	sld [smem:$0x3F9D];
	s0 =	simm.s32 @p1 $0x1  }
0x15: {  	[smem:$0x3FBA] =	sst s0;
	s0 =	simm.s32 @!p2 $0x0  }
0x16: {  	s3 =	sld [smem:$0x3FDB];
	s0 =	simm.s32 @p2 $0x1  }
0x17: {  	s4 =	simm.s32 $0x1BF5;
	[smem:$0x3FBC] =	sst s0  }
0x18: {  	s0 =	sld [smem:$0x3F9F];
	_ =	swait.ge [sflag:s4], $0x0  }
0x19: {  	s7 =	sld [smem:$0x3FA0]  }
0x1a: {  	s8 =	sadd.s32 $0xFFFFE003, lr  }
0x1b: {  	s9 =	sadd.s32 $0xFFFFFEF7, lr;
	s5 =	simm.s32 $0xFFFFFFFF;
	p2 =	slt.u32 s8, $0xFFFFF086  }
0x1c: {  	p1 =	slt.u32 s9, $0xF7A;
	s5 =	simm.s32 @!p2 $0x0  }
0x1d: {  	s5 =	simm.s32 @p1 $0x1;
	p0 =	seq.s32 s7, s2  }
0x1e: {  	s7 =	smul.u32 @!p0 $0xF7A, s2;
	p2 =	seq.s32 @!p0 s5, $0x0  }
0x1f: {  	s9 =	smul.u32 $0xF7A, s1;
	s8 =	simm.s32 @!p0 $0x1BF5;
	p2 =	por !p2, p0  }
0x20: {  	[sflag:s8] =	ssyncset.s32 @!p0 $0xFFFFF086;
	s6 =	sadd.s32 @!p0 s3, s7;
	s7 =	simm.s32 @!p0 $0x108  }
0x21: {  	s3 =	sadd.s32 s3, s9;
	s6 =	sadd.s32 @!p0 $0x88, s6;
	s7 =	simm.s32 @p2 $0x1082  }
0x22: {  	[simem:s7], [sflag:s8] =	dma.local @!p0 [hbm:s6], $0xF7A  }
0x23: {  	s9 =	sor.u32 $0xD0000000, s2;
	s6 =	simm.s32 $0x108;
	_ =	swait.ge @!p0 [sflag:s8], $0x0  }
0x24: {  	s3 =	sadd.s32 $0x88, s3;
	s6 =	simm.s32 @!p1 $0x1082;
	[sflag:s4] =	ssyncset.s32 $0xFFFFF086  }
0x25: {  	[simem:s6], [sflag:s4] =	dma.local [hbm:s3], $0xF7A  }
0x26: {  	[smem:$0x3FA0] =	sst s1;
	(tag) =	ssettag s2;
	_ =	strace s9  }
0x27: {  	s1 =	sld [smem:$0x3FB0]  }
0x28: {  	s2 =	sld [smem:$0x3FB1]  }
0x29: {  	s4 =	sld [smem:$0x3FB3]  }
0x2a: {  	p0 =	seq.s32 s5, $0x0;
	s5 =	sld [smem:$0x3FB4]  }
0x2b: {  	s6 =	sld [smem:$0x3FB5]  }
0x2c: {  	s7 =	sld [smem:$0x3FB6]  }
0x2d: {  	s3 =	simm.s32 $0x108;
	s8 =	sld [smem:$0x3FB7]  }
0x2e: {  	s3 =	simm.s32 @!p0 $0x1082;
	s9 =	sld [smem:$0x3FB8]  }
0x2f: {  	lr =	sadd.s32 s0, s3;
	s0 =	sld [smem:$0x3FAF]  }
0x30: {  	s3 =	sld [smem:$0x3FB2]  }
0x31: {  	[smem:$0x3FBB] =	sst s10  }
0x32: {  	s10 =	sld [smem:$0x3FB9];
	_ =	sdelay $0x3  }
0x33: {  	p0 =	seq.s32 s10, $0x1;
	s10 =	sld [smem:$0x3FBB];
	_ =	sdelay $0x3  }
0x34: {  	[smem:$0x3FBB] =	sst s10  }
0x35: {  	s10 =	sld [smem:$0x3FBA];
	_ =	sdelay $0x3  }
0x36: {  	p1 =	seq.s32 s10, $0x1;
	s10 =	sld [smem:$0x3FBB];
	_ =	sdelay $0x3  }
0x37: {  	[smem:$0x3FBB] =	sst s10  }
0x38: {  	s10 =	sld [smem:$0x3FBC]  }
0x39: {  	_ = 	snop;
	(pc) =	sbr.ind lr, $3  }
0x3a: {  	_ = 	snop  }
0x3b: {  	_ = 	snop  }
0x3c: {  	p2 =	seq.s32 s10, $0x1;
	s10 =	sld [smem:$0x3FBB]  }
0x3d: {  	_ =	shalt  }
0x3e: {  	_ =	shalt  }
0x3f: {  	_ =	shalt  }
0x40: {  	_ =	shalt  }
0x41: {  	_ =	shalt  }
0x42: {  	_ =	shalt  }
0x43: {  	_ =	shalt  }
0x44: {  	_ =	shalt  }
0x45: {  	_ =	shalt  }
0x46: {  	_ =	shalt  }
0x47: {  	_ =	shalt  }
0x48: {  	_ =	shalt  }
0x49: {  	_ =	shalt  }
0x4a: {  	_ =	shalt  }
0x4b: {  	_ =	shalt  }
0x4c: {  	_ =	shalt  }
0x4d: {  	_ =	shalt  }
0x4e: {  	_ =	shalt  }
0x4f: {  	_ =	shalt  }
0x50: {  	_ =	shalt  }
0x51: {  	_ =	shalt  }
0x52: {  	_ =	shalt  }
0x53: {  	_ =	shalt  }
0x54: {  	_ =	shalt  }
0x55: {  	_ =	shalt  }
0x56: {  	_ =	shalt  }
0x57: {  	_ =	shalt  }
0x58: {  	_ =	shalt  }
0x59: {  	_ =	shalt  }
0x5a: {  	_ =	shalt  }
0x5b: {  	_ =	shalt  }
0x5c: {  	_ =	shalt  }
0x5d: {  	_ =	shalt  }
0x5e: {  	_ =	shalt  }
0x5f: {  	_ =	shalt  }
0x60: {  	_ =	shalt  }
0x61: {  	_ =	shalt  }
0x62: {  	_ =	shalt  }
0x63: {  	_ =	shalt  }
0x64: {  	_ =	shalt  }
0x65: {  	_ =	shalt  }
0x66: {  	_ =	shalt  }
0x67: {  	_ =	shalt  }
0x68: {  	_ =	shalt  }
0x69: {  	_ =	shalt  }
0x6a: {  	_ =	shalt  }
0x6b: {  	_ =	shalt  }
0x6c: {  	_ =	shalt  }
0x6d: {  	_ =	shalt  }
0x6e: {  	_ =	shalt  }
0x6f: {  	_ =	shalt  }
0x70: {  	_ =	shalt  }
0x71: {  	_ =	shalt  }
0x72: {  	_ =	shalt  }
0x73: {  	_ =	shalt  }
0x74: {  	_ =	shalt  }
0x75: {  	_ =	shalt  }
0x76: {  	_ =	shalt  }
0x77: {  	_ =	shalt  }
0x78: {  	_ =	shalt  }
0x79: {  	_ =	shalt  }
0x7a: {  	_ =	shalt  }
0x7b: {  	_ =	shalt  }
0x7c: {  	_ =	shalt  }
0x7d: {  	_ =	shalt  }
0x7e: {  	_ =	shalt  }
0x7f: {  	_ =	shalt  }
0x80: {  	_ =	shalt  }
0x81: {  	_ =	shalt  }
0x82: {  	_ =	shalt  }
0x83: {  	_ =	shalt  }
0x84: {  	_ =	shalt  }
0x85: {  	_ =	shalt  }
0x86: {  	_ =	shalt  }
0x87: {  	_ =	shalt  }
.Lfunc_end0:
.L_simem_size_0:
called_computation_lowered:
.L_overlay_start_0:
0x88: {  	s2 =	sld [smem:$0x3FD9]  }
0x89: {  	s3 =	sld [smem:$0x3FFE];
	_ =	sdelay $0x1  }
0x8a: {  	s1 =	srdreg.scid  }
0x8b: {  	s0 =	sand.u32 $0x1, s1  }
0x8c: {  	s18 =	sshll.u32 s0, $0xA;
	s2 =	sadd.s32 s3, s2  }
0x8d: {  	s2 =	sadd.s32 s2, s18  }
0x8e: {  	[smem:$0x3FC7] =	sst s2  }
0x8f: {  	_ = 	snop  }
0x90: {  	s2 =	sld [smem:$0x3FC9]  }
0x91: {  	s19 =	sld [smem:$0x3FD0];
	(tm) =	ssettm $0x1  }
0x92: {  	s4 =	sld [smem:$0x3FFB];
	_ =	sdelay $0x3  }
0x93: {  	_ =	strace s4  }
0x94: {  	s4 =	sld [smem:$0x3FFC];
	_ =	sdelay $0x3  }
0x95: {  	_ =	strace s4  }
0x96: {  	s4 =	sld [smem:$0x3FFD];
	_ =	sdelay $0x3  }
0x97: {  	_ =	strace s4  }
0x98: {  	_ =	strace $0x8FFFFFFF  }
0x99: {  	s20 =	sld [smem:$0x3FDB];
	_ =	sdelay $0x1  }
0x9a: {  	s5 =	simm.s32 $_scs_section_size  }
0x9b: {  	s6 =	simm.s32 $_size__tile_overlayer_lowered;
	s7 =	simm.s32 $_tile_overlayer_lowered  }
0x9c: {  	s23 =	simm.s32 $0x1BFF;
	s22 =	sshll.u32 s7, $0x1;
	s4 =	sadd.s32 s5, s20  }
0x9d: {  	s8 =	simm.s32 $0x0;
	s21 =	sshll.u32 s6, $0x1;
	s6 =	sadd.s32 s22, s4  }
0x9e: {  	[timem:s8], [sflag:s23] =	dma.local [hbm:s6], s21  }
0x9f: {  	_ =	swait.ge [sflag:s23], s21  }
0xa0: {  	s5 =	ssub.s32 $0x0, s21;
	[sflag:s23] =	ssyncset.done $0x0  }
0xa1: {  	[sflag:s23] =	ssyncadd.s32 s5;
	_ =	sdelay $0x1  }
0xa2: {  	s24 =	simm.s32 $0x1B8B  }
0xa3: {  	_ =	swait.ge [sflag:s24], $0x1  }
0xa4: {  	[sflag:s24] =	ssyncset.done $0x0  }
0xa5: {  	s25 =	simm.s32 $0x1B8E;
	[sflag:s24] =	ssyncadd.s32 $0xFFFFFFFF  }
0xa6: {  	s26 =	simm.s32 $execute0_lowered;
	[smem:$0x3FD2] =	sst s25  }
0xa7: {  	s5 =	sshll.u32 s26, $0x1;
	_ =	strace $0x80000046;
	[dreg:$0x1] =	wrdreg $0xFFFFFFFF  }
0xa8: {  	s28 =	simm.s32 $_size_execute0_lowered;
	s4 =	sadd.s32 s4, s5;
	[dreg:$0x0] =	wrdreg $0x0  }
0xa9: {  	s5 =	sshll.u32 s28, $0x1;
	[dreg:$0x2] =	wrdreg s4  }
0xaa: {  	[dreg:$0x3] =	wrdreg s5  }
0xab: {  	[dreg:$0x4] =	wrdreg $0xC0  }
0xac: {  	_ =	task [dreg:s8], $0x5FFFF  }
0xad: {  	[dreg:$0x1] =	wrdreg $0xFFFFFFFF  }
0xae: {  	[dreg:$0x0] =	wrdreg $0x60  }
0xaf: {  	[dreg:$0x2] =	wrdreg s2  }
0xb0: {  	[dreg:$0x3] =	wrdreg s19  }
0xb1: {  	[dreg:$0x4] =	wrdreg $0x9  }
0xb2: {  	_ =	task.clear_ibuf [dreg:s8], $0x5FFFF;
	_ =	strace $0x90000046  }
0xb3: {  	s29 =	simm.s32 $0x9;
	_ =	strace $0x80000048  }
0xb4: {  	_ =	swait.ge [sflag:s29], $0x1  }
0xb5: {  	[sflag:s29] =	ssyncadd.s32 $0xFFFFFFFF  }
0xb6: {  	_ =	strace $0x90000048  }
0xb7: {  	_ =	sfence  }
0xb8: {  	s30 =	sld [smem:$0x0];
	_ =	sdelay $0x2  }
0xb9: {  	s31 =	sshll.u32 s1, $0xD;
	s1 =	sshrl.u32 s1, $0x2  }
0xba: {  	s3 =	sand.u32 $0x4000, s31;
	s1 =	sadd.s32 s1, s30  }
0xbb: {  	s0 =	sor.u32 s3, s0;
	s1 =	sshll.u32 s1, $0x11  }
0xbc: {  	s0 =	sor.u32 s1, s0  }
0xbd: {  	s0 =	sadd.s32 $0x8F2B, s0  }
0xbe: {  	[sflag:s0] =	ssyncadd.remote.s32 $0x1  }
0xbf: {  	_ =	sfence.sel $0xFFFF  }
0xc0: {  	[dreg:$0x0] =	wrdreg $0xFFFFFFFF;
	(pc) =	sbr.abs _section_cstart, $3  }
0xc1: {  	[dreg:$0x1] =	wrdreg $0xFFFFFFFF  }
0xc2: {  	_ =	task.clear_ibuf [dreg:s8], $0x2FFFF;
	_ =	strace $0x9FFFFFFF  }
0xc3: {  	(tm) =	ssettm $0x7FFFFFFF  }
tec
execute0_lowered:
.L_overlay_start_1:
0x0: {  	(tag) =	ssettag $0x1  }
0x1: {  	s2 =	rddreg [dreg:$0x0]  }
0x2: {  	s0 =	srdreg.scid;
	s1 =	rddreg [dreg:$0x1]  }
0x3: {  	s3 =	stileid.u32;
	s5 =	simm.s32 $0x0;
	s7 =	simm.s32 $0x80  }
0x4: {  	s8 =	simm.s32 $0x400;
	s9 =	simm.s32 $0x1;
	s0 =	sand.u32 $0x1, s0  }
.Ltmp0:
0x5: {  	s3 =	sshll.u32 s3, $0x7;
	s4 =	sshll.u32 s0, $0x6;
	(pc) =	sbr.rel .LBB2_1-.Ltmp0, $4  }
0x6: {  	v0 =	vlaneseq.u32;
	s11 =	simm.s32 $0x0;
	s0 =	ssub.s32 $0x2, s0;
	s4 =	sor.u32 s4, s3  }
0x7: {  	s15 =	simm.s32 $0x0;
	v2 =	vmul.u32 $0x100, v0;
	s30 =	sshrl.u32 s0, $0x1;
	s31 =	sshrl.u32 s4, $0x3  }
0x8: {  	[smem:$0x7FF] =	sst s5;
	s0 =	ssub.s32 s0, s30;
	s1 =	sadd.s32 s1, s31  }
0x9: {  	v1 =	vimm.s32 $0x0;
	v3 =	vimm.s32 $0x1;
	_ =	strace $0x80000047;
	v2 =	vor.u32 $0x80, v2;
	s6 =	smax.u32 s0, $0x1;
	[dreg:$0x3] =	wrdreg s1  }
.LBB2_45:
0xa: {  	s11 =	sadd.s32 $0x1, s11  }
0xb: {  	s0 =	simm.s32 $0x0;
	p0 =	sne.s32 s11, s6  }
.Ltmp1:
0xc: {  	s1 =	rddreg [dreg:$0x3];
	s3 =	simm.s32 $0x5180;
	(pc) =	sbr.rel @!p0 .LBB2_46-.Ltmp1, $4  }
0xd: {  	[hbm4b:s1+s0] =	stream.linear.scatter [tilespmem:s3], [sflag:$0x1], $0x40, $0x38;
	[tilespmem:$0x5200] =	vst v63  }
0xe: {  	_ =	swait.ge [sflag:s9], $0x40  }
0xf: {  	[sflag:s9] =	ssyncset.done $0x0  }
0x10: {  	[sflag:s9] =	ssyncadd.s32 $0xFFFFFFC0  }
.LBB2_1:
.Ltmp2:
0x11: {  	(pc) =	sbr.rel .LBB2_2-.Ltmp2, $2  }
0x12: {  	_ =	sdelay $0x2  }
0x13: {  	s12 =	simm.s32 $0x0  }
.LBB2_44:
0x14: {  	s12 =	sadd.s32 $0x1, s12  }
0x15: {  	p0 =	sne.s32 s12, $0x4  }
.Ltmp3:
0x16: {  	_ = 	snop;
	(pc) =	sbr.rel @!p0 .LBB2_45-.Ltmp3, $3  }
0x17: {  	_ =	sdelay $0x1  }
0x18: {  	s0 =	sand.u32 $0x3FFFFFF0, s13  }
0x19: {  	[tilespmem:s0+$0x5180] =	vst v4  }
.LBB2_2:
.Ltmp4:
0x1a: {  	(pc) =	sbr.rel .LBB2_3-.Ltmp4, $3  }
0x1b: {  	_ =	sdelay $0x1  }
0x1c: {  	s13 =	sshll.u32 s12, $0x4  }
0x1d: {  	v4 =	vimm.s32 $0x0;
	s16 =	simm.s32 $0x0;
	s14 =	sadd.s32 s4, s13  }
.LBB2_42:
0x1e: {  	p0 =	por !p0, !p0  }
.LBB2_43:
0x1f: {  	v5 =	vld [tilespmem:$0x2080];
	_ =	sdelay $0x2  }
0x20: {  	v6 =	vmov s0  }
0x21: {  	vm0 =	vgt.s32 v6, v0  }
0x22: {  	v5 =	vnsel vm0, $0x7FFFFFFF, v5  }
0x23: {  	v6 =	vxor.u32 $0x80000000, v5  }
0x24: {  	(xrf1) =	vsort.ascd.msk.u32 $0xffff, v6, v5;
	_ =	sdelay $0xc  }
0x25: {  	s31 =	sadd.s32 $0xFFFFFFFF, s18  }
0x26: {  	v6 =	vmov s31;
	v5, _, _ =	vpop (xrf1)  }
0x27: {  	vm14 =	veq.s32 v6, v0;
	v5 =	vxor.u32 $0x80000000, v5  }
0x28: {  	v5 =	vnsel vm14, $0x0, v5  }
0x29: {  	(xrf0) =	vadd.scan.msk.s32 $0xffff, v5;
	_ =	sdelay $0x5  }
0x2a: {  	v5, _, _ =	vpop (xrf0)  }
0x2b: {  	(v2sf) =	vpush v5, $0xF;
	_ =	sdelay $0xe  }
0x2c: {  	v5 =	vmov s16;
	s16 =	sadd.s32 $0x1, s16;
	s0 =	spop (v2sf)  }
0x2d: {  	s17 =	smov.u32 @p0 s0;
	p0 =	sne.s32 s16, $0x10  }
.Ltmp5:
0x2e: {  	_ = 	snop;
	(pc) =	sbr.rel @!p0 .LBB2_44-.Ltmp5, $3  }
0x2f: {  	_ =	sdelay $0x1  }
0x30: {  	vm15 =	veq.s32 v5, v0  }
0x31: {  	v4 =	vsel vm15, s17, v4  }
.LBB2_3:
0x32: {  	s0 =	sadd.s32 s14, s16;
	s1 =	sshll.u32 s16, $0x4  }
0x33: {  	s0 =	sshll.u32 s0, $0x9;
	s1 =	sand.u32 $0x70, s1  }
0x34: {  	s0 =	sand.u32 $0xFFFF000, s0;
	s1 =	sadd.s32 s2, s1  }
0x35: {  	s0 =	sadd.s32 s0, s1  }
0x36: {  	[tilespmem:s15], [sflag:$0x1] =	stream.strided.gather [hbm4b:s0+s7], $0x1000, s8, s7, $0x38;
	[tilespmem:$0x5200] =	vst v63  }
0x37: {  	_ =	swait.ge [sflag:s9], $0x1000  }
0x38: {  	[sflag:s9] =	ssyncset.done $0x0  }
0x39: {  	[sflag:s9] =	ssyncadd.s32 $0xFFFFF000  }
0x3a: {  	[tilespmem:$0x4180] =	vst v1  }
0x3b: {  	[tilespmem:$0x4190] =	vst v1  }
0x3c: {  	[tilespmem:$0x41A0] =	vst v1  }
0x3d: {  	[tilespmem:$0x41B0] =	vst v1  }
0x3e: {  	[tilespmem:$0x41C0] =	vst v1  }
0x3f: {  	[tilespmem:$0x41D0] =	vst v1  }
0x40: {  	[tilespmem:$0x41E0] =	vst v1  }
0x41: {  	[tilespmem:$0x41F0] =	vst v1  }
0x42: {  	[tilespmem:$0x4200] =	vst v1  }
0x43: {  	[tilespmem:$0x4210] =	vst v1  }
0x44: {  	[tilespmem:$0x4220] =	vst v1  }
0x45: {  	[tilespmem:$0x4230] =	vst v1  }
0x46: {  	[tilespmem:$0x4240] =	vst v1  }
0x47: {  	[tilespmem:$0x4250] =	vst v1  }
0x48: {  	[tilespmem:$0x4260] =	vst v1  }
0x49: {  	[tilespmem:$0x4270] =	vst v1  }
0x4a: {  	[tilespmem:$0x4280] =	vst v1  }
0x4b: {  	[tilespmem:$0x4290] =	vst v1  }
0x4c: {  	[tilespmem:$0x42A0] =	vst v1  }
0x4d: {  	[tilespmem:$0x42B0] =	vst v1  }
0x4e: {  	[tilespmem:$0x42C0] =	vst v1  }
0x4f: {  	[tilespmem:$0x42D0] =	vst v1  }
0x50: {  	[tilespmem:$0x42E0] =	vst v1  }
0x51: {  	[tilespmem:$0x42F0] =	vst v1  }
0x52: {  	[tilespmem:$0x4300] =	vst v1  }
0x53: {  	[tilespmem:$0x4310] =	vst v1  }
0x54: {  	[tilespmem:$0x4320] =	vst v1  }
0x55: {  	[tilespmem:$0x4330] =	vst v1  }
0x56: {  	[tilespmem:$0x4340] =	vst v1  }
0x57: {  	[tilespmem:$0x4350] =	vst v1  }
0x58: {  	[tilespmem:$0x4360] =	vst v1  }
0x59: {  	[tilespmem:$0x4370] =	vst v1  }
0x5a: {  	[tilespmem:$0x4380] =	vst v1  }
0x5b: {  	[tilespmem:$0x4390] =	vst v1  }
0x5c: {  	[tilespmem:$0x43A0] =	vst v1  }
0x5d: {  	[tilespmem:$0x43B0] =	vst v1  }
0x5e: {  	[tilespmem:$0x43C0] =	vst v1  }
0x5f: {  	[tilespmem:$0x43D0] =	vst v1  }
0x60: {  	[tilespmem:$0x43E0] =	vst v1  }
0x61: {  	[tilespmem:$0x43F0] =	vst v1  }
0x62: {  	[tilespmem:$0x4400] =	vst v1  }
0x63: {  	[tilespmem:$0x4410] =	vst v1  }
0x64: {  	[tilespmem:$0x4420] =	vst v1  }
0x65: {  	[tilespmem:$0x4430] =	vst v1  }
0x66: {  	[tilespmem:$0x4440] =	vst v1  }
0x67: {  	[tilespmem:$0x4450] =	vst v1  }
0x68: {  	[tilespmem:$0x4460] =	vst v1  }
0x69: {  	[tilespmem:$0x4470] =	vst v1  }
0x6a: {  	[tilespmem:$0x4480] =	vst v1  }
0x6b: {  	[tilespmem:$0x4490] =	vst v1  }
0x6c: {  	[tilespmem:$0x44A0] =	vst v1  }
0x6d: {  	[tilespmem:$0x44B0] =	vst v1  }
0x6e: {  	[tilespmem:$0x44C0] =	vst v1  }
0x6f: {  	[tilespmem:$0x44D0] =	vst v1  }
0x70: {  	[tilespmem:$0x44E0] =	vst v1  }
0x71: {  	[tilespmem:$0x44F0] =	vst v1  }
0x72: {  	[tilespmem:$0x4500] =	vst v1  }
0x73: {  	[tilespmem:$0x4510] =	vst v1  }
0x74: {  	[tilespmem:$0x4520] =	vst v1  }
0x75: {  	[tilespmem:$0x4530] =	vst v1  }
0x76: {  	[tilespmem:$0x4540] =	vst v1  }
0x77: {  	[tilespmem:$0x4550] =	vst v1  }
0x78: {  	[tilespmem:$0x4560] =	vst v1  }
0x79: {  	[tilespmem:$0x4570] =	vst v1  }
0x7a: {  	[tilespmem:$0x4580] =	vst v1  }
0x7b: {  	[tilespmem:$0x4590] =	vst v1  }
0x7c: {  	[tilespmem:$0x45A0] =	vst v1  }
0x7d: {  	[tilespmem:$0x45B0] =	vst v1  }
0x7e: {  	[tilespmem:$0x45C0] =	vst v1  }
0x7f: {  	[tilespmem:$0x45D0] =	vst v1  }
0x80: {  	[tilespmem:$0x45E0] =	vst v1  }
0x81: {  	[tilespmem:$0x45F0] =	vst v1  }
0x82: {  	[tilespmem:$0x4600] =	vst v1  }
0x83: {  	[tilespmem:$0x4610] =	vst v1  }
0x84: {  	[tilespmem:$0x4620] =	vst v1  }
0x85: {  	[tilespmem:$0x4630] =	vst v1  }
0x86: {  	[tilespmem:$0x4640] =	vst v1  }
0x87: {  	[tilespmem:$0x4650] =	vst v1  }
0x88: {  	[tilespmem:$0x4660] =	vst v1  }
0x89: {  	[tilespmem:$0x4670] =	vst v1  }
0x8a: {  	[tilespmem:$0x4680] =	vst v1  }
0x8b: {  	[tilespmem:$0x4690] =	vst v1  }
0x8c: {  	[tilespmem:$0x46A0] =	vst v1  }
0x8d: {  	[tilespmem:$0x46B0] =	vst v1  }
0x8e: {  	[tilespmem:$0x46C0] =	vst v1  }
0x8f: {  	[tilespmem:$0x46D0] =	vst v1  }
0x90: {  	[tilespmem:$0x46E0] =	vst v1  }
0x91: {  	[tilespmem:$0x46F0] =	vst v1  }
0x92: {  	[tilespmem:$0x4700] =	vst v1  }
0x93: {  	[tilespmem:$0x4710] =	vst v1  }
0x94: {  	[tilespmem:$0x4720] =	vst v1  }
0x95: {  	[tilespmem:$0x4730] =	vst v1  }
0x96: {  	[tilespmem:$0x4740] =	vst v1  }
0x97: {  	[tilespmem:$0x4750] =	vst v1  }
0x98: {  	[tilespmem:$0x4760] =	vst v1  }
0x99: {  	[tilespmem:$0x4770] =	vst v1  }
0x9a: {  	[tilespmem:$0x4780] =	vst v1  }
0x9b: {  	[tilespmem:$0x4790] =	vst v1  }
0x9c: {  	[tilespmem:$0x47A0] =	vst v1  }
0x9d: {  	[tilespmem:$0x47B0] =	vst v1  }
0x9e: {  	[tilespmem:$0x47C0] =	vst v1  }
0x9f: {  	[tilespmem:$0x47D0] =	vst v1  }
0xa0: {  	[tilespmem:$0x47E0] =	vst v1  }
0xa1: {  	[tilespmem:$0x47F0] =	vst v1  }
0xa2: {  	[tilespmem:$0x4800] =	vst v1  }
0xa3: {  	[tilespmem:$0x4810] =	vst v1  }
0xa4: {  	[tilespmem:$0x4820] =	vst v1  }
0xa5: {  	[tilespmem:$0x4830] =	vst v1  }
0xa6: {  	[tilespmem:$0x4840] =	vst v1  }
0xa7: {  	[tilespmem:$0x4850] =	vst v1  }
0xa8: {  	[tilespmem:$0x4860] =	vst v1  }
0xa9: {  	[tilespmem:$0x4870] =	vst v1  }
0xaa: {  	[tilespmem:$0x4880] =	vst v1  }
0xab: {  	[tilespmem:$0x4890] =	vst v1  }
0xac: {  	[tilespmem:$0x48A0] =	vst v1  }
0xad: {  	[tilespmem:$0x48B0] =	vst v1  }
0xae: {  	[tilespmem:$0x48C0] =	vst v1  }
0xaf: {  	[tilespmem:$0x48D0] =	vst v1  }
0xb0: {  	[tilespmem:$0x48E0] =	vst v1  }
0xb1: {  	[tilespmem:$0x48F0] =	vst v1  }
0xb2: {  	[tilespmem:$0x4900] =	vst v1  }
0xb3: {  	[tilespmem:$0x4910] =	vst v1  }
0xb4: {  	[tilespmem:$0x4920] =	vst v1  }
0xb5: {  	[tilespmem:$0x4930] =	vst v1  }
0xb6: {  	[tilespmem:$0x4940] =	vst v1  }
0xb7: {  	[tilespmem:$0x4950] =	vst v1  }
0xb8: {  	[tilespmem:$0x4960] =	vst v1  }
0xb9: {  	[tilespmem:$0x4970] =	vst v1  }
0xba: {  	[tilespmem:$0x4980] =	vst v1  }
0xbb: {  	[tilespmem:$0x4990] =	vst v1  }
0xbc: {  	[tilespmem:$0x49A0] =	vst v1  }
0xbd: {  	[tilespmem:$0x49B0] =	vst v1  }
0xbe: {  	[tilespmem:$0x49C0] =	vst v1  }
0xbf: {  	[tilespmem:$0x49D0] =	vst v1  }
0xc0: {  	[tilespmem:$0x49E0] =	vst v1  }
0xc1: {  	[tilespmem:$0x49F0] =	vst v1  }
0xc2: {  	[tilespmem:$0x4A00] =	vst v1  }
0xc3: {  	[tilespmem:$0x4A10] =	vst v1  }
0xc4: {  	[tilespmem:$0x4A20] =	vst v1  }
0xc5: {  	[tilespmem:$0x4A30] =	vst v1  }
0xc6: {  	[tilespmem:$0x4A40] =	vst v1  }
0xc7: {  	[tilespmem:$0x4A50] =	vst v1  }
0xc8: {  	[tilespmem:$0x4A60] =	vst v1  }
0xc9: {  	[tilespmem:$0x4A70] =	vst v1  }
0xca: {  	[tilespmem:$0x4A80] =	vst v1  }
0xcb: {  	[tilespmem:$0x4A90] =	vst v1  }
0xcc: {  	[tilespmem:$0x4AA0] =	vst v1  }
0xcd: {  	[tilespmem:$0x4AB0] =	vst v1  }
0xce: {  	[tilespmem:$0x4AC0] =	vst v1  }
0xcf: {  	[tilespmem:$0x4AD0] =	vst v1  }
0xd0: {  	[tilespmem:$0x4AE0] =	vst v1  }
0xd1: {  	[tilespmem:$0x4AF0] =	vst v1  }
0xd2: {  	[tilespmem:$0x4B00] =	vst v1  }
0xd3: {  	[tilespmem:$0x4B10] =	vst v1  }
0xd4: {  	[tilespmem:$0x4B20] =	vst v1  }
0xd5: {  	[tilespmem:$0x4B30] =	vst v1  }
0xd6: {  	[tilespmem:$0x4B40] =	vst v1  }
0xd7: {  	[tilespmem:$0x4B50] =	vst v1  }
0xd8: {  	[tilespmem:$0x4B60] =	vst v1  }
0xd9: {  	[tilespmem:$0x4B70] =	vst v1  }
0xda: {  	[tilespmem:$0x4B80] =	vst v1  }
0xdb: {  	[tilespmem:$0x4B90] =	vst v1  }
0xdc: {  	[tilespmem:$0x4BA0] =	vst v1  }
0xdd: {  	[tilespmem:$0x4BB0] =	vst v1  }
0xde: {  	[tilespmem:$0x4BC0] =	vst v1  }
0xdf: {  	[tilespmem:$0x4BD0] =	vst v1  }
0xe0: {  	[tilespmem:$0x4BE0] =	vst v1  }
0xe1: {  	[tilespmem:$0x4BF0] =	vst v1  }
0xe2: {  	[tilespmem:$0x4C00] =	vst v1  }
0xe3: {  	[tilespmem:$0x4C10] =	vst v1  }
0xe4: {  	[tilespmem:$0x4C20] =	vst v1  }
0xe5: {  	[tilespmem:$0x4C30] =	vst v1  }
0xe6: {  	[tilespmem:$0x4C40] =	vst v1  }
0xe7: {  	[tilespmem:$0x4C50] =	vst v1  }
0xe8: {  	[tilespmem:$0x4C60] =	vst v1  }
0xe9: {  	[tilespmem:$0x4C70] =	vst v1  }
0xea: {  	[tilespmem:$0x4C80] =	vst v1  }
0xeb: {  	[tilespmem:$0x4C90] =	vst v1  }
0xec: {  	[tilespmem:$0x4CA0] =	vst v1  }
0xed: {  	[tilespmem:$0x4CB0] =	vst v1  }
0xee: {  	[tilespmem:$0x4CC0] =	vst v1  }
0xef: {  	[tilespmem:$0x4CD0] =	vst v1  }
0xf0: {  	[tilespmem:$0x4CE0] =	vst v1  }
0xf1: {  	[tilespmem:$0x4CF0] =	vst v1  }
0xf2: {  	[tilespmem:$0x4D00] =	vst v1  }
0xf3: {  	[tilespmem:$0x4D10] =	vst v1  }
0xf4: {  	[tilespmem:$0x4D20] =	vst v1  }
0xf5: {  	[tilespmem:$0x4D30] =	vst v1  }
0xf6: {  	[tilespmem:$0x4D40] =	vst v1  }
0xf7: {  	[tilespmem:$0x4D50] =	vst v1  }
0xf8: {  	[tilespmem:$0x4D60] =	vst v1  }
0xf9: {  	[tilespmem:$0x4D70] =	vst v1  }
0xfa: {  	[tilespmem:$0x4D80] =	vst v1  }
0xfb: {  	[tilespmem:$0x4D90] =	vst v1  }
0xfc: {  	[tilespmem:$0x4DA0] =	vst v1  }
0xfd: {  	[tilespmem:$0x4DB0] =	vst v1  }
0xfe: {  	[tilespmem:$0x4DC0] =	vst v1  }
0xff: {  	[tilespmem:$0x4DD0] =	vst v1  }
0x100: {  	[tilespmem:$0x4DE0] =	vst v1  }
0x101: {  	[tilespmem:$0x4DF0] =	vst v1  }
0x102: {  	[tilespmem:$0x4E00] =	vst v1  }
0x103: {  	[tilespmem:$0x4E10] =	vst v1  }
0x104: {  	[tilespmem:$0x4E20] =	vst v1  }
0x105: {  	[tilespmem:$0x4E30] =	vst v1  }
0x106: {  	[tilespmem:$0x4E40] =	vst v1  }
0x107: {  	[tilespmem:$0x4E50] =	vst v1  }
0x108: {  	[tilespmem:$0x4E60] =	vst v1  }
0x109: {  	[tilespmem:$0x4E70] =	vst v1  }
0x10a: {  	[tilespmem:$0x4E80] =	vst v1  }
0x10b: {  	[tilespmem:$0x4E90] =	vst v1  }
0x10c: {  	[tilespmem:$0x4EA0] =	vst v1  }
0x10d: {  	[tilespmem:$0x4EB0] =	vst v1  }
0x10e: {  	[tilespmem:$0x4EC0] =	vst v1  }
0x10f: {  	[tilespmem:$0x4ED0] =	vst v1  }
0x110: {  	[tilespmem:$0x4EE0] =	vst v1  }
0x111: {  	[tilespmem:$0x4EF0] =	vst v1  }
0x112: {  	[tilespmem:$0x4F00] =	vst v1  }
0x113: {  	[tilespmem:$0x4F10] =	vst v1  }
0x114: {  	[tilespmem:$0x4F20] =	vst v1  }
0x115: {  	[tilespmem:$0x4F30] =	vst v1  }
0x116: {  	[tilespmem:$0x4F40] =	vst v1  }
0x117: {  	[tilespmem:$0x4F50] =	vst v1  }
0x118: {  	[tilespmem:$0x4F60] =	vst v1  }
0x119: {  	[tilespmem:$0x4F70] =	vst v1  }
0x11a: {  	[tilespmem:$0x4F80] =	vst v1  }
0x11b: {  	[tilespmem:$0x4F90] =	vst v1  }
0x11c: {  	[tilespmem:$0x4FA0] =	vst v1  }
0x11d: {  	[tilespmem:$0x4FB0] =	vst v1  }
0x11e: {  	[tilespmem:$0x4FC0] =	vst v1  }
0x11f: {  	[tilespmem:$0x4FD0] =	vst v1  }
0x120: {  	[tilespmem:$0x4FE0] =	vst v1  }
0x121: {  	[tilespmem:$0x4FF0] =	vst v1  }
0x122: {  	[tilespmem:$0x5000] =	vst v1  }
0x123: {  	[tilespmem:$0x5010] =	vst v1  }
0x124: {  	[tilespmem:$0x5020] =	vst v1  }
0x125: {  	[tilespmem:$0x5030] =	vst v1  }
0x126: {  	[tilespmem:$0x5040] =	vst v1  }
0x127: {  	[tilespmem:$0x5050] =	vst v1  }
0x128: {  	[tilespmem:$0x5060] =	vst v1  }
0x129: {  	[tilespmem:$0x5070] =	vst v1  }
0x12a: {  	[tilespmem:$0x5080] =	vst v1  }
0x12b: {  	[tilespmem:$0x5090] =	vst v1  }
0x12c: {  	[tilespmem:$0x50A0] =	vst v1  }
0x12d: {  	[tilespmem:$0x50B0] =	vst v1  }
0x12e: {  	[tilespmem:$0x50C0] =	vst v1  }
0x12f: {  	[tilespmem:$0x50D0] =	vst v1  }
0x130: {  	[tilespmem:$0x50E0] =	vst v1  }
0x131: {  	[tilespmem:$0x50F0] =	vst v1  }
0x132: {  	[tilespmem:$0x5100] =	vst v1  }
0x133: {  	[tilespmem:$0x5110] =	vst v1  }
0x134: {  	[tilespmem:$0x5120] =	vst v1  }
0x135: {  	[tilespmem:$0x5130] =	vst v1  }
0x136: {  	[tilespmem:$0x5140] =	vst v1  }
0x137: {  	[tilespmem:$0x5150] =	vst v1  }
0x138: {  	[tilespmem:$0x5160] =	vst v1  }
0x139: {  	s0 =	simm.s32 $0x0;
	[tilespmem:$0x5170] =	vst v1  }
.LBB2_4:
0x13a: {  	s17 =	sshra.s32 s0, $0x2  }
0x13b: {  	v5 =	vld [tilespmem:s17+$0x0];
	_ =	sdelay $0x4  }
0x13c: {  	v6 =	vshra.s32 v5, $0x1F  }
0x13d: {  	v6 =	vand.u32 $0x7FFFFFFF, v6  }
0x13e: {  	v5 =	vxor.u32 v5, v6  }
0x13f: {  	v6 =	vshra.s32 v5, $0x18  }
0x140: {  	v6 =	vadd.s32 v2, v6;
	_ =	sdelay $0x3  }
0x141: {  	s19 =	simm.s32 $0x4180;
	[tilespmem:s17+$0x1000] =	vst v5  }
0x142: {  	[tilespmem:v6+s19+$0x0] =	vst.idx.add.s32.msk $0xffff, v3  }
0x143: {  	v5 =	vld [tilespmem:s17+$0x10];
	_ =	sdelay $0x4  }
0x144: {  	v6 =	vshra.s32 v5, $0x1F  }
0x145: {  	v6 =	vand.u32 $0x7FFFFFFF, v6  }
0x146: {  	v5 =	vxor.u32 v5, v6  }
0x147: {  	v6 =	vshra.s32 v5, $0x18  }
0x148: {  	v6 =	vadd.s32 v2, v6;
	_ =	sdelay $0x3  }
0x149: {  	[tilespmem:s17+$0x1010] =	vst v5  }
0x14a: {  	[tilespmem:v6+s19+$0x0] =	vst.idx.add.s32.msk $0xffff, v3  }
0x14b: {  	v5 =	vld [tilespmem:s17+$0x20];
	_ =	sdelay $0x4  }
0x14c: {  	v6 =	vshra.s32 v5, $0x1F  }
0x14d: {  	v6 =	vand.u32 $0x7FFFFFFF, v6  }
0x14e: {  	v5 =	vxor.u32 v5, v6  }
0x14f: {  	v6 =	vshra.s32 v5, $0x18  }
0x150: {  	v6 =	vadd.s32 v2, v6;
	_ =	sdelay $0x3  }
0x151: {  	[tilespmem:s17+$0x1020] =	vst v5  }
0x152: {  	[tilespmem:v6+s19+$0x0] =	vst.idx.add.s32.msk $0xffff, v3  }
0x153: {  	v5 =	vld [tilespmem:s17+$0x30];
	_ =	sdelay $0x4  }
0x154: {  	v6 =	vshra.s32 v5, $0x1F  }
0x155: {  	v6 =	vand.u32 $0x7FFFFFFF, v6  }
0x156: {  	v5 =	vxor.u32 v5, v6  }
0x157: {  	v6 =	vshra.s32 v5, $0x18  }
0x158: {  	v6 =	vadd.s32 v2, v6;
	_ =	sdelay $0x3  }
0x159: {  	[tilespmem:s17+$0x1030] =	vst v5  }
0x15a: {  	[tilespmem:v6+s19+$0x0] =	vst.idx.add.s32.msk $0xffff, v3  }
0x15b: {  	v5 =	vld [tilespmem:s17+$0x40];
	_ =	sdelay $0x4  }
0x15c: {  	v6 =	vshra.s32 v5, $0x1F  }
0x15d: {  	v6 =	vand.u32 $0x7FFFFFFF, v6  }
0x15e: {  	v5 =	vxor.u32 v5, v6  }
0x15f: {  	v6 =	vshra.s32 v5, $0x18  }
0x160: {  	v6 =	vadd.s32 v2, v6;
	_ =	sdelay $0x3  }
0x161: {  	[tilespmem:s17+$0x1040] =	vst v5  }
0x162: {  	[tilespmem:v6+s19+$0x0] =	vst.idx.add.s32.msk $0xffff, v3  }
0x163: {  	v5 =	vld [tilespmem:s17+$0x50];
	_ =	sdelay $0x4  }
0x164: {  	v6 =	vshra.s32 v5, $0x1F  }
0x165: {  	v6 =	vand.u32 $0x7FFFFFFF, v6  }
0x166: {  	v5 =	vxor.u32 v5, v6  }
0x167: {  	v6 =	vshra.s32 v5, $0x18  }
0x168: {  	v6 =	vadd.s32 v2, v6;
	_ =	sdelay $0x3  }
0x169: {  	[tilespmem:s17+$0x1050] =	vst v5  }
0x16a: {  	[tilespmem:v6+s19+$0x0] =	vst.idx.add.s32.msk $0xffff, v3  }
0x16b: {  	v5 =	vld [tilespmem:s17+$0x60];
	_ =	sdelay $0x4  }
0x16c: {  	v6 =	vshra.s32 v5, $0x1F  }
0x16d: {  	v6 =	vand.u32 $0x7FFFFFFF, v6  }
0x16e: {  	v5 =	vxor.u32 v5, v6  }
0x16f: {  	v6 =	vshra.s32 v5, $0x18  }
0x170: {  	v6 =	vadd.s32 v2, v6;
	_ =	sdelay $0x3  }
0x171: {  	[tilespmem:s17+$0x1060] =	vst v5  }
0x172: {  	[tilespmem:v6+s19+$0x0] =	vst.idx.add.s32.msk $0xffff, v3  }
0x173: {  	v5 =	vld [tilespmem:s17+$0x70];
	_ =	sdelay $0x4  }
0x174: {  	v6 =	vshra.s32 v5, $0x1F  }
0x175: {  	v6 =	vand.u32 $0x7FFFFFFF, v6  }
0x176: {  	v5 =	vxor.u32 v5, v6  }
0x177: {  	v6 =	vshra.s32 v5, $0x18  }
0x178: {  	p0 =	sne.s32 s0, $0x3E00;
	v6 =	vadd.s32 v2, v6  }
.Ltmp6:
0x179: {  	_ = 	snop;
	(pc) =	sbr.rel @p0 .LBB2_4-.Ltmp6, $3  }
0x17a: {  	_ =	sdelay $0x1  }
0x17b: {  	[tilespmem:s17+$0x1070] =	vst v5  }
0x17c: {  	s0 =	sadd.s32 $0x200, s0;
	[tilespmem:v6+s19+$0x0] =	vst.idx.add.s32.msk $0xffff, v3  }
0x17d: {  	s18 =	simm.s32 $0x0  }
0x17e: {  	v5 =	vld [tilespmem:s19+$0x0];
	s0 =	sand.u32 $0xF0, s18  }
0x17f: {  	v6 =	vld [tilespmem:s0+$0x4280]  }
0x180: {  	v7 =	vld [tilespmem:s0+$0x4380]  }
0x181: {  	v8 =	vld [tilespmem:s0+$0x4480]  }
0x182: {  	v9 =	vld [tilespmem:s0+$0x4580]  }
0x183: {  	v10 =	vld [tilespmem:s0+$0x4680]  }
0x184: {  	v11 =	vld [tilespmem:s0+$0x4780]  }
0x185: {  	v5 =	vadd.s32 v5, v6;
	v6 =	vld [tilespmem:s0+$0x4880]  }
0x186: {  	v5 =	vadd.s32 v7, v5;
	v7 =	vld [tilespmem:s0+$0x4980]  }
0x187: {  	v5 =	vadd.s32 v8, v5;
	v8 =	vld [tilespmem:s0+$0x4A80]  }
0x188: {  	v5 =	vadd.s32 v9, v5;
	v9 =	vld [tilespmem:s0+$0x4B80]  }
0x189: {  	v5 =	vadd.s32 v10, v5;
	v10 =	vld [tilespmem:s0+$0x4C80]  }
0x18a: {  	v5 =	vadd.s32 v11, v5;
	v11 =	vld [tilespmem:s0+$0x4D80]  }
0x18b: {  	v5 =	vadd.s32 v6, v5;
	v6 =	vld [tilespmem:s0+$0x4E80]  }
0x18c: {  	v5 =	vadd.s32 v7, v5;
	v7 =	vld [tilespmem:s0+$0x4F80]  }
0x18d: {  	s22 =	simm.s32 $0x10;
	s1 =	simm.s32 $0x4190;
	v5 =	vadd.s32 v8, v5;
	v8 =	vld [tilespmem:s0+$0x5080]  }
0x18e: {  	s0 =	sand.u32 $0xF0, s22;
	v5 =	vadd.s32 v9, v5;
	v9 =	vld [tilespmem:s1+$0x0]  }
0x18f: {  	v12 =	vld [tilespmem:s0+$0x4880];
	v5 =	vadd.s32 v10, v5  }
0x190: {  	v13 =	vld [tilespmem:s0+$0x4980];
	v5 =	vadd.s32 v11, v5  }
0x191: {  	v10 =	vld [tilespmem:s0+$0x4280];
	v5 =	vadd.s32 v6, v5  }
0x192: {  	v11 =	vld [tilespmem:s0+$0x4380];
	v5 =	vadd.s32 v7, v5  }
0x193: {  	v6 =	vld [tilespmem:s0+$0x4480];
	v5 =	vadd.s32 v8, v5  }
0x194: {  	v7 =	vld [tilespmem:s0+$0x4580];
	(xrf0) =	vadd.scan.msk.s32 $0xffff, v5  }
0x195: {  	v8 =	vld [tilespmem:s0+$0x4680]  }
0x196: {  	v5 =	vld [tilespmem:s0+$0x4780];
	v9 =	vadd.s32 v9, v10  }
0x197: {  	v14 =	vld [tilespmem:s0+$0x4D80];
	v9 =	vadd.s32 v11, v9  }
0x198: {  	v60 =	vld [tilespmem:s0+$0x5080];
	v6 =	vadd.s32 v6, v9  }
0x199: {  	v10 =	vld [tilespmem:s0+$0x4A80];
	v6 =	vadd.s32 v7, v6  }
0x19a: {  	v11 =	vld [tilespmem:s0+$0x4B80];
	v6 =	vadd.s32 v8, v6;
	v7, _, _ =	vpop (xrf0)  }
0x19b: {  	s23 =	simm.s32 $0x800;
	v9 =	vld [tilespmem:s0+$0x4C80];
	v5 =	vadd.s32 v5, v6;
	(v2sf) =	vpush v7, $0xF  }
0x19c: {  	s24 =	simm.s32 $0x20;
	v8 =	vld [tilespmem:s0+$0x4E80];
	v5 =	vadd.s32 v12, v5;
	vm0 =	vlt.s32 v7, s23  }
0x19d: {  	v6 =	vld [tilespmem:s0+$0x4F80];
	s0 =	sand.u32 $0xF0, s24;
	v5 =	vadd.s32 v13, v5;
	v7 =	vmpcnt.ones.xlane vm0  }
0x19e: {  	s25 =	simm.s32 $0x41A0;
	v5 =	vadd.s32 v10, v5;
	v10 =	vld [tilespmem:s0+$0x4280]  }
0x19f: {  	v5 =	vadd.s32 v11, v5;
	(v2sf) =	vpush v7, $0x0;
	v7 =	vld [tilespmem:s25+$0x0]  }
0x1a0: {  	v11 =	vld [tilespmem:s0+$0x4380];
	v5 =	vadd.s32 v9, v5  }
0x1a1: {  	v9 =	vld [tilespmem:s0+$0x4480];
	v5 =	vadd.s32 v14, v5  }
0x1a2: {  	v61 =	vld [tilespmem:s0+$0x4580];
	v5 =	vadd.s32 v8, v5  }
0x1a3: {  	v8 =	vld [tilespmem:s0+$0x4680];
	v5 =	vadd.s32 v6, v5  }
0x1a4: {  	v5 =	vadd.s32 v60, v5;
	v6 =	vadd.s32 v7, v10;
	v7 =	vld [tilespmem:s0+$0x4780]  }
0x1a5: {  	v10 =	vld [tilespmem:s0+$0x4880];
	(xrf0) =	vadd.scan.msk.s32 $0xffff, v5;
	v6 =	vadd.s32 v11, v6  }
0x1a6: {  	v5 =	vadd.s32 v9, v6;
	v6 =	vld [tilespmem:s0+$0x4980]  }
0x1a7: {  	v9 =	vld [tilespmem:s0+$0x4A80];
	v5 =	vadd.s32 v61, v5  }
0x1a8: {  	v5 =	vadd.s32 v8, v5;
	v8 =	vld [tilespmem:s0+$0x4B80]  }
0x1a9: {  	v11 =	vld [tilespmem:s0+$0x4C80];
	v5 =	vadd.s32 v7, v5  }
0x1aa: {  	v5 =	vadd.s32 v10, v5;
	v10 =	vld [tilespmem:s0+$0x4D80];
	s26 =	spop (v2sf)  }
0x1ab: {  	s21 =	simm.s32 $0x1;
	v62 =	vld [tilespmem:s0+$0x4E80];
	v63, _, _ =	vpop (xrf0);
	v5 =	vadd.s32 v6, v5;
	s19 =	sadd.s32 $0x0, s26  }
0x1ac: {  	s28 =	simm.s32 $0x30;
	s29 =	simm.s32 $0x41B0;
	v7 =	vld [tilespmem:s0+$0x4F80];
	(v2sf) =	vpush v63, $0xF;
	v5 =	vadd.s32 v9, v5;
	s1 =	ssub.s32 $0x800, s19  }
0x1ad: {  	p1 =	por $0x0, $0x0;
	s30 =	simm.s32 $0x4;
	s17 =	sand.u32 $0xF0, s28;
	v6 =	vld [tilespmem:s0+$0x5080];
	v5 =	vadd.s32 v8, v5;
	vm15 =	vlt.s32 v63, s1  }
0x1ae: {  	s20 =	simm.s32 $0x0;
	s22 =	simm.s32 $0x0;
	v8 =	vld [tilespmem:s17+$0x4280];
	s31 =	spop (v2sf);
	v11 =	vadd.s32 v11, v5;
	v9 =	vmpcnt.ones.xlane vm15  }
0x1af: {  	s24 =	simm.s32 $0x2;
	s23 =	simm.s32 $0x3;
	v5 =	vld [tilespmem:s29+$0x0];
	p0 =	sgt.s32 s31, $0xF;
	v10 =	vadd.s32 v10, v11  }
0x1b0: {  	s25 =	simm.s32 $0x0;
	s26 =	simm.s32 $0x0;
	p1 =	por p0, p1;
	v10 =	vadd.s32 v62, v10;
	(v2sf) =	vpush v9, $0x0;
	v9 =	vld [tilespmem:s17+$0x4380]  }
.LBB2_6:
0x1b1: {  	s0 =	smov.u32 s22  }
0x1b2: {  	s1 =	smov.u32 s18;
	s18 =	smov.u32 s26;
	s22 =	smov.u32 s20  }
0x1b3: {  	p2 =	sne.s32 s30, $0xF;
	v7 =	vadd.s32 v7, v10;
	v11 =	vld [tilespmem:s17+$0x4480];
	s18 =	smov.u32 @p1 s1;
	s22 =	smov.u32 @p1 s0  }
0x1b4: {  	s20 =	smov.u32 s19;
	s26 =	smov.u32 s21;
	s21 =	smov.u32 s24;
	v6 =	vadd.s32 v6, v7;
	v10 =	vld [tilespmem:s17+$0x4580]  }
0x1b5: {  	s24 =	smov.u32 s23;
	s23 =	smov.u32 s30;
	v7 =	vld [tilespmem:s17+$0x4680];
	(xrf0) =	vadd.scan.msk.s32 $0xffff, v6  }
0x1b6: {  	v5 =	vadd.s32 v5, v8;
	v6 =	vld [tilespmem:s17+$0x4780]  }
0x1b7: {  	v5 =	vadd.s32 v9, v5;
	v8 =	vld [tilespmem:s17+$0x4880]  }
0x1b8: {  	v5 =	vadd.s32 v11, v5;
	v9 =	vld [tilespmem:s17+$0x4980]  }
0x1b9: {  	v5 =	vadd.s32 v10, v5;
	v10 =	vld [tilespmem:s17+$0x4A80]  }
0x1ba: {  	v5 =	vadd.s32 v7, v5;
	v11 =	vld [tilespmem:s17+$0x4B80]  }
0x1bb: {  	v5 =	vadd.s32 v6, v5;
	v12 =	vld [tilespmem:s17+$0x4C80];
	v6, _, _ =	vpop (xrf0);
	s0 =	spop (v2sf)  }
0x1bc: {  	v5 =	vadd.s32 v8, v5;
	v13 =	vld [tilespmem:s17+$0x4D80];
	(v2sf) =	vpush v6, $0xF;
	s19 =	sadd.s32 s19, s0  }
0x1bd: {  	v5 =	vadd.s32 v9, v5;
	v14 =	vld [tilespmem:s17+$0x4E80];
	s0 =	ssub.s32 $0x800, s19  }
.Ltmp7:
0x1be: {  	v5 =	vadd.s32 v10, v5;
	v7 =	vld [tilespmem:s17+$0x4F80];
	vm0 =	vlt.s32 v6, s0;
	(pc) =	sbr.rel @p2 .LBB2_6-.Ltmp7, $4  }
0x1bf: {  	s28 =	sadd.s32 $0x10, s28;
	s29 =	sadd.s32 $0x10, s29;
	v8 =	vadd.s32 v11, v5;
	v6 =	vld [tilespmem:s17+$0x5080];
	v9 =	vmpcnt.ones.xlane vm0  }
0x1c0: {  	s25 =	simm.s32 @!p0 $0x1;
	s17 =	sand.u32 $0xF0, s28;
	v5 =	vld [tilespmem:s29+$0x0];
	v10 =	vadd.s32 v12, v8;
	s0 =	spop (v2sf)  }
0x1c1: {  	p1 =	sne.s32 s25, $0x0;
	v8 =	vld [tilespmem:s17+$0x4280];
	v10 =	vadd.s32 v13, v10;
	(v2sf) =	vpush v9, $0x0;
	p0 =	sgt.s32 s0, $0xF  }
0x1c2: {  	s30 =	sadd.s32 $0x1, s30;
	v9 =	vld [tilespmem:s17+$0x4380];
	v10 =	vadd.s32 v14, v10;
	p1 =	por p0, p1  }
0x1c3: {  	v7 =	vadd.s32 v7, v10  }
0x1c4: {  	v6 =	vadd.s32 v6, v7  }
0x1c5: {  	v7 =	vld [tilespmem:s17+$0x4480];
	(xrf0) =	vadd.scan.msk.s32 $0xffff, v6  }
0x1c6: {  	v6 =	vld [tilespmem:s17+$0x4580]  }
0x1c7: {  	v10 =	vld [tilespmem:s17+$0x4680]  }
0x1c8: {  	v5 =	vadd.s32 v5, v8;
	v8 =	vld [tilespmem:s17+$0x4780]  }
0x1c9: {  	v5 =	vadd.s32 v9, v5;
	v9 =	vld [tilespmem:s17+$0x4880]  }
0x1ca: {  	v5 =	vadd.s32 v7, v5;
	v7 =	vld [tilespmem:s17+$0x4980]  }
0x1cb: {  	v5 =	vadd.s32 v6, v5;
	v6 =	vld [tilespmem:s17+$0x4A80];
	v11, _, _ =	vpop (xrf0)  }
0x1cc: {  	v5 =	vadd.s32 v10, v5;
	v10 =	vld [tilespmem:s17+$0x4B80];
	(v2sf) =	vpush v11, $0xF  }
0x1cd: {  	v5 =	vadd.s32 v8, v5;
	v8 =	vld [tilespmem:s17+$0x4C80]  }
0x1ce: {  	v5 =	vadd.s32 v9, v5;
	v9 =	vld [tilespmem:s17+$0x4D80]  }
0x1cf: {  	v5 =	vadd.s32 v7, v5;
	v7 =	vld [tilespmem:s17+$0x4E80]  }
0x1d0: {  	v5 =	vadd.s32 v6, v5;
	v6 =	vld [tilespmem:s17+$0x4F80]  }
0x1d1: {  	v5 =	vadd.s32 v10, v5;
	v10 =	vld [tilespmem:s17+$0x5080]  }
0x1d2: {  	v5 =	vadd.s32 v8, v5  }
0x1d3: {  	v5 =	vadd.s32 v9, v5  }
0x1d4: {  	v5 =	vadd.s32 v7, v5  }
0x1d5: {  	v5 =	vadd.s32 v6, v5  }
0x1d6: {  	v5 =	vadd.s32 v10, v5  }
0x1d7: {  	(xrf0) =	vadd.scan.msk.s32 $0xffff, v5;
	_ =	sdelay $0x1  }
0x1d8: {  	s0 =	spop (v2sf)  }
0x1d9: {  	s0 =	sadd.s32 s19, s0;
	s1 =	spop (v2sf)  }
0x1da: {  	s3 =	ssub.s32 $0x800, s0;
	s10 =	spop (v2sf)  }
0x1db: {  	vm0 =	vlt.s32 v11, s3;
	s17 =	sadd.s32 s0, s10  }
0x1dc: {  	v5 =	vmpcnt.ones.xlane vm0;
	v6, _, _ =	vpop (xrf0);
	s5 =	ssub.s32 $0x800, s17  }
0x1dd: {  	vm9 =	vlt.s32 v6, s5  }
0x1de: {  	(v2sf) =	vpush v5, $0x0;
	v5 =	vmpcnt.ones.xlane vm9  }
0x1df: {  	(v2sf) =	vpush v6, $0xF  }
0x1e0: {  	(v2sf) =	vpush v5, $0x0;
	_ =	sdelay $0xa  }
0x1e1: {  	s25 =	simm.s32 @!p0 $0x1  }
0x1e2: {  	s26 =	smov.u32 @p1 s18;
	p0 =	sne.s32 s25, $0x0;
	p2 =	sgt.s32 s1, $0xF  }
0x1e3: {  	p0 =	por p2, p0;
	s25 =	simm.s32 @!p2 $0x1;
	s10 =	spop (v2sf)  }
0x1e4: {  	s21 =	smov.u32 @p0 s26;
	p2 =	sgt.s32 s10, $0xF;
	s18 =	spop (v2sf)  }
0x1e5: {  	p3 =	sne.s32 s25, $0x0;
	s25 =	simm.s32 @!p2 $0x1;
	s1 =	spop (v2sf)  }
0x1e6: {  	p2 =	por p2, p3;
	p4 =	sne.s32 s25, $0x0;
	p6 =	sgt.s32 s1, $0xF  }
0x1e7: {  	s24 =	smov.u32 @p2 s21;
	p3 =	por p6, p4  }
0x1e8: {  	s23 =	smov.u32 @p3 s24  }
0x1e9: {  	s21 =	sshll.u32 s23, $0x4  }
0x1ea: {  	v5 =	vld [tilespmem:s21+$0x4180];
	s23 =	sand.u32 $0xF0, s21  }
0x1eb: {  	v6 =	vld [tilespmem:s23+$0x4280]  }
0x1ec: {  	v7 =	vld [tilespmem:s23+$0x4380]  }
0x1ed: {  	v8 =	vld [tilespmem:s23+$0x4480]  }
0x1ee: {  	v9 =	vld [tilespmem:s23+$0x4580]  }
0x1ef: {  	v10 =	vld [tilespmem:s23+$0x4680]  }
0x1f0: {  	v5 =	vadd.s32 v5, v6;
	v6 =	vld [tilespmem:s23+$0x4780]  }
0x1f1: {  	v5 =	vadd.s32 v7, v5;
	v7 =	vld [tilespmem:s23+$0x4880]  }
0x1f2: {  	v5 =	vadd.s32 v8, v5;
	v8 =	vld [tilespmem:s23+$0x4980]  }
0x1f3: {  	v5 =	vadd.s32 v9, v5;
	v9 =	vld [tilespmem:s23+$0x4A80]  }
0x1f4: {  	v5 =	vadd.s32 v10, v5;
	v10 =	vld [tilespmem:s23+$0x4B80]  }
0x1f5: {  	v5 =	vadd.s32 v6, v5;
	v6 =	vld [tilespmem:s23+$0x4C80]  }
0x1f6: {  	v5 =	vadd.s32 v7, v5;
	v7 =	vld [tilespmem:s23+$0x4D80]  }
0x1f7: {  	v5 =	vadd.s32 v8, v5;
	v8 =	vld [tilespmem:s23+$0x4E80]  }
0x1f8: {  	v5 =	vadd.s32 v9, v5;
	v9 =	vld [tilespmem:s23+$0x4F80]  }
0x1f9: {  	v5 =	vadd.s32 v10, v5;
	v10 =	vld [tilespmem:s23+$0x5080]  }
0x1fa: {  	v5 =	vadd.s32 v6, v5  }
0x1fb: {  	v5 =	vadd.s32 v7, v5  }
0x1fc: {  	v5 =	vadd.s32 v8, v5  }
0x1fd: {  	v5 =	vadd.s32 v9, v5  }
0x1fe: {  	v5 =	vadd.s32 v10, v5  }
0x1ff: {  	(xrf0) =	vadd.scan.msk.s32 $0xffff, v5;
	_ =	sdelay $0x1  }
0x200: {  	s20 =	smov.u32 @p1 s22  }
0x201: {  	s19 =	smov.u32 @p0 s20  }
0x202: {  	s0 =	smov.u32 @p2 s19  }
0x203: {  	s17 =	smov.u32 @p3 s0  }
0x204: {  	s0 =	ssub.s32 $0x800, s17;
	v6, _, _ =	vpop (xrf0)  }
0x205: {  	vm10 =	vlt.s32 v6, s0  }
0x206: {  	v7 =	vmpcnt.ones.xlane vm10;
	_ =	sdelay $0x1  }
0x207: {  	(v2sf) =	vpush v7, $0x0;
	_ =	sdelay $0xb  }
0x208: {  	s24 =	simm.s32 $0x1000  }
0x209: {  	v8 =	vld [tilespmem:s24+$0x0];
	_ =	sdelay $0x1  }
0x20a: {  	s25 =	spop (v2sf)  }
0x20b: {  	s1 =	sadd.s32 s25, s21  }
0x20c: {  	s1 =	sadd.s32 $0xFFFFFF80, s1  }
0x20d: {  	v9 =	vshra.s32 v8, $0x18;
	v7 =	vmov s1  }
0x20e: {  	s18 =	simm.s32 $0x0;
	vm11 =	veq.s32 v9, v7  }
0x20f: {  	s26 =	sand.u32 $0x3F0, s18;
	[tilespmem:s18+$0x3100] =	vst.msk vm11, v8  }
0x210: {  	v8 =	vld [tilespmem:s26+$0x1400];
	_ =	sdelay $0x4  }
0x211: {  	v9 =	vshra.s32 v8, $0x18  }
0x212: {  	vm1 =	veq.s32 v9, v7  }
0x213: {  	[tilespmem:s18+$0x3510] =	vst.msk vm1, v8  }
0x214: {  	v8 =	vld [tilespmem:s26+$0x1800];
	_ =	sdelay $0x3  }
0x215: {  	v9 =	vmpcnt.ones.xlane vm11  }
0x216: {  	v10 =	vshra.s32 v8, $0x18  }
0x217: {  	(v2sf) =	vpush v9, $0x0;
	vm12 =	veq.s32 v10, v7  }
0x218: {  	[tilespmem:s18+$0x3920] =	vst.msk vm12, v8  }
0x219: {  	v8 =	vld [tilespmem:s26+$0x1C00];
	_ =	sdelay $0x2  }
0x21a: {  	v9 =	vmpcnt.ones.xlane vm12  }
0x21b: {  	v10 =	vmpcnt.ones.xlane vm1  }
0x21c: {  	(v2sf) =	vpush v9, $0x0;
	v9 =	vshra.s32 v8, $0x18  }
0x21d: {  	(v2sf) =	vpush v10, $0x0;
	vm13 =	veq.s32 v9, v7  }
0x21e: {  	s22 =	simm.s32 $0x1010;
	[tilespmem:s18+$0x3D30] =	vst.msk vm13, v8;
	v8 =	vmpcnt.ones.xlane vm13  }
0x21f: {  	v9 =	vld [tilespmem:s22+$0x0]  }
0x220: {  	(v2sf) =	vpush v8, $0x0;
	_ =	sdelay $0x3  }
0x221: {  	s28 =	spop (v2sf);
	v8 =	vshra.s32 v9, $0x18  }
0x222: {  	s29 =	simm.s32 $0x10;
	s19 =	sadd.s32 $0x0, s28;
	vm14 =	veq.s32 v8, v7  }
0x223: {  	s23 =	sand.u32 $0x3F0, s29;
	[tilespmem:s19+$0x3100] =	vst.msk vm14, v9  }
0x224: {  	v10 =	vmpcnt.ones.xlane vm14;
	v8 =	vld [tilespmem:s23+$0x1400];
	_ =	sdelay $0x1  }
0x225: {  	(v2sf) =	vpush v10, $0x0;
	_ =	sdelay $0x1  }
0x226: {  	s30 =	spop (v2sf)  }
0x227: {  	s31 =	spop (v2sf);
	v9 =	vshra.s32 v8, $0x18  }
0x228: {  	s20 =	sadd.s32 $0x0, s31;
	vm15 =	veq.s32 v9, v7  }
0x229: {  	[tilespmem:s20+$0x3510] =	vst.msk vm15, v8  }
0x22a: {  	s21 =	sadd.s32 $0x0, s30;
	v8 =	vmov s0;
	s0 =	simm.s32 $0x20;
	v9 =	vmpcnt.ones.xlane vm15;
	v10 =	vld [tilespmem:s23+$0x1800];
	s1 =	spop (v2sf)  }
.LBB2_8:
0x22b: {  	p0 =	sne.s32 s0, $0x3F0  }
0x22c: {  	s18 =	sadd.s32 s18, s1;
	s1 =	smov.u32 s0;
	s0 =	sadd.s32 $0x10, s0  }
0x22d: {  	_ =	sdelay $0x2  }
0x22e: {  	v11 =	vshra.s32 v10, $0x18  }
0x22f: {  	vm0 =	veq.s32 v11, v7  }
0x230: {  	[tilespmem:s21+$0x3920] =	vst.msk vm0, v10;
	v10 =	vmpcnt.ones.xlane vm0  }
0x231: {  	v11 =	vld [tilespmem:s23+$0x1C00];
	s3 =	spop (v2sf)  }
0x232: {  	s19 =	sadd.s32 s19, s3;
	(v2sf) =	vpush v10, $0x0;
	_ =	sdelay $0x3  }
0x233: {  	v10 =	vshra.s32 v11, $0x18  }
0x234: {  	vm0 =	veq.s32 v10, v7;
	(v2sf) =	vpush v9, $0x0  }
0x235: {  	s22 =	sadd.s32 $0x10, s22;
	[tilespmem:s18+$0x3D30] =	vst.msk vm0, v11;
	v9 =	vmpcnt.ones.xlane vm0  }
0x236: {  	v10 =	vld [tilespmem:s22+$0x0]  }
0x237: {  	(v2sf) =	vpush v9, $0x0;
	_ =	sdelay $0x3  }
0x238: {  	v9 =	vshra.s32 v10, $0x18  }
0x239: {  	vm0 =	veq.s32 v9, v7  }
0x23a: {  	s23 =	sand.u32 $0x3F0, s1;
	[tilespmem:s19+$0x3100] =	vst.msk vm0, v10;
	v9 =	vmpcnt.ones.xlane vm0  }
0x23b: {  	v10 =	vld [tilespmem:s23+$0x1400];
	s1 =	spop (v2sf)  }
0x23c: {  	(v2sf) =	vpush v9, $0x0;
	s21 =	sadd.s32 s21, s1;
	_ =	sdelay $0x2  }
.Ltmp8:
0x23d: {  	(pc) =	sbr.rel @p0 .LBB2_8-.Ltmp8, $4  }
0x23e: {  	v9 =	vshra.s32 v10, $0x18;
	s1 =	spop (v2sf)  }
0x23f: {  	vm0 =	veq.s32 v9, v7;
	s20 =	sadd.s32 s20, s1  }
0x240: {  	[tilespmem:s20+$0x3510] =	vst.msk vm0, v10;
	v9 =	vmpcnt.ones.xlane vm0  }
0x241: {  	v10 =	vld [tilespmem:s23+$0x1800];
	s1 =	spop (v2sf)  }
0x242: {  	_ =	sdelay $0x3  }
0x243: {  	v11 =	vshra.s32 v10, $0x18  }
0x244: {  	vm0 =	veq.s32 v11, v7  }
0x245: {  	[tilespmem:s21+$0x3920] =	vst.msk vm0, v10  }
0x246: {  	v10 =	vld [tilespmem:s23+$0x1C00];
	_ =	sdelay $0x2  }
0x247: {  	vm1 =	vlt.s32 v6, v8  }
0x248: {  	v5 =	vnsel vm1, $0x0, v5  }
0x249: {  	(xrf0) =	vadd.scan.msk.s32 $0xffff, v5;
	v5 =	vmpcnt.ones.xlane vm0;
	v6 =	vshra.s32 v10, $0x18  }
0x24a: {  	vm15 =	veq.s32 v6, v7  }
0x24b: {  	(v2sf) =	vpush v5, $0x0;
	v5 =	vmpcnt.ones.xlane vm15;
	_ =	sdelay $0x2  }
0x24c: {  	(v2sf) =	vpush v9, $0x0  }
0x24d: {  	(v2sf) =	vpush v5, $0x0;
	v5, _, _ =	vpop (xrf0)  }
0x24e: {  	(v2sf) =	vpush v5, $0xF;
	_ =	sdelay $0x5  }
0x24f: {  	s0 =	spop (v2sf)  }
0x250: {  	s0 =	sadd.s32 s19, s0  }
0x251: {  	s3 =	sadd.s32 $0xF, s0  }
0x252: {  	s3 =	sshra.s32 s3, $0x4  }
0x253: {  	p0 =	slt.s32 s3, $0x1  }
.Ltmp9:
0x254: {  	_ = 	snop;
	(pc) =	sbr.rel @p0 .LBB2_12-.Ltmp9, $4  }
0x255: {  	s10 =	spop (v2sf)  }
0x256: {  	s30 =	spop (v2sf)  }
0x257: {  	s1 =	sadd.s32 s18, s1;
	s21 =	sadd.s32 s21, s10;
	s31 =	spop (v2sf)  }
0x258: {  	[tilespmem:s1+$0x3D30] =	vst.msk vm15, v10;
	s20 =	sadd.s32 s20, s30;
	s18 =	sadd.s32 s1, s31;
	s19 =	spop (v2sf)  }
0x259: {  	s1 =	simm.s32 $0x3100  }
0x25a: {  	p0 =	sne.s32 s3, $0x1;
	v5 =	vld [tilespmem:s1+$0x0]  }
.Ltmp10:
0x25b: {  	_ = 	snop;
	(pc) =	sbr.rel @!p0 .LBB2_12-.Ltmp10, $3  }
0x25c: {  	_ =	sdelay $0x1  }
0x25d: {  	s1 =	simm.s32 $0x2080  }
0x25e: {  	s3 =	sadd.s32 $0xFFFFFFFF, s3;
	s10 =	simm.s32 $0x3110;
	[tilespmem:s1+$0x0] =	vst v5  }
.LBB2_11:
0x25f: {  	v5 =	vld [tilespmem:s10+$0x0];
	p0 =	sne.s32 s3, $0x1;
	s3 =	sadd.s32 $0xFFFFFFFF, s3  }
.Ltmp11:
0x260: {  	(pc) =	sbr.rel @p0 .LBB2_11-.Ltmp11, $3  }
0x261: {  	_ =	sdelay $0x1  }
0x262: {  	s1 =	sadd.s32 $0x10, s1  }
0x263: {  	s10 =	sadd.s32 $0x10, s10;
	[tilespmem:s1+$0x0] =	vst v5  }
.LBB2_12:
0x264: {  	s1 =	sadd.s32 $0xF, s20  }
0x265: {  	s3 =	sshra.s32 s1, $0x4  }
0x266: {  	p0 =	slt.s32 s3, $0x1  }
.Ltmp12:
0x267: {  	_ = 	snop;
	(pc) =	sbr.rel @p0 .LBB2_15-.Ltmp12, $1  }
0x268: {  	_ =	sdelay $0x3  }
0x269: {  	s1 =	simm.s32 $0x3510  }
0x26a: {  	p0 =	sne.s32 s3, $0x1;
	v5 =	vld [tilespmem:s1+$0x0]  }
.Ltmp13:
0x26b: {  	_ = 	snop;
	(pc) =	sbr.rel @!p0 .LBB2_15-.Ltmp13, $3  }
0x26c: {  	_ =	sdelay $0x1  }
0x26d: {  	s1 =	sadd.s32 $0x2080, s0  }
0x26e: {  	s3 =	sadd.s32 $0xFFFFFFFF, s3;
	s10 =	simm.s32 $0x3520;
	[tilespmem:s1+$0x0] =	vst v5  }
.LBB2_14:
0x26f: {  	v5 =	vld [tilespmem:s10+$0x0];
	p0 =	sne.s32 s3, $0x1;
	s3 =	sadd.s32 $0xFFFFFFFF, s3  }
.Ltmp14:
0x270: {  	(pc) =	sbr.rel @p0 .LBB2_14-.Ltmp14, $3  }
0x271: {  	_ =	sdelay $0x1  }
0x272: {  	s1 =	sadd.s32 $0x10, s1  }
0x273: {  	s10 =	sadd.s32 $0x10, s10;
	[tilespmem:s1+$0x0] =	vst v5  }
.LBB2_15:
0x274: {  	s1 =	sadd.s32 $0xF, s21  }
0x275: {  	s3 =	sshra.s32 s1, $0x4  }
0x276: {  	p0 =	slt.s32 s3, $0x1  }
.Ltmp15:
0x277: {  	_ = 	snop;
	(pc) =	sbr.rel @p0 .LBB2_18-.Ltmp15, $2  }
0x278: {  	_ =	sdelay $0x2  }
0x279: {  	s0 =	sadd.s32 s0, s20  }
0x27a: {  	s1 =	simm.s32 $0x3920  }
0x27b: {  	p0 =	sne.s32 s3, $0x1;
	v5 =	vld [tilespmem:s1+$0x0]  }
.Ltmp16:
0x27c: {  	_ = 	snop;
	(pc) =	sbr.rel @!p0 .LBB2_18-.Ltmp16, $3  }
0x27d: {  	_ =	sdelay $0x1  }
0x27e: {  	s1 =	sadd.s32 $0x2080, s0  }
0x27f: {  	s3 =	sadd.s32 $0xFFFFFFFF, s3;
	s10 =	simm.s32 $0x3930;
	[tilespmem:s1+$0x0] =	vst v5  }
.LBB2_17:
0x280: {  	v5 =	vld [tilespmem:s10+$0x0];
	p0 =	sne.s32 s3, $0x1;
	s3 =	sadd.s32 $0xFFFFFFFF, s3  }
.Ltmp17:
0x281: {  	(pc) =	sbr.rel @p0 .LBB2_17-.Ltmp17, $3  }
0x282: {  	_ =	sdelay $0x1  }
0x283: {  	s1 =	sadd.s32 $0x10, s1  }
0x284: {  	s10 =	sadd.s32 $0x10, s10;
	[tilespmem:s1+$0x0] =	vst v5  }
.LBB2_18:
0x285: {  	s1 =	sadd.s32 $0xF, s18  }
0x286: {  	s3 =	sshra.s32 s1, $0x4  }
0x287: {  	p0 =	slt.s32 s3, $0x1  }
.Ltmp18:
0x288: {  	_ = 	snop;
	(pc) =	sbr.rel @p0 .LBB2_21-.Ltmp18, $2  }
0x289: {  	_ =	sdelay $0x2  }
0x28a: {  	s0 =	sadd.s32 s21, s0  }
0x28b: {  	s1 =	simm.s32 $0x3D30  }
0x28c: {  	p0 =	sne.s32 s3, $0x1;
	v5 =	vld [tilespmem:s1+$0x0]  }
.Ltmp19:
0x28d: {  	_ = 	snop;
	(pc) =	sbr.rel @!p0 .LBB2_21-.Ltmp19, $3  }
0x28e: {  	_ =	sdelay $0x1  }
0x28f: {  	s1 =	sadd.s32 $0x2080, s0  }
0x290: {  	s3 =	sadd.s32 $0xFFFFFFFF, s3;
	s10 =	simm.s32 $0x3D40;
	[tilespmem:s1+$0x0] =	vst v5  }
.LBB2_20:
0x291: {  	v5 =	vld [tilespmem:s10+$0x0];
	p0 =	sne.s32 s3, $0x1;
	s3 =	sadd.s32 $0xFFFFFFFF, s3  }
.Ltmp20:
0x292: {  	(pc) =	sbr.rel @p0 .LBB2_20-.Ltmp20, $3  }
0x293: {  	_ =	sdelay $0x1  }
0x294: {  	s1 =	sadd.s32 $0x10, s1  }
0x295: {  	s10 =	sadd.s32 $0x10, s10;
	[tilespmem:s1+$0x0] =	vst v5  }
.LBB2_21:
0x296: {  	s1 =	sadd.s32 s18, s0  }
0x297: {  	p1 =	slt.s32 s1, $0x11  }
.Ltmp21:
0x298: {  	_ = 	snop;
	(pc) =	sbr.rel @p1 .LBB2_43-.Ltmp21, $4  }
.Ltmp22:
0x299: {  	_ = 	snop;
	(pc) =	sbr.rel @!p1 .LBB2_22-.Ltmp22, $4  }
0x29a: {  	_ = 	snop  }
0x29b: {  	s3 =	sadd.s32 s19, s17;
	p0 =	por $0x1, $0x1;
	s19 =	simm.s32 $0x0  }
0x29c: {  	s17 =	simm.s32 $0x0;
	s18 =	ssub.s32 $0x800, s3;
	s0 =	smov.u32 s1  }
0x29d: {  	_ = 	snop  }
.LBB2_41:
0x29e: {  	s3 =	sld [smem:$0x7FD];
	_ =	sdelay $0x1  }
0x29f: {  	s21 =	smov.u32 @p5 s23;
	s26 =	smov.u32 @p2 s28  }
0x2a0: {  	p5 =	slt.s32 s0, $0x11;
	p6 =	sgt.u32 s19, $0x3E;
	p1 =	seq.s32 s3, $0x1  }
0x2a1: {  	s24 =	smov.u32 @p1 s26;
	p1 =	por p5, p6  }
0x2a2: {  	p1 =	por p1, p0  }
.Ltmp23:
0x2a3: {  	_ = 	snop;
	(pc) =	sbr.rel @p1 .LBB2_42-.Ltmp23, $4  }
0x2a4: {  	_ = 	snop  }
0x2a5: {  	s24 =	simm.s32 @!p3 $0x0  }
0x2a6: {  	s21 =	smov.u32 @p4 s22;
	s18 =	ssub.s32 s18, s24  }
0x2a7: {  	s19 =	sadd.s32 $0x1, s19;
	s17 =	smov.u32 @p0 s21;
	s18 =	simm.s32 @p0 $0x1  }
.LBB2_22:
0x2a8: {  	v5 =	vld [tilespmem:$0x2080];
	_ =	sdelay $0x4  }
0x2a9: {  	v6 =	vxor.u32 $0x80000000, v5  }
0x2aa: {  	(xrf1) =	vsort.ascd.msk.u32 $0xffff, v6, v5;
	_ =	sdelay $0xd  }
0x2ab: {  	v5, _, _ =	vpop (xrf1)  }
0x2ac: {  	v6 =	vxor.u32 $0x80000000, v5  }
0x2ad: {  	(v2sf) =	vpush v6, $0x4  }
0x2ae: {  	(v2sf) =	vpush v6, $0x8  }
0x2af: {  	(v2sf) =	vpush v6, $0xC;
	_ =	sdelay $0x7  }
0x2b0: {  	s0 =	sadd.s32 $0xF, s1  }
0x2b1: {  	s24 =	sshra.s32 s0, $0x4  }
0x2b2: {  	p0 =	slt.s32 s24, $0x1  }
.Ltmp24:
0x2b3: {  	_ = 	snop;
	(pc) =	sbr.rel @p0 .LBB2_23-.Ltmp24, $4  }
0x2b4: {  	_ = 	snop  }
0x2b5: {  	s22 =	spop (v2sf)  }
0x2b6: {  	s23 =	spop (v2sf)  }
0x2b7: {  	s21 =	spop (v2sf)  }
0x2b8: {  	p2 =	sne.s32 s24, $0x1  }
.Ltmp25:
0x2b9: {  	_ = 	snop;
	(pc) =	sbr.rel @!p2 .LBB2_25-.Ltmp25, $3  }
0x2ba: {  	_ =	sdelay $0x1  }
0x2bb: {  	s0 =	simm.s32 $0x2080;
	v5 =	vbroadcast v6, $0x8  }
0x2bc: {  	v7 =	vbroadcast v6, $0x4;
	v8 =	vbroadcast v6, $0xC;
	v6 =	vimm.s32 $0x0;
	p1 =	por $0x0, $0x0;
	v9 =	vld [tilespmem:s0+$0x0];
	s0 =	sadd.s32 $0xFFFFFFFF, s24  }
0x2bd: {  	_ = 	snop  }
0x2be: {  	p2 =	sne.s32 s0, $0x1  }
.Ltmp26:
0x2bf: {  	v10 =	vmov s1;
	v12 =	vimm.s32 $0x0;
	v11 =	vimm.s32 $0x0;
	(pc) =	sbr.rel @!p2 .LBB2_27-.Ltmp26, $4  }
0x2c0: {  	v13 =	vimm.s32 $0x0;
	v14 =	vimm.s32 $0x0;
	vm0 =	vgt.s32 v10, v0  }
0x2c1: {  	v16 =	vimm.s32 $0x0;
	v10 =	vimm.s32 $0x0;
	v15 =	vnsel vm0, $0x7FFFFFFF, v9  }
0x2c2: {  	s25 =	simm.s32 $0x2090;
	vm1 =	vlt.s32 v15, v7;
	vm0 =	vlt.s32 v15, v5;
	vm4 =	veq.s32 v15, v8  }
0x2c3: {  	s20 =	sadd.s32 $0xFFFFFFFF, s0;
	p1 =	por $0x1, $0x1;
	s0 =	smov.u32 s1;
	v9 =	vld [tilespmem:s25+$0x0];
	vm2 =	vlt.s32 v15, v8;
	vm3 =	veq.s32 v15, v7;
	v17 =	vsel vm4, $0x1, v1  }
.LBB2_28:
0x2c4: {  	p2 =	sne.s32 s20, $0x1;
	v18 =	vsel vm1, $0x1, v1;
	vm1 =	veq.s32 v15, v5;
	v12 =	vadd.s32 v17, v12  }
0x2c5: {  	v15 =	vsel vm0, $0x1, v1;
	v17 =	vsel vm2, $0x1, v1;
	v19 =	vsel vm3, $0x1, v1;
	s0 =	sadd.s32 $0xFFFFFFF0, s0  }
.Ltmp27:
0x2c6: {  	v20 =	vmov s0;
	v10 =	vadd.s32 v18, v10;
	v18 =	vsel vm1, $0x1, v1;
	(pc) =	sbr.rel @p2 .LBB2_28-.Ltmp27, $4  }
0x2c7: {  	v11 =	vadd.s32 v15, v11;
	v13 =	vadd.s32 v17, v13;
	vm0 =	vgt.s32 v20, v0  }
0x2c8: {  	v14 =	vadd.s32 v19, v14;
	v16 =	vadd.s32 v18, v16;
	v15 =	vnsel vm0, $0x7FFFFFFF, v9  }
0x2c9: {  	s25 =	sadd.s32 $0x10, s25;
	vm1 =	vlt.s32 v15, v7;
	vm0 =	vlt.s32 v15, v5;
	vm4 =	veq.s32 v15, v8  }
0x2ca: {  	s20 =	sadd.s32 $0xFFFFFFFF, s20;
	vm2 =	vlt.s32 v15, v8;
	vm3 =	veq.s32 v15, v7;
	v9 =	vld [tilespmem:s25+$0x0];
	v17 =	vsel vm4, $0x1, v1  }
.LBB2_29:
0x2cb: {  	v18 =	vsel @p1 vm1, $0x1, v1;
	vm1 =	veq.s32 @p1 v15, v5;
	v12 =	vadd.s32 @p1 v17, v12  }
0x2cc: {  	s0 =	sadd.s32 @p1 $0xFFFFFFF0, s0;
	s3 =	smov.u32 s1;
	v15 =	vsel @p1 vm0, $0x1, v1;
	v17 =	vsel @p1 vm2, $0x1, v1;
	v19 =	vsel @p1 vm3, $0x1, v1  }
0x2cd: {  	s3 =	smov.u32 @p1 s0;
	v10 =	vadd.s32 @p1 v18, v10;
	v18 =	vsel @p1 vm1, $0x1, v1;
	v11 =	vadd.s32 @p1 v15, v11  }
0x2ce: {  	v13 =	vadd.s32 @p1 v17, v13;
	v14 =	vadd.s32 @p1 v19, v14;
	v20 =	vmov s3  }
0x2cf: {  	v15 =	vadd.s32 @p1 v18, v16;
	v10 =	vpsel p1, v10, v6;
	vm11 =	vgt.s32 v20, v0  }
0x2d0: {  	v11 =	vpsel p1, v11, v6;
	v61 =	vpsel p1, v13, v6;
	v9 =	vnsel vm11, $0x7FFFFFFF, v9  }
0x2d1: {  	v62 =	vpsel p1, v14, v6;
	v63 =	vpsel p1, v15, v6;
	vm0 =	vlt.s32 v9, v7  }
0x2d2: {  	vm12 =	vlt.s32 v9, v5;
	vm13 =	veq.s32 v9, v8;
	vm14 =	vlt.s32 v9, v8  }
.Ltmp28:
0x2d3: {  	vm4 =	veq.s32 v9, v7;
	v8 =	vpsel p1, v12, v6;
	vm15 =	veq.s32 v9, v5;
	(pc) =	sbr.rel .LBB2_30-.Ltmp28, $4  }
0x2d4: {  	v7 =	vsel vm13, $0x1, v1;
	v6 =	vsel vm0, $0x1, v1;
	v9 =	vsel vm4, $0x1, v1  }
0x2d5: {  	v5 =	vadd.s32 v7, v8;
	v7 =	vsel vm12, $0x1, v1;
	v8 =	vsel vm14, $0x1, v1  }
0x2d6: {  	v6 =	vadd.s32 v6, v10;
	v10 =	vsel vm15, $0x1, v1;
	v9 =	vadd.s32 v9, v62  }
0x2d7: {  	v7 =	vadd.s32 v7, v11;
	v8 =	vadd.s32 v8, v61;
	v10 =	vadd.s32 v10, v63  }
.LBB2_23:
0x2d8: {  	v6 =	vimm.s32 $0x0;
	v7 =	vimm.s32 $0x0;
	v8 =	vimm.s32 $0x0  }
0x2d9: {  	v9 =	vimm.s32 $0x0;
	v10 =	vimm.s32 $0x0;
	v5 =	vimm.s32 $0x0  }
.LBB2_30:
0x2da: {  	(xrf0) =	vadd.scan.msk.s32 $0xffff, v6  }
0x2db: {  	(xrf0) =	vadd.scan.msk.s32 $0xffff, v7  }
0x2dc: {  	(xrf0) =	vadd.scan.msk.s32 $0xffff, v8  }
0x2dd: {  	(xrf0) =	vadd.scan.msk.s32 $0xffff, v9  }
0x2de: {  	(xrf0) =	vadd.scan.msk.s32 $0xffff, v10  }
0x2df: {  	(xrf0) =	vadd.scan.msk.s32 $0xffff, v5  }
0x2e0: {  	v5, _, _ =	vpop (xrf0)  }
0x2e1: {  	v6, _, _ =	vpop (xrf0);
	(v2sf) =	vpush v5, $0xF  }
0x2e2: {  	v5, _, _ =	vpop (xrf0);
	(v2sf) =	vpush v6, $0xF  }
0x2e3: {  	v6, _, _ =	vpop (xrf0);
	(v2sf) =	vpush v5, $0xF  }
0x2e4: {  	v5, _, _ =	vpop (xrf0);
	(v2sf) =	vpush v6, $0xF  }
0x2e5: {  	(v2sf) =	vpush v5, $0xF;
	v5, _, _ =	vpop (xrf0)  }
0x2e6: {  	(v2sf) =	vpush v5, $0xF;
	_ =	sdelay $0x9  }
0x2e7: {  	s25 =	spop (v2sf)  }
.Ltmp29:
0x2e8: {  	s26 =	spop (v2sf);
	(pc) =	sbr.rel @p0 .LBB2_31-.Ltmp29, $4  }
0x2e9: {  	s28 =	spop (v2sf)  }
0x2ea: {  	s29 =	spop (v2sf)  }
0x2eb: {  	p1 =	sgt.s32 s18, s25;
	s30 =	spop (v2sf)  }
0x2ec: {  	p3 =	sgt.s32 s18, s26;
	p2 =	sgt.s32 s18, s28;
	s31 =	spop (v2sf)  }
0x2ed: {  	s0 =	smov.u32 s21;
	p4 =	sne.s32 s24, $0x1  }
.Ltmp30:
0x2ee: {  	s3 =	smov.u32 s23;
	s10 =	smov.u32 s23;
	(pc) =	sbr.rel @!p4 .LBB2_33-.Ltmp30, $4  }
0x2ef: {  	s20 =	smov.u32 s22;
	s0 =	simm.s32 @p2 $0x7FFFFFFF;
	s10 =	smov.u32 @p2 s21  }
0x2f0: {  	s3 =	smov.u32 @p3 s0;
	s0 =	smov.u32 s22;
	s20 =	smov.u32 @p3 s10  }
0x2f1: {  	s10 =	simm.s32 $0x2080;
	s0 =	smov.u32 @p1 s3;
	s20 =	simm.s32 @!p1 $0x80000000  }
0x2f2: {  	p0 =	por $0x0, $0x0;
	v7 =	vld [tilespmem:s10+$0x0];
	s3 =	sadd.s32 $0xFFFFFFFF, s24;
	v5 =	vmov s20;
	v6 =	vmov s0;
	s0 =	simm.s32 $0x0  }
0x2f3: {  	_ =	sdelay $0x2  }
0x2f4: {  	v8 =	vmov s1  }
0x2f5: {  	vm0 =	vgt.s32 v8, v0;
	vm1 =	vgt.s32 v7, v5  }
0x2f6: {  	vm2 =	vlt.s32 v7, v6;
	vm0 =	vmand vm1, vm0  }
0x2f7: {  	vm0 =	vmand vm0, vm2  }
0x2f8: {  	v8 =	vmpcnt.ones.xlane vm0;
	_ =	sdelay $0x1  }
0x2f9: {  	(v2sf) =	vpush v8, $0x0  }
0x2fa: {  	p4 =	sne.s32 s3, $0x1  }
.Ltmp31:
0x2fb: {  	_ = 	snop;
	(pc) =	sbr.rel @!p4 .LBB2_35-.Ltmp31, $3  }
0x2fc: {  	_ =	sdelay $0x1  }
0x2fd: {  	s10 =	simm.s32 $0x2090;
	s3 =	sadd.s32 $0xFFFFFFFF, s3;
	[tilespmem:s0+$0x3100] =	vst.msk vm0, v7  }
0x2fe: {  	p0 =	por $0x1, $0x1;
	s20 =	smov.u32 s1;
	s24 =	simm.s32 $0x0;
	v7 =	vld [tilespmem:s10+$0x0]  }
.LBB2_36:
0x2ff: {  	p4 =	sne.s32 s3, $0x1;
	_ =	sdelay $0x1  }
0x300: {  	s20 =	sadd.s32 $0xFFFFFFF0, s20  }
0x301: {  	v8 =	vmov s20  }
0x302: {  	vm0 =	vgt.s32 v8, v0;
	vm1 =	vgt.s32 v7, v5  }
0x303: {  	vm2 =	vlt.s32 v7, v6;
	vm0 =	vmand vm1, vm0  }
0x304: {  	vm0 =	vmand vm0, vm2  }
0x305: {  	v8 =	vmpcnt.ones.xlane vm0  }
0x306: {  	s5 =	spop (v2sf)  }
0x307: {  	(v2sf) =	vpush v8, $0x0;
	s24 =	sadd.s32 s24, s5  }
0x308: {  	[tilespmem:s24+$0x3100] =	vst.msk vm0, v7  }
.Ltmp32:
0x309: {  	(pc) =	sbr.rel @p4 .LBB2_36-.Ltmp32, $3  }
0x30a: {  	_ =	sdelay $0x1  }
0x30b: {  	s10 =	sadd.s32 $0x10, s10  }
0x30c: {  	s3 =	sadd.s32 $0xFFFFFFFF, s3;
	v7 =	vld [tilespmem:s10+$0x0]  }
.LBB2_37:
0x30d: {  	_ = 	snop  }
0x30e: {  	s3 =	sadd.s32 @p0 $0xFFFFFFF0, s20  }
0x30f: {  	s1 =	smov.u32 @p0 s3  }
0x310: {  	v8 =	vmov s1  }
0x311: {  	vm0 =	vgt.s32 v8, v0;
	vm1 =	vgt.s32 v7, v5  }
0x312: {  	vm2 =	vlt.s32 v7, v6;
	vm0 =	vmand vm1, vm0  }
0x313: {  	vm0 =	vmand vm0, vm2  }
0x314: {  	v5 =	vmpcnt.ones.xlane vm0;
	_ =	sdelay $0x1  }
0x315: {  	(v2sf) =	vpush v5, $0x0;
	_ =	sdelay $0xb  }
.Ltmp33:
0x316: {  	_ = 	snop;
	(pc) =	sbr.rel .LBB2_38-.Ltmp33, $4  }
0x317: {  	s1 =	spop @p0 (v2sf)  }
0x318: {  	s1 =	sadd.s32 @p0 s24, s1  }
0x319: {  	s0 =	smov.u32 @p0 s1;
	s24 =	spop (v2sf)  }
0x31a: {  	[tilespmem:s0+$0x3100] =	vst.msk vm0, v7;
	s1 =	sadd.s32 s0, s24  }
.LBB2_31:
0x31b: {  	s1 =	simm.s32 $0x0  }
.LBB2_38:
0x31c: {  	s26 =	sadd.s32 s26, s30;
	s28 =	sadd.s32 s28, s31  }
0x31d: {  	s24 =	sadd.s32 s25, s29;
	s0 =	simm.s32 @!p3 $0x0;
	p5 =	sle.s32 s18, s26  }
0x31e: {  	p0 =	sle.s32 s18, s28;
	p4 =	sle.s32 s18, s24;
	s0 =	simm.s32 @p3 $0x1  }
0x31f: {  	p6 =	por !p3, !p5;
	p0 =	por !p2, !p0;
	p3 =	por p1, p1  }
0x320: {  	p1 =	por !p1, !p4;
	p6 =	por !p6, !p6;
	p0 =	por !p0, !p0  }
0x321: {  	p1 =	por !p1, !p1;
	p0 =	por p6, p0  }
0x322: {  	[smem:$0x7FD] =	sst s0;
	s0 =	smov.u32 s1;
	p0 =	por p1, p0  }
0x323: {  	s0 =	simm.s32 @p0 $0x1  }
0x324: {  	s3 =	sadd.s32 $0xF, s0  }
0x325: {  	s10 =	sshra.s32 s3, $0x4  }
0x326: {  	p1 =	slt.s32 s10, $0x1  }
.Ltmp34:
0x327: {  	_ = 	snop;
	(pc) =	sbr.rel @p1 .LBB2_41-.Ltmp34, $1  }
0x328: {  	_ =	sdelay $0x3  }
0x329: {  	s3 =	simm.s32 $0x3100  }
0x32a: {  	p1 =	sne.s32 s10, $0x1;
	v5 =	vld [tilespmem:s3+$0x0]  }
.Ltmp35:
0x32b: {  	_ = 	snop;
	(pc) =	sbr.rel @!p1 .LBB2_41-.Ltmp35, $3  }
0x32c: {  	_ =	sdelay $0x1  }
0x32d: {  	s3 =	simm.s32 $0x2080  }
0x32e: {  	s10 =	sadd.s32 $0xFFFFFFFF, s10;
	s20 =	simm.s32 $0x3110;
	[tilespmem:s3+$0x0] =	vst v5  }
.LBB2_40:
0x32f: {  	v5 =	vld [tilespmem:s20+$0x0];
	p1 =	sne.s32 s10, $0x1;
	s10 =	sadd.s32 $0xFFFFFFFF, s10  }
.Ltmp36:
0x330: {  	(pc) =	sbr.rel @p1 .LBB2_40-.Ltmp36, $3  }
0x331: {  	_ =	sdelay $0x1  }
0x332: {  	s3 =	sadd.s32 $0x10, s3  }
0x333: {  	s20 =	sadd.s32 $0x10, s20;
	[tilespmem:s3+$0x0] =	vst v5  }
.Ltmp37:
0x334: {  	_ = 	snop;
	(pc) =	sbr.rel .LBB2_41-.Ltmp37, $1  }
0x335: {  	_ =	sdelay $0x3  }
.LBB2_25:
.Ltmp38:
0x336: {  	(pc) =	sbr.rel .LBB2_29-.Ltmp38, $3  }
0x337: {  	_ =	sdelay $0x1  }
0x338: {  	v12 =	vimm.s32 $0x0;
	v10 =	vimm.s32 $0x0;
	v11 =	vimm.s32 $0x0  }
0x339: {  	s0 =	smov.u32 s1;
	v13 =	vimm.s32 $0x0;
	v14 =	vimm.s32 $0x0;
	v16 =	vimm.s32 $0x0  }
.LBB2_33:
.Ltmp39:
0x33a: {  	(pc) =	sbr.rel .LBB2_37-.Ltmp39, $2  }
0x33b: {  	_ =	sdelay $0x2  }
0x33c: {  	s20 =	smov.u32 s1;
	s24 =	simm.s32 $0x0  }
.LBB2_27:
.Ltmp40:
0x33d: {  	(pc) =	sbr.rel .LBB2_29-.Ltmp40, $3  }
0x33e: {  	_ =	sdelay $0x1  }
0x33f: {  	v12 =	vimm.s32 $0x0;
	v10 =	vimm.s32 $0x0;
	v11 =	vimm.s32 $0x0  }
0x340: {  	s0 =	smov.u32 s1;
	v13 =	vimm.s32 $0x0;
	v14 =	vimm.s32 $0x0;
	v16 =	vimm.s32 $0x0  }
.LBB2_35:
.Ltmp41:
0x341: {  	(pc) =	sbr.rel .LBB2_37-.Ltmp41, $2  }
0x342: {  	_ =	sdelay $0x2  }
0x343: {  	s20 =	smov.u32 s1;
	s24 =	simm.s32 $0x0  }
.LBB2_46:
0x344: {  	_ =	sfence.sel $0x180000  }
0x345: {  	[bflag:$0x0] =	sbarrier.arrive $0xFFFF  }
0x346: {  	_ =	strace $0x90000047  }
0x347: {  	s0 =	stileid.u32;
	[bflag:$0x2] =	sbarrier.arrive $0xFFFF  }
0x348: {  	p0 =	sne.s32 s0, $0x0;
	s0 =	rddreg [dreg:$0x2]  }
0x349: {  	s0 =	sadd.s32 @!p0 $0x100000, s0  }
0x34a: {  	[sflag:s0] =	ssyncadd.tile.s32 @!p0 $0x1;
	_ =	shalt  }
.Lfunc_end2:
_tile_overlayer_lowered:
.L_overlay_start_2:
0x34b: {  	(tag) =	ssettag $0x2  }
0x34c: {  	s0 =	rddreg [dreg:$0x0];
	s2 =	stileid.u32  }
0x34d: {  	s1 =	rddreg [dreg:$0x1];
	p0 =	sne.s32 s2, $0x0  }
0x34e: {  	s3 =	rddreg [dreg:$0x2];
	[bflag:$0x3] =	sbarrier.arrive $0xFFFF;
	s2 =	simm.s32 @!p0 $0x1C01  }
0x34f: {  	[timem:s3], [sflag:s2] =	dma.local @!p0 [hbm:s0], s1  }
0x350: {  	s0 =	simm.s32 @!p0 $0x1  }
0x351: {  	_ =	swait.ge @!p0 [sflag:s0], s1  }
0x352: {  	s1 =	ssub.s32 @!p0 $0x0, s1;
	[sflag:s0] =	ssyncset.done @!p0 $0x0  }
0x353: {  	[sflag:s0] =	ssyncadd.s32 @!p0 s1  }
0x354: {  	[bflag:$0x3] =	sbarrier.arrive $0xFFFF  }
0x355: {  	_ =	shalt  }

</sc_bundles>
